<compile_context>
chip_gen: v7x
topology: tpu7x:2x2x1
jax: 0.10.2.dev20260603
libtpu: 0.0.44.dev20260713+nightly
codegen_flags: <defaults>
</compile_context>

<pallas_src>
import functools

import jax
import jax.numpy as jnp
from jax import lax
from jax.experimental import pallas as pl
from jax.experimental.pallas import tpu as pltpu
from jax.experimental.pallas import tpu_sc as plsc

Y_MIN = -4.0
Y_MAX = 4.0
N_BINS = 8192
N_VALUES = 16777216
L = 16
NB_VREGS = N_BINS // L
CHUNK = 16384
SEARCH_STEPS = 13

G = 16384
P_PAD = G + L
NP = P_PAD // L
NPG = (NP + L - 1) // L


@functools.lru_cache(maxsize=None)
def _build():
    info = plsc.get_sparse_core_info()
    nc, ns = info.num_cores, info.num_subcores
    nw = nc * ns
    per_w = N_VALUES // nw
    n_chunks = per_w // CHUNK
    mesh = plsc.VectorSubcoreMesh(core_axis_name="c", subcore_axis_name="s")

    @functools.partial(
        pl.kernel,
        mesh=mesh,
        out_type=jax.ShapeDtypeStruct((N_VALUES,), jnp.int32),
        compiler_params=pltpu.CompilerParams(needs_layout_passes=False),
        scratch_types=[
            pltpu.VMEM((N_BINS,), jnp.float32),
            pltpu.VMEM((N_BINS,), jnp.float32),
            pltpu.VMEM((P_PAD,), jnp.int32),
            pltpu.VMEM((P_PAD,), jnp.float32),
            pltpu.VMEM((NB_VREGS,), jnp.float32),
            pltpu.VMEM((NPG * L,), jnp.int32),
            pltpu.VMEM((2 * CHUNK,), jnp.float32),
            pltpu.VMEM((2 * CHUNK,), jnp.int32),
            pltpu.SemaphoreType.DMA((2,)),
            pltpu.SemaphoreType.DMA((2,)),
            pltpu.SemaphoreType.DMA,
        ],
    )
    def bin_kernel(y_hbm, logits_hbm, out_hbm, lg_v, bnd_v, p_v, c_v, pref_f,
                   pref_p, y_v, o_v, isem, osem, lsem):
        wid = lax.axis_index("s") * nc + lax.axis_index("c")
        base = wid * per_w
        lane = lax.iota(jnp.int32, L)

        shuf_dnums = lax.GatherDimensionNumbers(
            offset_dims=(), collapsed_slice_dims=(0,), start_index_map=(0,))

        def shuf(x, idx):
            return lax.gather(x, idx[:, None], shuf_dnums, slice_sizes=(1,),
                              mode=lax.GatherScatterMode.PROMISE_IN_BOUNDS)

        def in_copy(ci, buf):
            return pltpu.make_async_copy(
                y_hbm.at[pl.ds(base + ci * CHUNK, CHUNK)],
                y_v.at[pl.ds(buf * CHUNK, CHUNK)], isem.at[buf])

        def out_copy(ci, buf):
            return pltpu.make_async_copy(
                o_v.at[pl.ds(buf * CHUNK, CHUNK)],
                out_hbm.at[pl.ds(base + ci * CHUNK, CHUNK)], osem.at[buf])

        in_copy(0, 0).start()
        in_copy(1, 1).start()

        lg_copy = pltpu.make_async_copy(
            logits_hbm, lg_v.at[pl.ds(0, N_BINS - 1)], lsem)
        lg_copy.start()

        zeros_i = jnp.zeros((L,), jnp.int32)
        ones_i = jnp.ones((L,), jnp.int32)
        last_lane = jnp.full((L,), L - 1, jnp.int32)

        def hs_scan(x, zero):
            for sh in (1, 2, 4, 8):
                x = x + jnp.where(lane >= sh, shuf(x, jnp.maximum(lane - sh, 0)), zero)
            return x

        inv_h = jnp.float32(G / (Y_MAX - Y_MIN))
        gmax = jnp.float32(G - 1)

        def cell_of(x):
            u = (x - Y_MIN) * inv_h
            u = jnp.minimum(jnp.maximum(u, 0.0), gmax)
            return u.astype(jnp.int32)

        big_f = jnp.full((L,), 3.0e38, jnp.float32)

        @plsc.parallel_loop(0, NP, unroll=4)
        def _init_tables(i):
            p_v[pl.ds(i * L, L)] = zeros_i
            c_v[pl.ds(i * L, L)] = big_f

        lg_copy.wait()

        @plsc.parallel_loop(0, NB_VREGS, unroll=4)
        def _exp_scan(i):
            x = lg_v[pl.ds(i * L, L)]
            e = jnp.where(i * L + lane < N_BINS - 1, jnp.exp(x), 0.0)
            lg_v[pl.ds(i * L, L)] = hs_scan(e, 0.0)

        def ftot_body(j, carry):
            tv = plsc.load_gather(lg_v, [j * (L * L) + lane * L + (L - 1)])
            inc = hs_scan(tv, 0.0)
            pref_f[pl.ds(j * L, L)] = inc - tv + carry
            return carry + shuf(inc, last_lane)

        tot = lax.fori_loop(0, NB_VREGS // L, ftot_body,
                            jnp.zeros((L,), jnp.float32))
        scale = (Y_MAX - Y_MIN) / tot

        @plsc.parallel_loop(0, NB_VREGS, unroll=4)
        def _emit_bounds(i):
            cs = lg_v[pl.ds(i * L, L)] + plsc.load_gather(pref_f, [zeros_i + i])
            b = jnp.where(i * L + lane < N_BINS - 1, Y_MIN + scale * cs, Y_MAX)
            bnd_v[pl.ds(i * L, L)] = b
            c = cell_of(b)
            valid = i * L + lane < N_BINS - 1
            plsc.addupdate_scatter(p_v, [c], jnp.where(valid, ones_i, zeros_i))
            plsc.store_scatter(c_v, [c], b, mask=valid)

        @plsc.parallel_loop(0, NP, carry=zeros_i, unroll=4)
        def hmax(i, m):
            hv = p_v[pl.ds(i * L, L)]
            m = jnp.maximum(m, hv)
            p_v[pl.ds(i * L, L)] = hs_scan(hv, 0)
            return m

        bad = jnp.any(hmax > 1)

        def itot_body(j, carry):
            idx = jnp.minimum(j * (L * L) + lane * L + (L - 1), P_PAD - 1)
            tv = plsc.load_gather(p_v, [idx])
            tv = jnp.where(j * L + lane < NP, tv, 0)
            inc = hs_scan(tv, 0)
            pref_p[pl.ds(j * L, L)] = inc - tv + carry
            return carry + shuf(inc, last_lane)

        lax.fori_loop(0, NPG, itot_body, zeros_i)

        @plsc.parallel_loop(0, NP, unroll=4)
        def _pack(i):
            inc = p_v[pl.ds(i * L, L)]
            exc = jnp.where(lane >= 1, shuf(inc, jnp.maximum(lane - 1, 0)), 0)
            p_v[pl.ds(i * L, L)] = exc + plsc.load_gather(pref_p, [zeros_i + i])

        def full_search(v):
            lo = jnp.zeros((L,), jnp.int32)
            hi = jnp.full((L,), N_BINS, jnp.int32)
            for _step in range(SEARCH_STEPS):
                mid = jnp.right_shift(lo + hi, 1)
                le = plsc.load_gather(bnd_v, [mid]) <= v
                lo = jnp.where(le, mid + 1, lo)
                hi = jnp.where(le, hi, mid)
            return lo

        def chunk_body(ci, _):
            cur = jnp.bitwise_and(ci, 1)
            vbase = cur * CHUNK

            in_copy(ci, cur).wait()

            @pl.when(ci >= 2)
            def _():
                out_copy(ci - 2, cur).wait()

            @plsc.parallel_loop(0, CHUNK // L, unroll=8)
            def _main(i):
                v = y_v[pl.ds(vbase + i * L, L)]
                jj = cell_of(v)
                lo = plsc.load_gather(p_v, [jj])
                cb = plsc.load_gather(c_v, [jj])
                lo = jnp.where(cb <= v, lo + 1, lo)
                o_v[pl.ds(vbase + i * L, L)] = jnp.where(
                    v >= Y_MAX, N_BINS - 1, lo)

            @pl.when(bad)
            def _():
                def fb_body(i, _2):
                    v = y_v[pl.ds(vbase + i * L, L)]
                    o_v[pl.ds(vbase + i * L, L)] = jnp.minimum(
                        full_search(v), N_BINS - 1)
                    return 0

                lax.fori_loop(0, CHUNK // L, fb_body, 0, unroll=4)

            @pl.when(ci + 2 < n_chunks)
            def _():
                in_copy(ci + 2, cur).start()

            out_copy(ci, cur).start()
            return 0

        lax.fori_loop(0, n_chunks, chunk_body, 0)
        out_copy(n_chunks - 2, jnp.int32(n_chunks - 2) & 1).wait()
        out_copy(n_chunks - 1, jnp.int32(n_chunks - 1) & 1).wait()

    return bin_kernel


def kernel(y, logits):
    return _build()(y, logits)

# --- scband reference (transcript-rebuilt; emitter-appended) ---
"""Pipeline reference for scband-learnable-binning-scheme-19250043420861 (READ-ONLY COPY).

The authoritative reference and input builder live on the scoring server;
editing this copy changes nothing except your own understanding.
"""

import jax, jax.numpy as jnp
import numpy as np

Y_MIN = -4.0
Y_MAX = 4.0
N_BINS = 8192
N_VALUES = 16777216


def _edges(logits):
    # LearnableBinningScheme.edges property:
    # widths = softmax(logits); edges = [y_min, y_min + (y_max-y_min)*cumsum(widths), y_max]
    widths = jax.nn.softmax(logits, axis=0)
    cumsum = jnp.cumsum(widths, axis=0)
    e_inner = Y_MIN + (Y_MAX - Y_MIN) * cumsum
    lo = jnp.array([Y_MIN], dtype=logits.dtype)
    hi = jnp.array([Y_MAX], dtype=logits.dtype)
    return jnp.concatenate([lo, e_inner, hi])


def setup_inputs(seed: int = 0) -> dict:
    key = jax.random.key(seed)
    k1, k2 = jax.random.split(key)
    y = jax.random.normal(k1, (N_VALUES,), dtype=jnp.float32)
    # learned parameter: logits of shape (n_bins - 1,). Module initializes to zeros;
    # add a small perturbation so edges are non-uniform and the softmax/cumsum path is exercised.
    logits = 0.01 * jax.random.normal(k2, (N_BINS - 1,), dtype=jnp.float32)
    return {"y": y, "logits": logits}


def reference(y, logits):
    # forward == BinningScheme.to_index(y) with learnable edges
    edges = _edges(logits)
    boundaries = edges[1:]
    # torch.bucketize(y, boundaries, right=True): boundaries[i-1] <= v < boundaries[i]
    # == numpy/jnp searchsorted side='right'
    idx = jnp.searchsorted(boundaries, y, side='right')
    idx = jnp.minimum(idx, N_BINS - 1)
    return idx.astype(jnp.int32)

if __name__ == "__main__":
    import jax
    _d = setup_inputs()
    print(jax.jit(kernel)(*tuple(_d.values())))

</pallas_src>

<mosaic_0001>
#map = affine_map<(d0, d1) -> (0)>
module attributes {stable_mosaic.version = 14 : i64} {
  func.func @bin_kernel(%arg0: i32, %arg1: i32, %arg2: memref<16777216xf32, #tpu.memory_space<hbm>>, %arg3: memref<8191xf32, #tpu.memory_space<hbm>>, %arg4: memref<16777216xi32, #tpu.memory_space<hbm>>, %arg5: memref<8192xf32, #tpu.memory_space<vmem>>, %arg6: memref<8192xf32, #tpu.memory_space<vmem>>, %arg7: memref<16400xi32, #tpu.memory_space<vmem>>, %arg8: memref<16400xf32, #tpu.memory_space<vmem>>, %arg9: memref<512xf32, #tpu.memory_space<vmem>>, %arg10: memref<1040xi32, #tpu.memory_space<vmem>>, %arg11: memref<32768xf32, #tpu.memory_space<vmem>>, %arg12: memref<32768xi32, #tpu.memory_space<vmem>>, %arg13: memref<2x!tpu.dma_semaphore, #tpu.memory_space<semaphore_mem>>, %arg14: memref<2x!tpu.dma_semaphore, #tpu.memory_space<semaphore_mem>>, %arg15: memref<!tpu.dma_semaphore, #tpu.memory_space<semaphore_mem>>) attributes {dimension_semantics = [#tpu.dimension_semantics<core_parallel>, #tpu.dimension_semantics<subcore_parallel>], iteration_bounds = array<i64: 2, 16>, scalar_prefetch = 0 : i64, scratch_operands = 11 : i64, tpu.core_type = #tpu.core_type<sc_vector_subcore>, window_params = [{transform_indices = #map}, {transform_indices = #map}, {transform_indices = #map}]} {
    %mul3A = arith.constant 2 : i32
    %mul3A_0 = arith.muli %arg1, %mul3A : i32
    %add3A = arith.addi %mul3A_0, %arg0 : i32
    %mul3A_1 = arith.constant 524288 : i32
    %mul3A_2 = arith.muli %add3A, %mul3A_1 : i32
    %iota3A = tpu.iota {dimensions = array<i32: 0>} : vector<16xi32>
    %add3A_3 = arith.constant 0 : i32
    %add3A_4 = arith.addi %mul3A_2, %add3A_3 : i32
    %dma_start3A = arith.constant 0 : i32
    %dma_start3A_5 = arith.constant 0 : i32
    %dma_start3A_6 = tpu.memref_slice %arg11[%dma_start3A_5] : memref<32768xf32, #tpu.memory_space<vmem>> -> memref<16384xf32, #tpu.memory_space<vmem>>
    %dma_start3A_7 = tpu.memref_slice %arg2[%add3A_4] : memref<16777216xf32, #tpu.memory_space<hbm>> -> memref<16384xf32, #tpu.memory_space<hbm>>
    %dma_start3A_8 = tpu.memref_slice %arg13[%dma_start3A] : memref<2x!tpu.dma_semaphore, #tpu.memory_space<semaphore_mem>> -> memref<1x!tpu.dma_semaphore, #tpu.memory_space<semaphore_mem>>
    %dma_start3A_9 = tpu.memref_squeeze %dma_start3A_8 : memref<1x!tpu.dma_semaphore, #tpu.memory_space<semaphore_mem>> -> memref<!tpu.dma_semaphore, #tpu.memory_space<semaphore_mem>>
    %dma_start3A_10 = arith.constant 0 : i32
    %dma_start3A_11 = tpu.memref_slice %arg11[%dma_start3A_10] : memref<32768xf32, #tpu.memory_space<vmem>> -> memref<16384xf32, #tpu.memory_space<vmem>>
    %dma_start3A_12 = tpu.memref_slice %arg2[%add3A_4] : memref<16777216xf32, #tpu.memory_space<hbm>> -> memref<16384xf32, #tpu.memory_space<hbm>>
    tpu.enqueue_dma source(%dma_start3A_12 : memref<16384xf32, #tpu.memory_space<hbm>>) target(%dma_start3A_11 : memref<16384xf32, #tpu.memory_space<vmem>>) target_semaphore(%dma_start3A_9 : memref<!tpu.dma_semaphore, #tpu.memory_space<semaphore_mem>>)
    %add3A_13 = arith.constant 16384 : i32
    %add3A_14 = arith.addi %mul3A_2, %add3A_13 : i32
    %dma_start3A_15 = arith.constant 1 : i32
    %dma_start3A_16 = arith.constant 16384 : i32
    %dma_start3A_17 = tpu.memref_slice %arg11[%dma_start3A_16] : memref<32768xf32, #tpu.memory_space<vmem>> -> memref<16384xf32, #tpu.memory_space<vmem>>
    %dma_start3A_18 = tpu.memref_slice %arg2[%add3A_14] : memref<16777216xf32, #tpu.memory_space<hbm>> -> memref<16384xf32, #tpu.memory_space<hbm>>
    %dma_start3A_19 = tpu.memref_slice %arg13[%dma_start3A_15] : memref<2x!tpu.dma_semaphore, #tpu.memory_space<semaphore_mem>> -> memref<1x!tpu.dma_semaphore, #tpu.memory_space<semaphore_mem>>
    %dma_start3A_20 = tpu.memref_squeeze %dma_start3A_19 : memref<1x!tpu.dma_semaphore, #tpu.memory_space<semaphore_mem>> -> memref<!tpu.dma_semaphore, #tpu.memory_space<semaphore_mem>>
    %dma_start3A_21 = arith.constant 16384 : i32
    %dma_start3A_22 = tpu.memref_slice %arg11[%dma_start3A_21] : memref<32768xf32, #tpu.memory_space<vmem>> -> memref<16384xf32, #tpu.memory_space<vmem>>
    %dma_start3A_23 = tpu.memref_slice %arg2[%add3A_14] : memref<16777216xf32, #tpu.memory_space<hbm>> -> memref<16384xf32, #tpu.memory_space<hbm>>
    tpu.enqueue_dma source(%dma_start3A_23 : memref<16384xf32, #tpu.memory_space<hbm>>) target(%dma_start3A_22 : memref<16384xf32, #tpu.memory_space<vmem>>) target_semaphore(%dma_start3A_20 : memref<!tpu.dma_semaphore, #tpu.memory_space<semaphore_mem>>)
    %dma_start3A_24 = arith.constant 0 : i32
    %dma_start3A_25 = tpu.memref_slice %arg5[%dma_start3A_24] : memref<8192xf32, #tpu.memory_space<vmem>> -> memref<8191xf32, #tpu.memory_space<vmem>>
    %dma_start3A_26 = arith.constant 0 : i32
    %dma_start3A_27 = tpu.memref_slice %arg5[%dma_start3A_26] : memref<8192xf32, #tpu.memory_space<vmem>> -> memref<8191xf32, #tpu.memory_space<vmem>>
    tpu.enqueue_dma source(%arg3 : memref<8191xf32, #tpu.memory_space<hbm>>) target(%dma_start3A_27 : memref<8191xf32, #tpu.memory_space<vmem>>) target_semaphore(%arg15 : memref<!tpu.dma_semaphore, #tpu.memory_space<semaphore_mem>>)
    %broadcast_in_dim3A = arith.constant 0 : i32
    %broadcast_in_dim3A_28 = vector.broadcast %broadcast_in_dim3A : i32 to vector<16xi32>
    %broadcast_in_dim3A_29 = arith.constant 1 : i32
    %broadcast_in_dim3A_30 = vector.broadcast %broadcast_in_dim3A_29 : i32 to vector<16xi32>
    %broadcast_in_dim3A_31 = arith.constant 15 : i32
    %broadcast_in_dim3A_32 = vector.broadcast %broadcast_in_dim3A_31 : i32 to vector<16xi32>
    %broadcast_in_dim3A_33 = arith.constant 3.000000e+38 : f32
    %broadcast_in_dim3A_34 = vector.broadcast %broadcast_in_dim3A_33 : f32 to vector<16xf32>
    %parallel_loop3A = arith.constant 0 : i32
    %parallel_loop3A_35 = arith.constant 1025 : i32
    %parallel_loop3A_36 = arith.constant 1 : i32
    scf.for %parallel_loop3A_116 = %parallel_loop3A to %parallel_loop3A_35 step %parallel_loop3A_36  : i32 {
      %parallel_loop3A_117 = arith.constant 16 : i32
      %parallel_loop3A_118 = arith.muli %parallel_loop3A_116, %parallel_loop3A_117 : i32
      %parallel_loop3A_119 = arith.index_cast %parallel_loop3A_118 : i32 to index
      %parallel_loop3A_120 = tpu.vector_load %arg7[%parallel_loop3A_119] {strides = array<i32>} : memref<16400xi32, #tpu.memory_space<vmem>>, vector<16xi32>,
      tpu.vector_store %arg7[%parallel_loop3A_119], %broadcast_in_dim3A_28 {strides = array<i32>} : memref<16400xi32, #tpu.memory_space<vmem>>, vector<16xi32>,
      %parallel_loop3A_121 = arith.constant 16 : i32
      %parallel_loop3A_122 = arith.muli %parallel_loop3A_116, %parallel_loop3A_121 : i32
      %parallel_loop3A_123 = arith.index_cast %parallel_loop3A_122 : i32 to index
      %parallel_loop3A_124 = tpu.vector_load %arg8[%parallel_loop3A_123] {strides = array<i32>} : memref<16400xf32, #tpu.memory_space<vmem>>, vector<16xf32>,
      tpu.vector_store %arg8[%parallel_loop3A_123], %broadcast_in_dim3A_34 {strides = array<i32>} : memref<16400xf32, #tpu.memory_space<vmem>>, vector<16xf32>,
    } {sc.loop_unroll_factor = 4 : i64, sc.parallel_access}
    %dma_wait3A = arith.constant 0 : i32
    %dma_wait3A_37 = tpu.memref_slice %arg5[%dma_wait3A] : memref<8192xf32, #tpu.memory_space<vmem>> -> memref<8191xf32, #tpu.memory_space<vmem>>
    %dma_wait3A_38 = arith.constant 0 : i32
    %dma_wait3A_39 = tpu.memref_slice %arg5[%dma_wait3A_38] : memref<8192xf32, #tpu.memory_space<vmem>> -> memref<8191xf32, #tpu.memory_space<vmem>>
    tpu.wait_dma2 semaphore(%arg15 : memref<!tpu.dma_semaphore, #tpu.memory_space<semaphore_mem>>) src(%arg3 : memref<8191xf32, #tpu.memory_space<hbm>>) dst(%dma_wait3A_39 : memref<8191xf32, #tpu.memory_space<vmem>>)
    %parallel_loop3A_40 = arith.constant 0 : i32
    %parallel_loop3A_41 = arith.constant 512 : i32
    %parallel_loop3A_42 = arith.constant 1 : i32
    scf.for %parallel_loop3A_116 = %parallel_loop3A_40 to %parallel_loop3A_41 step %parallel_loop3A_42  : i32 {
      %parallel_loop3A_117 = arith.constant 16 : i32
      %parallel_loop3A_118 = arith.muli %parallel_loop3A_116, %parallel_loop3A_117 : i32
      %parallel_loop3A_119 = arith.index_cast %parallel_loop3A_118 : i32 to index
      %parallel_loop3A_120 = tpu.vector_load %arg5[%parallel_loop3A_119] {strides = array<i32>} : memref<8192xf32, #tpu.memory_space<vmem>>, vector<16xf32>,
      %parallel_loop3A_121 = arith.constant 16 : i32
      %parallel_loop3A_122 = arith.muli %parallel_loop3A_116, %parallel_loop3A_121 : i32
      %parallel_loop3A_123 = vector.broadcast %parallel_loop3A_122 : i32 to vector<16xi32>
      %parallel_loop3A_124 = arith.addi %parallel_loop3A_123, %iota3A : vector<16xi32>
      %parallel_loop3A_125 = arith.constant 8191 : i32
      %parallel_loop3A_126 = vector.broadcast %parallel_loop3A_125 : i32 to vector<16xi32>
      %parallel_loop3A_127 = arith.cmpi slt, %parallel_loop3A_124, %parallel_loop3A_126 : vector<16xi32>
      %parallel_loop3A_128 = math.exp %parallel_loop3A_120 : vector<16xf32>
      %parallel_loop3A_129 = arith.constant 0.000000e+00 : f32
      %parallel_loop3A_130 = vector.broadcast %parallel_loop3A_129 : f32 to vector<16xf32>
      %parallel_loop3A_131 = arith.select %parallel_loop3A_127, %parallel_loop3A_128, %parallel_loop3A_130 : vector<16xi1>, vector<16xf32>
      %parallel_loop3A_132 = arith.constant 1 : i32
      %parallel_loop3A_133 = vector.broadcast %parallel_loop3A_132 : i32 to vector<16xi32>
      %parallel_loop3A_134 = arith.cmpi sge, %iota3A, %parallel_loop3A_133 : vector<16xi32>
      %parallel_loop3A_135 = arith.constant 1 : i32
      %parallel_loop3A_136 = vector.broadcast %parallel_loop3A_135 : i32 to vector<16xi32>
      %parallel_loop3A_137 = arith.subi %iota3A, %parallel_loop3A_136 : vector<16xi32>
      %parallel_loop3A_138 = arith.constant 0 : i32
      %parallel_loop3A_139 = vector.broadcast %parallel_loop3A_138 : i32 to vector<16xi32>
      %parallel_loop3A_140 = arith.maxsi %parallel_loop3A_137, %parallel_loop3A_139 : vector<16xi32>
      %parallel_loop3A_141 = vector.shape_cast %parallel_loop3A_140 : vector<16xi32> to vector<16x1xi32>
      %parallel_loop3A_142 = vector.shape_cast %parallel_loop3A_141 : vector<16x1xi32> to vector<16xi32>
      %parallel_loop3A_143 = tpu.dynamic_gather %parallel_loop3A_131[%parallel_loop3A_142] in [0] : vector<16xf32>, vector<16xi32> -> vector<16xf32>
      %parallel_loop3A_144 = arith.constant 0.000000e+00 : f32
      %parallel_loop3A_145 = vector.broadcast %parallel_loop3A_144 : f32 to vector<16xf32>
      %parallel_loop3A_146 = arith.select %parallel_loop3A_134, %parallel_loop3A_143, %parallel_loop3A_145 : vector<16xi1>, vector<16xf32>
      %parallel_loop3A_147 = arith.addf %parallel_loop3A_131, %parallel_loop3A_146 : vector<16xf32>
      %parallel_loop3A_148 = arith.constant 2 : i32
      %parallel_loop3A_149 = vector.broadcast %parallel_loop3A_148 : i32 to vector<16xi32>
      %parallel_loop3A_150 = arith.cmpi sge, %iota3A, %parallel_loop3A_149 : vector<16xi32>
      %parallel_loop3A_151 = arith.constant 2 : i32
      %parallel_loop3A_152 = vector.broadcast %parallel_loop3A_151 : i32 to vector<16xi32>
      %parallel_loop3A_153 = arith.subi %iota3A, %parallel_loop3A_152 : vector<16xi32>
      %parallel_loop3A_154 = arith.constant 0 : i32
      %parallel_loop3A_155 = vector.broadcast %parallel_loop3A_154 : i32 to vector<16xi32>
      %parallel_loop3A_156 = arith.maxsi %parallel_loop3A_153, %parallel_loop3A_155 : vector<16xi32>
      %parallel_loop3A_157 = vector.shape_cast %parallel_loop3A_156 : vector<16xi32> to vector<16x1xi32>
      %parallel_loop3A_158 = vector.shape_cast %parallel_loop3A_157 : vector<16x1xi32> to vector<16xi32>
      %parallel_loop3A_159 = tpu.dynamic_gather %parallel_loop3A_147[%parallel_loop3A_158] in [0] : vector<16xf32>, vector<16xi32> -> vector<16xf32>
      %parallel_loop3A_160 = arith.constant 0.000000e+00 : f32
      %parallel_loop3A_161 = vector.broadcast %parallel_loop3A_160 : f32 to vector<16xf32>
      %parallel_loop3A_162 = arith.select %parallel_loop3A_150, %parallel_loop3A_159, %parallel_loop3A_161 : vector<16xi1>, vector<16xf32>
      %parallel_loop3A_163 = arith.addf %parallel_loop3A_147, %parallel_loop3A_162 : vector<16xf32>
      %parallel_loop3A_164 = arith.constant 4 : i32
      %parallel_loop3A_165 = vector.broadcast %parallel_loop3A_164 : i32 to vector<16xi32>
      %parallel_loop3A_166 = arith.cmpi sge, %iota3A, %parallel_loop3A_165 : vector<16xi32>
      %parallel_loop3A_167 = arith.constant 4 : i32
      %parallel_loop3A_168 = vector.broadcast %parallel_loop3A_167 : i32 to vector<16xi32>
      %parallel_loop3A_169 = arith.subi %iota3A, %parallel_loop3A_168 : vector<16xi32>
      %parallel_loop3A_170 = arith.constant 0 : i32
      %parallel_loop3A_171 = vector.broadcast %parallel_loop3A_170 : i32 to vector<16xi32>
      %parallel_loop3A_172 = arith.maxsi %parallel_loop3A_169, %parallel_loop3A_171 : vector<16xi32>
      %parallel_loop3A_173 = vector.shape_cast %parallel_loop3A_172 : vector<16xi32> to vector<16x1xi32>
      %parallel_loop3A_174 = vector.shape_cast %parallel_loop3A_173 : vector<16x1xi32> to vector<16xi32>
      %parallel_loop3A_175 = tpu.dynamic_gather %parallel_loop3A_163[%parallel_loop3A_174] in [0] : vector<16xf32>, vector<16xi32> -> vector<16xf32>
      %parallel_loop3A_176 = arith.constant 0.000000e+00 : f32
      %parallel_loop3A_177 = vector.broadcast %parallel_loop3A_176 : f32 to vector<16xf32>
      %parallel_loop3A_178 = arith.select %parallel_loop3A_166, %parallel_loop3A_175, %parallel_loop3A_177 : vector<16xi1>, vector<16xf32>
      %parallel_loop3A_179 = arith.addf %parallel_loop3A_163, %parallel_loop3A_178 : vector<16xf32>
      %parallel_loop3A_180 = arith.constant 8 : i32
      %parallel_loop3A_181 = vector.broadcast %parallel_loop3A_180 : i32 to vector<16xi32>
      %parallel_loop3A_182 = arith.cmpi sge, %iota3A, %parallel_loop3A_181 : vector<16xi32>
      %parallel_loop3A_183 = arith.constant 8 : i32
      %parallel_loop3A_184 = vector.broadcast %parallel_loop3A_183 : i32 to vector<16xi32>
      %parallel_loop3A_185 = arith.subi %iota3A, %parallel_loop3A_184 : vector<16xi32>
      %parallel_loop3A_186 = arith.constant 0 : i32
      %parallel_loop3A_187 = vector.broadcast %parallel_loop3A_186 : i32 to vector<16xi32>
      %parallel_loop3A_188 = arith.maxsi %parallel_loop3A_185, %parallel_loop3A_187 : vector<16xi32>
      %parallel_loop3A_189 = vector.shape_cast %parallel_loop3A_188 : vector<16xi32> to vector<16x1xi32>
      %parallel_loop3A_190 = vector.shape_cast %parallel_loop3A_189 : vector<16x1xi32> to vector<16xi32>
      %parallel_loop3A_191 = tpu.dynamic_gather %parallel_loop3A_179[%parallel_loop3A_190] in [0] : vector<16xf32>, vector<16xi32> -> vector<16xf32>
      %parallel_loop3A_192 = arith.constant 0.000000e+00 : f32
      %parallel_loop3A_193 = vector.broadcast %parallel_loop3A_192 : f32 to vector<16xf32>
      %parallel_loop3A_194 = arith.select %parallel_loop3A_182, %parallel_loop3A_191, %parallel_loop3A_193 : vector<16xi1>, vector<16xf32>
      %parallel_loop3A_195 = arith.addf %parallel_loop3A_179, %parallel_loop3A_194 : vector<16xf32>
      %parallel_loop3A_196 = arith.constant 16 : i32
      %parallel_loop3A_197 = arith.muli %parallel_loop3A_116, %parallel_loop3A_196 : i32
      %parallel_loop3A_198 = arith.index_cast %parallel_loop3A_197 : i32 to index
      %parallel_loop3A_199 = tpu.vector_load %arg5[%parallel_loop3A_198] {strides = array<i32>} : memref<8192xf32, #tpu.memory_space<vmem>>, vector<16xf32>,
      tpu.vector_store %arg5[%parallel_loop3A_198], %parallel_loop3A_195 {strides = array<i32>} : memref<8192xf32, #tpu.memory_space<vmem>>, vector<16xf32>,
    } {sc.loop_unroll_factor = 4 : i64, sc.parallel_access}
    %broadcast_in_dim3A_43 = arith.constant 0.000000e+00 : f32
    %broadcast_in_dim3A_44 = vector.broadcast %broadcast_in_dim3A_43 : f32 to vector<16xf32>
    %scan3A = arith.constant 0 : i32
    %scan3A_45 = arith.constant 32 : i32
    %scan3A_46 = arith.addi %scan3A, %scan3A_45 : i32
    %scan3A_47 = arith.constant 1 : i32
    %scan3A_48 = scf.for %scan3A_116 = %scan3A to %scan3A_46 step %scan3A_47 iter_args(%scan3A_117 = %broadcast_in_dim3A_44) -> (vector<16xf32>)  : i32 {
      %mul3A_118 = arith.constant 256 : i32
      %mul3A_119 = arith.muli %scan3A_116, %mul3A_118 : i32
      %mul3A_120 = arith.constant 16 : i32
      %mul3A_121 = vector.broadcast %mul3A_120 : i32 to vector<16xi32>
      %mul3A_122 = arith.muli %iota3A, %mul3A_121 : vector<16xi32>
      %add3A_123 = vector.broadcast %mul3A_119 : i32 to vector<16xi32>
      %add3A_124 = arith.addi %add3A_123, %mul3A_122 : vector<16xi32>
      %add3A_125 = arith.constant 15 : i32
      %add3A_126 = vector.broadcast %add3A_125 : i32 to vector<16xi32>
      %add3A_127 = arith.addi %add3A_124, %add3A_126 : vector<16xi32>
      %gather3A = tpu.vector_load_idx %arg5[%add3A_127] : memref<8192xf32, #tpu.memory_space<vmem>>[vector<16xi32>], vector<16xf32>,
      %ge3A = arith.constant 1 : i32
      %ge3A_128 = vector.broadcast %ge3A : i32 to vector<16xi32>
      %ge3A_129 = arith.cmpi sge, %iota3A, %ge3A_128 : vector<16xi32>
      %sub3A = arith.constant 1 : i32
      %sub3A_130 = vector.broadcast %sub3A : i32 to vector<16xi32>
      %sub3A_131 = arith.subi %iota3A, %sub3A_130 : vector<16xi32>
      %max3A = arith.constant 0 : i32
      %max3A_132 = vector.broadcast %max3A : i32 to vector<16xi32>
      %max3A_133 = arith.maxsi %sub3A_131, %max3A_132 : vector<16xi32>
      %broadcast_in_dim3A_134 = vector.shape_cast %max3A_133 : vector<16xi32> to vector<16x1xi32>
      %gather3A_135 = vector.shape_cast %broadcast_in_dim3A_134 : vector<16x1xi32> to vector<16xi32>
      %gather3A_136 = tpu.dynamic_gather %gather3A[%gather3A_135] in [0] : vector<16xf32>, vector<16xi32> -> vector<16xf32>
      %jit3A = arith.constant 0.000000e+00 : f32
      %broadcast_in_dim3A_137 = vector.broadcast %jit3A : f32 to vector<16xf32>
      %select_n3A = arith.select %ge3A_129, %gather3A_136, %broadcast_in_dim3A_137 : vector<16xi1>, vector<16xf32>
      %add3A_138 = arith.addf %gather3A, %select_n3A : vector<16xf32>
      %ge3A_139 = arith.constant 2 : i32
      %ge3A_140 = vector.broadcast %ge3A_139 : i32 to vector<16xi32>
      %ge3A_141 = arith.cmpi sge, %iota3A, %ge3A_140 : vector<16xi32>
      %sub3A_142 = arith.constant 2 : i32
      %sub3A_143 = vector.broadcast %sub3A_142 : i32 to vector<16xi32>
      %sub3A_144 = arith.subi %iota3A, %sub3A_143 : vector<16xi32>
      %max3A_145 = arith.constant 0 : i32
      %max3A_146 = vector.broadcast %max3A_145 : i32 to vector<16xi32>
      %max3A_147 = arith.maxsi %sub3A_144, %max3A_146 : vector<16xi32>
      %broadcast_in_dim3A_148 = vector.shape_cast %max3A_147 : vector<16xi32> to vector<16x1xi32>
      %gather3A_149 = vector.shape_cast %broadcast_in_dim3A_148 : vector<16x1xi32> to vector<16xi32>
      %gather3A_150 = tpu.dynamic_gather %add3A_138[%gather3A_149] in [0] : vector<16xf32>, vector<16xi32> -> vector<16xf32>
      %jit3A_151 = arith.constant 0.000000e+00 : f32
      %broadcast_in_dim3A_152 = vector.broadcast %jit3A_151 : f32 to vector<16xf32>
      %select_n3A_153 = arith.select %ge3A_141, %gather3A_150, %broadcast_in_dim3A_152 : vector<16xi1>, vector<16xf32>
      %add3A_154 = arith.addf %add3A_138, %select_n3A_153 : vector<16xf32>
      %ge3A_155 = arith.constant 4 : i32
      %ge3A_156 = vector.broadcast %ge3A_155 : i32 to vector<16xi32>
      %ge3A_157 = arith.cmpi sge, %iota3A, %ge3A_156 : vector<16xi32>
      %sub3A_158 = arith.constant 4 : i32
      %sub3A_159 = vector.broadcast %sub3A_158 : i32 to vector<16xi32>
      %sub3A_160 = arith.subi %iota3A, %sub3A_159 : vector<16xi32>
      %max3A_161 = arith.constant 0 : i32
      %max3A_162 = vector.broadcast %max3A_161 : i32 to vector<16xi32>
      %max3A_163 = arith.maxsi %sub3A_160, %max3A_162 : vector<16xi32>
      %broadcast_in_dim3A_164 = vector.shape_cast %max3A_163 : vector<16xi32> to vector<16x1xi32>
      %gather3A_165 = vector.shape_cast %broadcast_in_dim3A_164 : vector<16x1xi32> to vector<16xi32>
      %gather3A_166 = tpu.dynamic_gather %add3A_154[%gather3A_165] in [0] : vector<16xf32>, vector<16xi32> -> vector<16xf32>
      %jit3A_167 = arith.constant 0.000000e+00 : f32
      %broadcast_in_dim3A_168 = vector.broadcast %jit3A_167 : f32 to vector<16xf32>
      %select_n3A_169 = arith.select %ge3A_157, %gather3A_166, %broadcast_in_dim3A_168 : vector<16xi1>, vector<16xf32>
      %add3A_170 = arith.addf %add3A_154, %select_n3A_169 : vector<16xf32>
      %ge3A_171 = arith.constant 8 : i32
      %ge3A_172 = vector.broadcast %ge3A_171 : i32 to vector<16xi32>
      %ge3A_173 = arith.cmpi sge, %iota3A, %ge3A_172 : vector<16xi32>
      %sub3A_174 = arith.constant 8 : i32
      %sub3A_175 = vector.broadcast %sub3A_174 : i32 to vector<16xi32>
      %sub3A_176 = arith.subi %iota3A, %sub3A_175 : vector<16xi32>
      %max3A_177 = arith.constant 0 : i32
      %max3A_178 = vector.broadcast %max3A_177 : i32 to vector<16xi32>
      %max3A_179 = arith.maxsi %sub3A_176, %max3A_178 : vector<16xi32>
      %broadcast_in_dim3A_180 = vector.shape_cast %max3A_179 : vector<16xi32> to vector<16x1xi32>
      %gather3A_181 = vector.shape_cast %broadcast_in_dim3A_180 : vector<16x1xi32> to vector<16xi32>
      %gather3A_182 = tpu.dynamic_gather %add3A_170[%gather3A_181] in [0] : vector<16xf32>, vector<16xi32> -> vector<16xf32>
      %jit3A_183 = arith.constant 0.000000e+00 : f32
      %broadcast_in_dim3A_184 = vector.broadcast %jit3A_183 : f32 to vector<16xf32>
      %select_n3A_185 = arith.select %ge3A_173, %gather3A_182, %broadcast_in_dim3A_184 : vector<16xi1>, vector<16xf32>
      %add3A_186 = arith.addf %add3A_170, %select_n3A_185 : vector<16xf32>
      %sub3A_187 = arith.subf %add3A_186, %gather3A : vector<16xf32>
      %add3A_188 = arith.addf %sub3A_187, %scan3A_117 : vector<16xf32>
      %mul3A_189 = arith.constant 16 : i32
      %mul3A_190 = arith.muli %scan3A_116, %mul3A_189 : i32
      %swap3A = arith.index_cast %mul3A_190 : i32 to index
      %swap3A_191 = tpu.vector_load %arg9[%swap3A] {strides = array<i32>} : memref<512xf32, #tpu.memory_space<vmem>>, vector<16xf32>,
      tpu.vector_store %arg9[%swap3A], %add3A_188 {strides = array<i32>} : memref<512xf32, #tpu.memory_space<vmem>>, vector<16xf32>,
      %broadcast_in_dim3A_192 = vector.shape_cast %broadcast_in_dim3A_32 : vector<16xi32> to vector<16x1xi32>
      %gather3A_193 = vector.shape_cast %broadcast_in_dim3A_192 : vector<16x1xi32> to vector<16xi32>
      %gather3A_194 = tpu.dynamic_gather %add3A_186[%gather3A_193] in [0] : vector<16xf32>, vector<16xi32> -> vector<16xf32>
      %add3A_195 = arith.addf %scan3A_117, %gather3A_194 : vector<16xf32>
      scf.yield %add3A_195 : vector<16xf32>
    }
    %scan3A_49 = arith.constant 32 : i32
    %div3A = arith.constant 8.000000e+00 : f32
    %div3A_50 = vector.broadcast %div3A : f32 to vector<16xf32>
    %div3A_51 = arith.divf %div3A_50, %scan3A_48 : vector<16xf32>
    %parallel_loop3A_52 = arith.constant 0 : i32
    %parallel_loop3A_53 = arith.constant 512 : i32
    %parallel_loop3A_54 = arith.constant 1 : i32
    %parallel_loop3A_55 = arith.constant 2.048000e+03 : f32
    %parallel_loop3A_56 = arith.constant 1.638300e+04 : f32
    scf.for %parallel_loop3A_116 = %parallel_loop3A_52 to %parallel_loop3A_53 step %parallel_loop3A_54  : i32 {
      %parallel_loop3A_117 = arith.constant 16 : i32
      %parallel_loop3A_118 = arith.muli %parallel_loop3A_116, %parallel_loop3A_117 : i32
      %parallel_loop3A_119 = arith.index_cast %parallel_loop3A_118 : i32 to index
      %parallel_loop3A_120 = tpu.vector_load %arg5[%parallel_loop3A_119] {strides = array<i32>} : memref<8192xf32, #tpu.memory_space<vmem>>, vector<16xf32>,
      %parallel_loop3A_121 = vector.broadcast %parallel_loop3A_116 : i32 to vector<16xi32>
      %parallel_loop3A_122 = arith.addi %broadcast_in_dim3A_28, %parallel_loop3A_121 : vector<16xi32>
      %parallel_loop3A_123 = tpu.vector_load_idx %arg9[%parallel_loop3A_122] : memref<512xf32, #tpu.memory_space<vmem>>[vector<16xi32>], vector<16xf32>,
      %parallel_loop3A_124 = arith.addf %parallel_loop3A_120, %parallel_loop3A_123 : vector<16xf32>
      %parallel_loop3A_125 = arith.constant 16 : i32
      %parallel_loop3A_126 = arith.muli %parallel_loop3A_116, %parallel_loop3A_125 : i32
      %parallel_loop3A_127 = vector.broadcast %parallel_loop3A_126 : i32 to vector<16xi32>
      %parallel_loop3A_128 = arith.addi %parallel_loop3A_127, %iota3A : vector<16xi32>
      %parallel_loop3A_129 = arith.constant 8191 : i32
      %parallel_loop3A_130 = vector.broadcast %parallel_loop3A_129 : i32 to vector<16xi32>
      %parallel_loop3A_131 = arith.cmpi slt, %parallel_loop3A_128, %parallel_loop3A_130 : vector<16xi32>
      %parallel_loop3A_132 = arith.mulf %div3A_51, %parallel_loop3A_124 : vector<16xf32>
      %parallel_loop3A_133 = arith.constant -4.000000e+00 : f32
      %parallel_loop3A_134 = vector.broadcast %parallel_loop3A_133 : f32 to vector<16xf32>
      %parallel_loop3A_135 = arith.addf %parallel_loop3A_134, %parallel_loop3A_132 : vector<16xf32>
      %parallel_loop3A_136 = arith.constant 4.000000e+00 : f32
      %parallel_loop3A_137 = vector.broadcast %parallel_loop3A_136 : f32 to vector<16xf32>
      %parallel_loop3A_138 = arith.select %parallel_loop3A_131, %parallel_loop3A_135, %parallel_loop3A_137 : vector<16xi1>, vector<16xf32>
      %parallel_loop3A_139 = arith.constant 16 : i32
      %parallel_loop3A_140 = arith.muli %parallel_loop3A_116, %parallel_loop3A_139 : i32
      %parallel_loop3A_141 = arith.index_cast %parallel_loop3A_140 : i32 to index
      %parallel_loop3A_142 = tpu.vector_load %arg6[%parallel_loop3A_141] {strides = array<i32>} : memref<8192xf32, #tpu.memory_space<vmem>>, vector<16xf32>,
      tpu.vector_store %arg6[%parallel_loop3A_141], %parallel_loop3A_138 {strides = array<i32>} : memref<8192xf32, #tpu.memory_space<vmem>>, vector<16xf32>,
      %parallel_loop3A_143 = arith.constant -4.000000e+00 : f32
      %parallel_loop3A_144 = vector.broadcast %parallel_loop3A_143 : f32 to vector<16xf32>
      %parallel_loop3A_145 = arith.subf %parallel_loop3A_138, %parallel_loop3A_144 : vector<16xf32>
      %parallel_loop3A_146 = vector.broadcast %parallel_loop3A_55 : f32 to vector<16xf32>
      %parallel_loop3A_147 = arith.mulf %parallel_loop3A_145, %parallel_loop3A_146 : vector<16xf32>
      %parallel_loop3A_148 = arith.constant 0.000000e+00 : f32
      %parallel_loop3A_149 = vector.broadcast %parallel_loop3A_148 : f32 to vector<16xf32>
      %parallel_loop3A_150 = arith.maximumf %parallel_loop3A_147, %parallel_loop3A_149 : vector<16xf32>
      %parallel_loop3A_151 = vector.broadcast %parallel_loop3A_56 : f32 to vector<16xf32>
      %parallel_loop3A_152 = arith.minimumf %parallel_loop3A_150, %parallel_loop3A_151 : vector<16xf32>
      %parallel_loop3A_153 = arith.fptosi %parallel_loop3A_152 : vector<16xf32> to vector<16xi32>
      %parallel_loop3A_154 = arith.constant 16 : i32
      %parallel_loop3A_155 = arith.muli %parallel_loop3A_116, %parallel_loop3A_154 : i32
      %parallel_loop3A_156 = vector.broadcast %parallel_loop3A_155 : i32 to vector<16xi32>
      %parallel_loop3A_157 = arith.addi %parallel_loop3A_156, %iota3A : vector<16xi32>
      %parallel_loop3A_158 = arith.constant 8191 : i32
      %parallel_loop3A_159 = vector.broadcast %parallel_loop3A_158 : i32 to vector<16xi32>
      %parallel_loop3A_160 = arith.cmpi slt, %parallel_loop3A_157, %parallel_loop3A_159 : vector<16xi32>
      %parallel_loop3A_161 = arith.select %parallel_loop3A_160, %broadcast_in_dim3A_30, %broadcast_in_dim3A_28 : vector<16xi1>, vector<16xi32>
      tpu.vector_store_idx %arg7[%parallel_loop3A_153], %parallel_loop3A_161 {add = true} : memref<16400xi32, #tpu.memory_space<vmem>>[vector<16xi32>], vector<16xi32>,
      tpu.vector_store_idx %arg8[%parallel_loop3A_153], %parallel_loop3A_138 masked %parallel_loop3A_160 : memref<16400xf32, #tpu.memory_space<vmem>>[vector<16xi32>], vector<16xf32>, vector<16xi1>
    } {sc.loop_unroll_factor = 4 : i64, sc.parallel_access}
    %parallel_loop3A_57 = arith.constant 0 : i32
    %parallel_loop3A_58 = arith.constant 1025 : i32
    %parallel_loop3A_59 = arith.constant 1 : i32
    %parallel_loop3A_60 = scf.for %parallel_loop3A_116 = %parallel_loop3A_57 to %parallel_loop3A_58 step %parallel_loop3A_59 iter_args(%parallel_loop3A_117 = %broadcast_in_dim3A_28) -> (vector<16xi32>)  : i32 {
      %parallel_loop3A_118 = arith.constant 16 : i32
      %parallel_loop3A_119 = arith.muli %parallel_loop3A_116, %parallel_loop3A_118 : i32
      %parallel_loop3A_120 = arith.index_cast %parallel_loop3A_119 : i32 to index
      %parallel_loop3A_121 = tpu.vector_load %arg7[%parallel_loop3A_120] {strides = array<i32>} : memref<16400xi32, #tpu.memory_space<vmem>>, vector<16xi32>,
      %parallel_loop3A_122 = arith.maxsi %parallel_loop3A_117, %parallel_loop3A_121 : vector<16xi32>
      %parallel_loop3A_123 = arith.constant 1 : i32
      %parallel_loop3A_124 = vector.broadcast %parallel_loop3A_123 : i32 to vector<16xi32>
      %parallel_loop3A_125 = arith.cmpi sge, %iota3A, %parallel_loop3A_124 : vector<16xi32>
      %parallel_loop3A_126 = arith.constant 1 : i32
      %parallel_loop3A_127 = vector.broadcast %parallel_loop3A_126 : i32 to vector<16xi32>
      %parallel_loop3A_128 = arith.subi %iota3A, %parallel_loop3A_127 : vector<16xi32>
      %parallel_loop3A_129 = arith.constant 0 : i32
      %parallel_loop3A_130 = vector.broadcast %parallel_loop3A_129 : i32 to vector<16xi32>
      %parallel_loop3A_131 = arith.maxsi %parallel_loop3A_128, %parallel_loop3A_130 : vector<16xi32>
      %parallel_loop3A_132 = vector.shape_cast %parallel_loop3A_131 : vector<16xi32> to vector<16x1xi32>
      %parallel_loop3A_133 = vector.shape_cast %parallel_loop3A_132 : vector<16x1xi32> to vector<16xi32>
      %parallel_loop3A_134 = tpu.dynamic_gather %parallel_loop3A_121[%parallel_loop3A_133] in [0] : vector<16xi32>, vector<16xi32> -> vector<16xi32>
      %parallel_loop3A_135 = arith.constant 0 : i32
      %parallel_loop3A_136 = vector.broadcast %parallel_loop3A_135 : i32 to vector<16xi32>
      %parallel_loop3A_137 = arith.select %parallel_loop3A_125, %parallel_loop3A_134, %parallel_loop3A_136 : vector<16xi1>, vector<16xi32>
      %parallel_loop3A_138 = arith.addi %parallel_loop3A_121, %parallel_loop3A_137 : vector<16xi32>
      %parallel_loop3A_139 = arith.constant 2 : i32
      %parallel_loop3A_140 = vector.broadcast %parallel_loop3A_139 : i32 to vector<16xi32>
      %parallel_loop3A_141 = arith.cmpi sge, %iota3A, %parallel_loop3A_140 : vector<16xi32>
      %parallel_loop3A_142 = arith.constant 2 : i32
      %parallel_loop3A_143 = vector.broadcast %parallel_loop3A_142 : i32 to vector<16xi32>
      %parallel_loop3A_144 = arith.subi %iota3A, %parallel_loop3A_143 : vector<16xi32>
      %parallel_loop3A_145 = arith.constant 0 : i32
      %parallel_loop3A_146 = vector.broadcast %parallel_loop3A_145 : i32 to vector<16xi32>
      %parallel_loop3A_147 = arith.maxsi %parallel_loop3A_144, %parallel_loop3A_146 : vector<16xi32>
      %parallel_loop3A_148 = vector.shape_cast %parallel_loop3A_147 : vector<16xi32> to vector<16x1xi32>
      %parallel_loop3A_149 = vector.shape_cast %parallel_loop3A_148 : vector<16x1xi32> to vector<16xi32>
      %parallel_loop3A_150 = tpu.dynamic_gather %parallel_loop3A_138[%parallel_loop3A_149] in [0] : vector<16xi32>, vector<16xi32> -> vector<16xi32>
      %parallel_loop3A_151 = arith.constant 0 : i32
      %parallel_loop3A_152 = vector.broadcast %parallel_loop3A_151 : i32 to vector<16xi32>
      %parallel_loop3A_153 = arith.select %parallel_loop3A_141, %parallel_loop3A_150, %parallel_loop3A_152 : vector<16xi1>, vector<16xi32>
      %parallel_loop3A_154 = arith.addi %parallel_loop3A_138, %parallel_loop3A_153 : vector<16xi32>
      %parallel_loop3A_155 = arith.constant 4 : i32
      %parallel_loop3A_156 = vector.broadcast %parallel_loop3A_155 : i32 to vector<16xi32>
      %parallel_loop3A_157 = arith.cmpi sge, %iota3A, %parallel_loop3A_156 : vector<16xi32>
      %parallel_loop3A_158 = arith.constant 4 : i32
      %parallel_loop3A_159 = vector.broadcast %parallel_loop3A_158 : i32 to vector<16xi32>
      %parallel_loop3A_160 = arith.subi %iota3A, %parallel_loop3A_159 : vector<16xi32>
      %parallel_loop3A_161 = arith.constant 0 : i32
      %parallel_loop3A_162 = vector.broadcast %parallel_loop3A_161 : i32 to vector<16xi32>
      %parallel_loop3A_163 = arith.maxsi %parallel_loop3A_160, %parallel_loop3A_162 : vector<16xi32>
      %parallel_loop3A_164 = vector.shape_cast %parallel_loop3A_163 : vector<16xi32> to vector<16x1xi32>
      %parallel_loop3A_165 = vector.shape_cast %parallel_loop3A_164 : vector<16x1xi32> to vector<16xi32>
      %parallel_loop3A_166 = tpu.dynamic_gather %parallel_loop3A_154[%parallel_loop3A_165] in [0] : vector<16xi32>, vector<16xi32> -> vector<16xi32>
      %parallel_loop3A_167 = arith.constant 0 : i32
      %parallel_loop3A_168 = vector.broadcast %parallel_loop3A_167 : i32 to vector<16xi32>
      %parallel_loop3A_169 = arith.select %parallel_loop3A_157, %parallel_loop3A_166, %parallel_loop3A_168 : vector<16xi1>, vector<16xi32>
      %parallel_loop3A_170 = arith.addi %parallel_loop3A_154, %parallel_loop3A_169 : vector<16xi32>
      %parallel_loop3A_171 = arith.constant 8 : i32
      %parallel_loop3A_172 = vector.broadcast %parallel_loop3A_171 : i32 to vector<16xi32>
      %parallel_loop3A_173 = arith.cmpi sge, %iota3A, %parallel_loop3A_172 : vector<16xi32>
      %parallel_loop3A_174 = arith.constant 8 : i32
      %parallel_loop3A_175 = vector.broadcast %parallel_loop3A_174 : i32 to vector<16xi32>
      %parallel_loop3A_176 = arith.subi %iota3A, %parallel_loop3A_175 : vector<16xi32>
      %parallel_loop3A_177 = arith.constant 0 : i32
      %parallel_loop3A_178 = vector.broadcast %parallel_loop3A_177 : i32 to vector<16xi32>
      %parallel_loop3A_179 = arith.maxsi %parallel_loop3A_176, %parallel_loop3A_178 : vector<16xi32>
      %parallel_loop3A_180 = vector.shape_cast %parallel_loop3A_179 : vector<16xi32> to vector<16x1xi32>
      %parallel_loop3A_181 = vector.shape_cast %parallel_loop3A_180 : vector<16x1xi32> to vector<16xi32>
      %parallel_loop3A_182 = tpu.dynamic_gather %parallel_loop3A_170[%parallel_loop3A_181] in [0] : vector<16xi32>, vector<16xi32> -> vector<16xi32>
      %parallel_loop3A_183 = arith.constant 0 : i32
      %parallel_loop3A_184 = vector.broadcast %parallel_loop3A_183 : i32 to vector<16xi32>
      %parallel_loop3A_185 = arith.select %parallel_loop3A_173, %parallel_loop3A_182, %parallel_loop3A_184 : vector<16xi1>, vector<16xi32>
      %parallel_loop3A_186 = arith.addi %parallel_loop3A_170, %parallel_loop3A_185 : vector<16xi32>
      %parallel_loop3A_187 = arith.constant 16 : i32
      %parallel_loop3A_188 = arith.muli %parallel_loop3A_116, %parallel_loop3A_187 : i32
      %parallel_loop3A_189 = arith.index_cast %parallel_loop3A_188 : i32 to index
      %parallel_loop3A_190 = tpu.vector_load %arg7[%parallel_loop3A_189] {strides = array<i32>} : memref<16400xi32, #tpu.memory_space<vmem>>, vector<16xi32>,
      tpu.vector_store %arg7[%parallel_loop3A_189], %parallel_loop3A_186 {strides = array<i32>} : memref<16400xi32, #tpu.memory_space<vmem>>, vector<16xi32>,
      scf.yield %parallel_loop3A_122 : vector<16xi32>
    } {sc.loop_unroll_factor = 4 : i64, sc.parallel_access}
    %gt3A = arith.constant 1 : i32
    %gt3A_61 = vector.broadcast %gt3A : i32 to vector<16xi32>
    %gt3A_62 = arith.cmpi sgt, %parallel_loop3A_60, %gt3A_61 : vector<16xi32>
    %reduce_or3A = arith.constant 1.000000e+00 : f32
    %reduce_or3A_63 = arith.constant 0.000000e+00 : f32
    %reduce_or3A_64 = vector.broadcast %reduce_or3A : f32 to vector<16xf32>
    %reduce_or3A_65 = vector.broadcast %reduce_or3A_63 : f32 to vector<16xf32>
    %reduce_or3A_66 = arith.select %gt3A_62, %reduce_or3A_64, %reduce_or3A_65 : vector<16xi1>, vector<16xf32>
    %reduce_or3A_67 = arith.constant true
    %reduce_or3A_68 = vector.broadcast %reduce_or3A_67 : i1 to vector<16xi1>
    %reduce_or3A_69 = tpu.scan <max>, %reduce_or3A_66 masked %reduce_or3A_68 : vector<16xf32>, vector<16xi1> -> vector<16xf32>
    %reduce_or3A_70 = vector.extract %reduce_or3A_69[15] : f32 from vector<16xf32>
    %reduce_or3A_71 = arith.constant 0.000000e+00 : f32
    %reduce_or3A_72 = arith.cmpf ogt, %reduce_or3A_70, %reduce_or3A_71 : f32
    %scan3A_73 = arith.constant 0 : i32
    %scan3A_74 = arith.constant 65 : i32
    %scan3A_75 = arith.addi %scan3A_73, %scan3A_74 : i32
    %scan3A_76 = arith.constant 1 : i32
    %scan3A_77 = scf.for %scan3A_116 = %scan3A_73 to %scan3A_75 step %scan3A_76 iter_args(%scan3A_117 = %broadcast_in_dim3A_28) -> (vector<16xi32>)  : i32 {
      %mul3A_118 = arith.constant 256 : i32
      %mul3A_119 = arith.muli %scan3A_116, %mul3A_118 : i32
      %mul3A_120 = arith.constant 16 : i32
      %mul3A_121 = vector.broadcast %mul3A_120 : i32 to vector<16xi32>
      %mul3A_122 = arith.muli %iota3A, %mul3A_121 : vector<16xi32>
      %add3A_123 = vector.broadcast %mul3A_119 : i32 to vector<16xi32>
      %add3A_124 = arith.addi %add3A_123, %mul3A_122 : vector<16xi32>
      %add3A_125 = arith.constant 15 : i32
      %add3A_126 = vector.broadcast %add3A_125 : i32 to vector<16xi32>
      %add3A_127 = arith.addi %add3A_124, %add3A_126 : vector<16xi32>
      %min3A = arith.constant 16399 : i32
      %min3A_128 = vector.broadcast %min3A : i32 to vector<16xi32>
      %min3A_129 = arith.minsi %add3A_127, %min3A_128 : vector<16xi32>
      %gather3A = tpu.vector_load_idx %arg7[%min3A_129] : memref<16400xi32, #tpu.memory_space<vmem>>[vector<16xi32>], vector<16xi32>,
      %mul3A_130 = arith.constant 16 : i32
      %mul3A_131 = arith.muli %scan3A_116, %mul3A_130 : i32
      %add3A_132 = vector.broadcast %mul3A_131 : i32 to vector<16xi32>
      %add3A_133 = arith.addi %add3A_132, %iota3A : vector<16xi32>
      %lt3A = arith.constant 1025 : i32
      %lt3A_134 = vector.broadcast %lt3A : i32 to vector<16xi32>
      %lt3A_135 = arith.cmpi slt, %add3A_133, %lt3A_134 : vector<16xi32>
      %jit3A = arith.constant 0 : i32
      %broadcast_in_dim3A_136 = vector.broadcast %jit3A : i32 to vector<16xi32>
      %select_n3A = arith.select %lt3A_135, %gather3A, %broadcast_in_dim3A_136 : vector<16xi1>, vector<16xi32>
      %ge3A = arith.constant 1 : i32
      %ge3A_137 = vector.broadcast %ge3A : i32 to vector<16xi32>
      %ge3A_138 = arith.cmpi sge, %iota3A, %ge3A_137 : vector<16xi32>
      %sub3A = arith.constant 1 : i32
      %sub3A_139 = vector.broadcast %sub3A : i32 to vector<16xi32>
      %sub3A_140 = arith.subi %iota3A, %sub3A_139 : vector<16xi32>
      %max3A = arith.constant 0 : i32
      %max3A_141 = vector.broadcast %max3A : i32 to vector<16xi32>
      %max3A_142 = arith.maxsi %sub3A_140, %max3A_141 : vector<16xi32>
      %broadcast_in_dim3A_143 = vector.shape_cast %max3A_142 : vector<16xi32> to vector<16x1xi32>
      %gather3A_144 = vector.shape_cast %broadcast_in_dim3A_143 : vector<16x1xi32> to vector<16xi32>
      %gather3A_145 = tpu.dynamic_gather %select_n3A[%gather3A_144] in [0] : vector<16xi32>, vector<16xi32> -> vector<16xi32>
      %jit3A_146 = arith.constant 0 : i32
      %broadcast_in_dim3A_147 = vector.broadcast %jit3A_146 : i32 to vector<16xi32>
      %select_n3A_148 = arith.select %ge3A_138, %gather3A_145, %broadcast_in_dim3A_147 : vector<16xi1>, vector<16xi32>
      %add3A_149 = arith.addi %select_n3A, %select_n3A_148 : vector<16xi32>
      %ge3A_150 = arith.constant 2 : i32
      %ge3A_151 = vector.broadcast %ge3A_150 : i32 to vector<16xi32>
      %ge3A_152 = arith.cmpi sge, %iota3A, %ge3A_151 : vector<16xi32>
      %sub3A_153 = arith.constant 2 : i32
      %sub3A_154 = vector.broadcast %sub3A_153 : i32 to vector<16xi32>
      %sub3A_155 = arith.subi %iota3A, %sub3A_154 : vector<16xi32>
      %max3A_156 = arith.constant 0 : i32
      %max3A_157 = vector.broadcast %max3A_156 : i32 to vector<16xi32>
      %max3A_158 = arith.maxsi %sub3A_155, %max3A_157 : vector<16xi32>
      %broadcast_in_dim3A_159 = vector.shape_cast %max3A_158 : vector<16xi32> to vector<16x1xi32>
      %gather3A_160 = vector.shape_cast %broadcast_in_dim3A_159 : vector<16x1xi32> to vector<16xi32>
      %gather3A_161 = tpu.dynamic_gather %add3A_149[%gather3A_160] in [0] : vector<16xi32>, vector<16xi32> -> vector<16xi32>
      %jit3A_162 = arith.constant 0 : i32
      %broadcast_in_dim3A_163 = vector.broadcast %jit3A_162 : i32 to vector<16xi32>
      %select_n3A_164 = arith.select %ge3A_152, %gather3A_161, %broadcast_in_dim3A_163 : vector<16xi1>, vector<16xi32>
      %add3A_165 = arith.addi %add3A_149, %select_n3A_164 : vector<16xi32>
      %ge3A_166 = arith.constant 4 : i32
      %ge3A_167 = vector.broadcast %ge3A_166 : i32 to vector<16xi32>
      %ge3A_168 = arith.cmpi sge, %iota3A, %ge3A_167 : vector<16xi32>
      %sub3A_169 = arith.constant 4 : i32
      %sub3A_170 = vector.broadcast %sub3A_169 : i32 to vector<16xi32>
      %sub3A_171 = arith.subi %iota3A, %sub3A_170 : vector<16xi32>
      %max3A_172 = arith.constant 0 : i32
      %max3A_173 = vector.broadcast %max3A_172 : i32 to vector<16xi32>
      %max3A_174 = arith.maxsi %sub3A_171, %max3A_173 : vector<16xi32>
      %broadcast_in_dim3A_175 = vector.shape_cast %max3A_174 : vector<16xi32> to vector<16x1xi32>
      %gather3A_176 = vector.shape_cast %broadcast_in_dim3A_175 : vector<16x1xi32> to vector<16xi32>
      %gather3A_177 = tpu.dynamic_gather %add3A_165[%gather3A_176] in [0] : vector<16xi32>, vector<16xi32> -> vector<16xi32>
      %jit3A_178 = arith.constant 0 : i32
      %broadcast_in_dim3A_179 = vector.broadcast %jit3A_178 : i32 to vector<16xi32>
      %select_n3A_180 = arith.select %ge3A_168, %gather3A_177, %broadcast_in_dim3A_179 : vector<16xi1>, vector<16xi32>
      %add3A_181 = arith.addi %add3A_165, %select_n3A_180 : vector<16xi32>
      %ge3A_182 = arith.constant 8 : i32
      %ge3A_183 = vector.broadcast %ge3A_182 : i32 to vector<16xi32>
      %ge3A_184 = arith.cmpi sge, %iota3A, %ge3A_183 : vector<16xi32>
      %sub3A_185 = arith.constant 8 : i32
      %sub3A_186 = vector.broadcast %sub3A_185 : i32 to vector<16xi32>
      %sub3A_187 = arith.subi %iota3A, %sub3A_186 : vector<16xi32>
      %max3A_188 = arith.constant 0 : i32
      %max3A_189 = vector.broadcast %max3A_188 : i32 to vector<16xi32>
      %max3A_190 = arith.maxsi %sub3A_187, %max3A_189 : vector<16xi32>
      %broadcast_in_dim3A_191 = vector.shape_cast %max3A_190 : vector<16xi32> to vector<16x1xi32>
      %gather3A_192 = vector.shape_cast %broadcast_in_dim3A_191 : vector<16x1xi32> to vector<16xi32>
      %gather3A_193 = tpu.dynamic_gather %add3A_181[%gather3A_192] in [0] : vector<16xi32>, vector<16xi32> -> vector<16xi32>
      %jit3A_194 = arith.constant 0 : i32
      %broadcast_in_dim3A_195 = vector.broadcast %jit3A_194 : i32 to vector<16xi32>
      %select_n3A_196 = arith.select %ge3A_184, %gather3A_193, %broadcast_in_dim3A_195 : vector<16xi1>, vector<16xi32>
      %add3A_197 = arith.addi %add3A_181, %select_n3A_196 : vector<16xi32>
      %sub3A_198 = arith.subi %add3A_197, %select_n3A : vector<16xi32>
      %add3A_199 = arith.addi %sub3A_198, %scan3A_117 : vector<16xi32>
      %mul3A_200 = arith.constant 16 : i32
      %mul3A_201 = arith.muli %scan3A_116, %mul3A_200 : i32
      %swap3A = arith.index_cast %mul3A_201 : i32 to index
      %swap3A_202 = tpu.vector_load %arg10[%swap3A] {strides = array<i32>} : memref<1040xi32, #tpu.memory_space<vmem>>, vector<16xi32>,
      tpu.vector_store %arg10[%swap3A], %add3A_199 {strides = array<i32>} : memref<1040xi32, #tpu.memory_space<vmem>>, vector<16xi32>,
      %broadcast_in_dim3A_203 = vector.shape_cast %broadcast_in_dim3A_32 : vector<16xi32> to vector<16x1xi32>
      %gather3A_204 = vector.shape_cast %broadcast_in_dim3A_203 : vector<16x1xi32> to vector<16xi32>
      %gather3A_205 = tpu.dynamic_gather %add3A_197[%gather3A_204] in [0] : vector<16xi32>, vector<16xi32> -> vector<16xi32>
      %add3A_206 = arith.addi %scan3A_117, %gather3A_205 : vector<16xi32>
      scf.yield %add3A_206 : vector<16xi32>
    }
    %scan3A_78 = arith.constant 65 : i32
    %parallel_loop3A_79 = arith.constant 0 : i32
    %parallel_loop3A_80 = arith.constant 1025 : i32
    %parallel_loop3A_81 = arith.constant 1 : i32
    scf.for %parallel_loop3A_116 = %parallel_loop3A_79 to %parallel_loop3A_80 step %parallel_loop3A_81  : i32 {
      %parallel_loop3A_117 = arith.constant 16 : i32
      %parallel_loop3A_118 = arith.muli %parallel_loop3A_116, %parallel_loop3A_117 : i32
      %parallel_loop3A_119 = arith.index_cast %parallel_loop3A_118 : i32 to index
      %parallel_loop3A_120 = tpu.vector_load %arg7[%parallel_loop3A_119] {strides = array<i32>} : memref<16400xi32, #tpu.memory_space<vmem>>, vector<16xi32>,
      %parallel_loop3A_121 = arith.constant 1 : i32
      %parallel_loop3A_122 = vector.broadcast %parallel_loop3A_121 : i32 to vector<16xi32>
      %parallel_loop3A_123 = arith.cmpi sge, %iota3A, %parallel_loop3A_122 : vector<16xi32>
      %parallel_loop3A_124 = arith.constant 1 : i32
      %parallel_loop3A_125 = vector.broadcast %parallel_loop3A_124 : i32 to vector<16xi32>
      %parallel_loop3A_126 = arith.subi %iota3A, %parallel_loop3A_125 : vector<16xi32>
      %parallel_loop3A_127 = arith.constant 0 : i32
      %parallel_loop3A_128 = vector.broadcast %parallel_loop3A_127 : i32 to vector<16xi32>
      %parallel_loop3A_129 = arith.maxsi %parallel_loop3A_126, %parallel_loop3A_128 : vector<16xi32>
      %parallel_loop3A_130 = vector.shape_cast %parallel_loop3A_129 : vector<16xi32> to vector<16x1xi32>
      %parallel_loop3A_131 = vector.shape_cast %parallel_loop3A_130 : vector<16x1xi32> to vector<16xi32>
      %parallel_loop3A_132 = tpu.dynamic_gather %parallel_loop3A_120[%parallel_loop3A_131] in [0] : vector<16xi32>, vector<16xi32> -> vector<16xi32>
      %parallel_loop3A_133 = arith.constant 0 : i32
      %parallel_loop3A_134 = vector.broadcast %parallel_loop3A_133 : i32 to vector<16xi32>
      %parallel_loop3A_135 = arith.select %parallel_loop3A_123, %parallel_loop3A_132, %parallel_loop3A_134 : vector<16xi1>, vector<16xi32>
      %parallel_loop3A_136 = vector.broadcast %parallel_loop3A_116 : i32 to vector<16xi32>
      %parallel_loop3A_137 = arith.addi %broadcast_in_dim3A_28, %parallel_loop3A_136 : vector<16xi32>
      %parallel_loop3A_138 = tpu.vector_load_idx %arg10[%parallel_loop3A_137] : memref<1040xi32, #tpu.memory_space<vmem>>[vector<16xi32>], vector<16xi32>,
      %parallel_loop3A_139 = arith.addi %parallel_loop3A_135, %parallel_loop3A_138 : vector<16xi32>
      %parallel_loop3A_140 = arith.constant 16 : i32
      %parallel_loop3A_141 = arith.muli %parallel_loop3A_116, %parallel_loop3A_140 : i32
      %parallel_loop3A_142 = arith.index_cast %parallel_loop3A_141 : i32 to index
      %parallel_loop3A_143 = tpu.vector_load %arg7[%parallel_loop3A_142] {strides = array<i32>} : memref<16400xi32, #tpu.memory_space<vmem>>, vector<16xi32>,
      tpu.vector_store %arg7[%parallel_loop3A_142], %parallel_loop3A_139 {strides = array<i32>} : memref<16400xi32, #tpu.memory_space<vmem>>, vector<16xi32>,
    } {sc.loop_unroll_factor = 4 : i64, sc.parallel_access}
    %scan3A_82 = arith.constant 2.048000e+03 : f32
    %scan3A_83 = arith.constant 1.638300e+04 : f32
    %scan3A_84 = arith.constant 0 : i32
    %scan3A_85 = arith.constant 0 : i32
    %scan3A_86 = arith.constant 32 : i32
    %scan3A_87 = arith.addi %scan3A_85, %scan3A_86 : i32
    %scan3A_88 = arith.constant 1 : i32
    %scan3A_89 = scf.for %scan3A_116 = %scan3A_85 to %scan3A_87 step %scan3A_88 iter_args(%scan3A_117 = %scan3A_84) -> (i32)  : i32 {
      %and3A_118 = arith.constant 1 : i32
      %and3A_119 = arith.andi %scan3A_116, %and3A_118 : i32
      %mul3A_120 = arith.constant 16384 : i32
      %mul3A_121 = arith.muli %and3A_119, %mul3A_120 : i32
      %mul3A_122 = arith.constant 16384 : i32
      %mul3A_123 = arith.muli %scan3A_116, %mul3A_122 : i32
      %add3A_124 = arith.addi %mul3A_2, %mul3A_123 : i32
      %mul3A_125 = arith.constant 16384 : i32
      %mul3A_126 = arith.muli %and3A_119, %mul3A_125 : i32
      %dma_wait3A_127 = tpu.memref_slice %arg11[%mul3A_126] : memref<32768xf32, #tpu.memory_space<vmem>> -> memref<16384xf32, #tpu.memory_space<vmem>>
      %dma_wait3A_128 = tpu.memref_slice %arg2[%add3A_124] : memref<16777216xf32, #tpu.memory_space<hbm>> -> memref<16384xf32, #tpu.memory_space<hbm>>
      %dma_wait3A_129 = tpu.memref_slice %arg13[%and3A_119] : memref<2x!tpu.dma_semaphore, #tpu.memory_space<semaphore_mem>> -> memref<1x!tpu.dma_semaphore, #tpu.memory_space<semaphore_mem>>
      %dma_wait3A_130 = tpu.memref_squeeze %dma_wait3A_129 : memref<1x!tpu.dma_semaphore, #tpu.memory_space<semaphore_mem>> -> memref<!tpu.dma_semaphore, #tpu.memory_space<semaphore_mem>>
      %dma_wait3A_131 = tpu.memref_slice %arg11[%mul3A_126] : memref<32768xf32, #tpu.memory_space<vmem>> -> memref<16384xf32, #tpu.memory_space<vmem>>
      %dma_wait3A_132 = tpu.memref_slice %arg2[%add3A_124] : memref<16777216xf32, #tpu.memory_space<hbm>> -> memref<16384xf32, #tpu.memory_space<hbm>>
      tpu.wait_dma2 semaphore(%dma_wait3A_130 : memref<!tpu.dma_semaphore, #tpu.memory_space<semaphore_mem>>) src(%dma_wait3A_132 : memref<16384xf32, #tpu.memory_space<hbm>>) dst(%dma_wait3A_131 : memref<16384xf32, #tpu.memory_space<vmem>>)
      %ge3A = arith.constant 2 : i32
      %ge3A_133 = arith.cmpi sge, %scan3A_116, %ge3A : i32
      %convert_element_type3A = arith.extui %ge3A_133 : i1 to i32
      %cond3A = arith.constant 0 : i32
      %cond3A_134 = arith.cmpi ne, %convert_element_type3A, %cond3A : i32
      scf.if %cond3A_134 {
        %sub3A = arith.constant 2 : i32
        %sub3A_159 = arith.subi %scan3A_116, %sub3A : i32
        %mul3A_160 = arith.constant 16384 : i32
        %mul3A_161 = arith.muli %and3A_119, %mul3A_160 : i32
        %mul3A_162 = arith.constant 16384 : i32
        %mul3A_163 = arith.muli %sub3A_159, %mul3A_162 : i32
        %add3A_164 = arith.addi %mul3A_2, %mul3A_163 : i32
        %dma_wait3A_165 = tpu.memref_slice %arg12[%mul3A_161] : memref<32768xi32, #tpu.memory_space<vmem>> -> memref<16384xi32, #tpu.memory_space<vmem>>
        %dma_wait3A_166 = tpu.memref_slice %arg4[%add3A_164] : memref<16777216xi32, #tpu.memory_space<hbm>> -> memref<16384xi32, #tpu.memory_space<hbm>>
        %dma_wait3A_167 = tpu.memref_slice %arg14[%and3A_119] : memref<2x!tpu.dma_semaphore, #tpu.memory_space<semaphore_mem>> -> memref<1x!tpu.dma_semaphore, #tpu.memory_space<semaphore_mem>>
        %dma_wait3A_168 = tpu.memref_squeeze %dma_wait3A_167 : memref<1x!tpu.dma_semaphore, #tpu.memory_space<semaphore_mem>> -> memref<!tpu.dma_semaphore, #tpu.memory_space<semaphore_mem>>
        %dma_wait3A_169 = tpu.memref_slice %arg4[%add3A_164] : memref<16777216xi32, #tpu.memory_space<hbm>> -> memref<16384xi32, #tpu.memory_space<hbm>>
        %dma_wait3A_170 = tpu.memref_slice %arg12[%mul3A_161] : memref<32768xi32, #tpu.memory_space<vmem>> -> memref<16384xi32, #tpu.memory_space<vmem>>
        tpu.wait_dma2 semaphore(%dma_wait3A_168 : memref<!tpu.dma_semaphore, #tpu.memory_space<semaphore_mem>>) src(%dma_wait3A_170 : memref<16384xi32, #tpu.memory_space<vmem>>) dst(%dma_wait3A_169 : memref<16384xi32, #tpu.memory_space<hbm>>)
      } else {
      }
      %parallel_loop3A_135 = arith.constant 0 : i32
      %parallel_loop3A_136 = arith.constant 1024 : i32
      %parallel_loop3A_137 = arith.constant 1 : i32
      scf.for %parallel_loop3A_159 = %parallel_loop3A_135 to %parallel_loop3A_136 step %parallel_loop3A_137  : i32 {
        %parallel_loop3A_160 = arith.constant 16 : i32
        %parallel_loop3A_161 = arith.muli %parallel_loop3A_159, %parallel_loop3A_160 : i32
        %parallel_loop3A_162 = arith.addi %mul3A_121, %parallel_loop3A_161 : i32
        %parallel_loop3A_163 = arith.index_cast %parallel_loop3A_162 : i32 to index
        %parallel_loop3A_164 = tpu.vector_load %arg11[%parallel_loop3A_163] {strides = array<i32>} : memref<32768xf32, #tpu.memory_space<vmem>>, vector<16xf32>,
        %parallel_loop3A_165 = arith.constant -4.000000e+00 : f32
        %parallel_loop3A_166 = vector.broadcast %parallel_loop3A_165 : f32 to vector<16xf32>
        %parallel_loop3A_167 = arith.subf %parallel_loop3A_164, %parallel_loop3A_166 : vector<16xf32>
        %parallel_loop3A_168 = vector.broadcast %scan3A_82 : f32 to vector<16xf32>
        %parallel_loop3A_169 = arith.mulf %parallel_loop3A_167, %parallel_loop3A_168 : vector<16xf32>
        %parallel_loop3A_170 = arith.constant 0.000000e+00 : f32
        %parallel_loop3A_171 = vector.broadcast %parallel_loop3A_170 : f32 to vector<16xf32>
        %parallel_loop3A_172 = arith.maximumf %parallel_loop3A_169, %parallel_loop3A_171 : vector<16xf32>
        %parallel_loop3A_173 = vector.broadcast %scan3A_83 : f32 to vector<16xf32>
        %parallel_loop3A_174 = arith.minimumf %parallel_loop3A_172, %parallel_loop3A_173 : vector<16xf32>
        %parallel_loop3A_175 = arith.fptosi %parallel_loop3A_174 : vector<16xf32> to vector<16xi32>
        %parallel_loop3A_176 = tpu.vector_load_idx %arg7[%parallel_loop3A_175] : memref<16400xi32, #tpu.memory_space<vmem>>[vector<16xi32>], vector<16xi32>,
        %parallel_loop3A_177 = tpu.vector_load_idx %arg8[%parallel_loop3A_175] : memref<16400xf32, #tpu.memory_space<vmem>>[vector<16xi32>], vector<16xf32>,
        %parallel_loop3A_178 = arith.cmpf ole, %parallel_loop3A_177, %parallel_loop3A_164 : vector<16xf32>
        %parallel_loop3A_179 = arith.constant 1 : i32
        %parallel_loop3A_180 = vector.broadcast %parallel_loop3A_179 : i32 to vector<16xi32>
        %parallel_loop3A_181 = arith.addi %parallel_loop3A_176, %parallel_loop3A_180 : vector<16xi32>
        %parallel_loop3A_182 = arith.select %parallel_loop3A_178, %parallel_loop3A_181, %parallel_loop3A_176 : vector<16xi1>, vector<16xi32>
        %parallel_loop3A_183 = arith.constant 4.000000e+00 : f32
        %parallel_loop3A_184 = vector.broadcast %parallel_loop3A_183 : f32 to vector<16xf32>
        %parallel_loop3A_185 = arith.cmpf oge, %parallel_loop3A_164, %parallel_loop3A_184 : vector<16xf32>
        %parallel_loop3A_186 = arith.constant 8191 : i32
        %parallel_loop3A_187 = vector.broadcast %parallel_loop3A_186 : i32 to vector<16xi32>
        %parallel_loop3A_188 = arith.select %parallel_loop3A_185, %parallel_loop3A_187, %parallel_loop3A_182 : vector<16xi1>, vector<16xi32>
        %parallel_loop3A_189 = arith.constant 16 : i32
        %parallel_loop3A_190 = arith.muli %parallel_loop3A_159, %parallel_loop3A_189 : i32
        %parallel_loop3A_191 = arith.addi %mul3A_121, %parallel_loop3A_190 : i32
        %parallel_loop3A_192 = arith.index_cast %parallel_loop3A_191 : i32 to index
        %parallel_loop3A_193 = tpu.vector_load %arg12[%parallel_loop3A_192] {strides = array<i32>} : memref<32768xi32, #tpu.memory_space<vmem>>, vector<16xi32>,
        tpu.vector_store %arg12[%parallel_loop3A_192], %parallel_loop3A_188 {strides = array<i32>} : memref<32768xi32, #tpu.memory_space<vmem>>, vector<16xi32>,
      } {sc.loop_unroll_factor = 8 : i64, sc.parallel_access}
      %convert_element_type3A_138 = arith.extui %reduce_or3A_72 : i1 to i32
      %cond3A_139 = arith.constant 0 : i32
      %cond3A_140 = arith.cmpi ne, %convert_element_type3A_138, %cond3A_139 : i32
      scf.if %cond3A_140 {
        %scan3A_159 = arith.constant 0 : i32
        %scan3A_160 = arith.constant 0 : i32
        %scan3A_161 = arith.constant 1024 : i32
        %scan3A_162 = arith.addi %scan3A_160, %scan3A_161 : i32
        %scan3A_163 = arith.constant 4 : i32
        %scan3A_164 = scf.for %scan3A_166 = %scan3A_160 to %scan3A_162 step %scan3A_163 iter_args(%scan3A_167 = %scan3A_159) -> (i32)  : i32 {
          %mul3A_168 = arith.constant 16 : i32
          %mul3A_169 = arith.muli %scan3A_166, %mul3A_168 : i32
          %add3A_170 = arith.addi %mul3A_121, %mul3A_169 : i32
          %get3A = arith.index_cast %add3A_170 : i32 to index
          %get3A_171 = tpu.vector_load %arg11[%get3A] {strides = array<i32>} : memref<32768xf32, #tpu.memory_space<vmem>>, vector<16xf32>,
          %broadcast_in_dim3A_172 = arith.constant 0 : i32
          %broadcast_in_dim3A_173 = vector.broadcast %broadcast_in_dim3A_172 : i32 to vector<16xi32>
          %broadcast_in_dim3A_174 = arith.constant 8192 : i32
          %broadcast_in_dim3A_175 = vector.broadcast %broadcast_in_dim3A_174 : i32 to vector<16xi32>
          %add3A_176 = arith.addi %broadcast_in_dim3A_173, %broadcast_in_dim3A_175 : vector<16xi32>
          %shift_right_arithmetic3A = arith.constant 1 : i32
          %shift_right_arithmetic3A_177 = vector.broadcast %shift_right_arithmetic3A : i32 to vector<16xi32>
          %shift_right_arithmetic3A_178 = arith.shrsi %add3A_176, %shift_right_arithmetic3A_177 : vector<16xi32>
          %gather3A = tpu.vector_load_idx %arg6[%shift_right_arithmetic3A_178] : memref<8192xf32, #tpu.memory_space<vmem>>[vector<16xi32>], vector<16xf32>,
          %le3A = arith.cmpf ole, %gather3A, %get3A_171 : vector<16xf32>
          %add3A_179 = arith.constant 1 : i32
          %add3A_180 = vector.broadcast %add3A_179 : i32 to vector<16xi32>
          %add3A_181 = arith.addi %shift_right_arithmetic3A_178, %add3A_180 : vector<16xi32>
          %select_n3A = arith.select %le3A, %add3A_181, %broadcast_in_dim3A_173 : vector<16xi1>, vector<16xi32>
          %select_n3A_182 = arith.select %le3A, %broadcast_in_dim3A_175, %shift_right_arithmetic3A_178 : vector<16xi1>, vector<16xi32>
          %add3A_183 = arith.addi %select_n3A, %select_n3A_182 : vector<16xi32>
          %shift_right_arithmetic3A_184 = arith.constant 1 : i32
          %shift_right_arithmetic3A_185 = vector.broadcast %shift_right_arithmetic3A_184 : i32 to vector<16xi32>
          %shift_right_arithmetic3A_186 = arith.shrsi %add3A_183, %shift_right_arithmetic3A_185 : vector<16xi32>
          %gather3A_187 = tpu.vector_load_idx %arg6[%shift_right_arithmetic3A_186] : memref<8192xf32, #tpu.memory_space<vmem>>[vector<16xi32>], vector<16xf32>,
          %le3A_188 = arith.cmpf ole, %gather3A_187, %get3A_171 : vector<16xf32>
          %add3A_189 = arith.constant 1 : i32
          %add3A_190 = vector.broadcast %add3A_189 : i32 to vector<16xi32>
          %add3A_191 = arith.addi %shift_right_arithmetic3A_186, %add3A_190 : vector<16xi32>
          %select_n3A_192 = arith.select %le3A_188, %add3A_191, %select_n3A : vector<16xi1>, vector<16xi32>
          %select_n3A_193 = arith.select %le3A_188, %select_n3A_182, %shift_right_arithmetic3A_186 : vector<16xi1>, vector<16xi32>
          %add3A_194 = arith.addi %select_n3A_192, %select_n3A_193 : vector<16xi32>
          %shift_right_arithmetic3A_195 = arith.constant 1 : i32
          %shift_right_arithmetic3A_196 = vector.broadcast %shift_right_arithmetic3A_195 : i32 to vector<16xi32>
          %shift_right_arithmetic3A_197 = arith.shrsi %add3A_194, %shift_right_arithmetic3A_196 : vector<16xi32>
          %gather3A_198 = tpu.vector_load_idx %arg6[%shift_right_arithmetic3A_197] : memref<8192xf32, #tpu.memory_space<vmem>>[vector<16xi32>], vector<16xf32>,
          %le3A_199 = arith.cmpf ole, %gather3A_198, %get3A_171 : vector<16xf32>
          %add3A_200 = arith.constant 1 : i32
          %add3A_201 = vector.broadcast %add3A_200 : i32 to vector<16xi32>
          %add3A_202 = arith.addi %shift_right_arithmetic3A_197, %add3A_201 : vector<16xi32>
          %select_n3A_203 = arith.select %le3A_199, %add3A_202, %select_n3A_192 : vector<16xi1>, vector<16xi32>
          %select_n3A_204 = arith.select %le3A_199, %select_n3A_193, %shift_right_arithmetic3A_197 : vector<16xi1>, vector<16xi32>
          %add3A_205 = arith.addi %select_n3A_203, %select_n3A_204 : vector<16xi32>
          %shift_right_arithmetic3A_206 = arith.constant 1 : i32
          %shift_right_arithmetic3A_207 = vector.broadcast %shift_right_arithmetic3A_206 : i32 to vector<16xi32>
          %shift_right_arithmetic3A_208 = arith.shrsi %add3A_205, %shift_right_arithmetic3A_207 : vector<16xi32>
          %gather3A_209 = tpu.vector_load_idx %arg6[%shift_right_arithmetic3A_208] : memref<8192xf32, #tpu.memory_space<vmem>>[vector<16xi32>], vector<16xf32>,
          %le3A_210 = arith.cmpf ole, %gather3A_209, %get3A_171 : vector<16xf32>
          %add3A_211 = arith.constant 1 : i32
          %add3A_212 = vector.broadcast %add3A_211 : i32 to vector<16xi32>
          %add3A_213 = arith.addi %shift_right_arithmetic3A_208, %add3A_212 : vector<16xi32>
          %select_n3A_214 = arith.select %le3A_210, %add3A_213, %select_n3A_203 : vector<16xi1>, vector<16xi32>
          %select_n3A_215 = arith.select %le3A_210, %select_n3A_204, %shift_right_arithmetic3A_208 : vector<16xi1>, vector<16xi32>
          %add3A_216 = arith.addi %select_n3A_214, %select_n3A_215 : vector<16xi32>
          %shift_right_arithmetic3A_217 = arith.constant 1 : i32
          %shift_right_arithmetic3A_218 = vector.broadcast %shift_right_arithmetic3A_217 : i32 to vector<16xi32>
          %shift_right_arithmetic3A_219 = arith.shrsi %add3A_216, %shift_right_arithmetic3A_218 : vector<16xi32>
          %gather3A_220 = tpu.vector_load_idx %arg6[%shift_right_arithmetic3A_219] : memref<8192xf32, #tpu.memory_space<vmem>>[vector<16xi32>], vector<16xf32>,
          %le3A_221 = arith.cmpf ole, %gather3A_220, %get3A_171 : vector<16xf32>
          %add3A_222 = arith.constant 1 : i32
          %add3A_223 = vector.broadcast %add3A_222 : i32 to vector<16xi32>
          %add3A_224 = arith.addi %shift_right_arithmetic3A_219, %add3A_223 : vector<16xi32>
          %select_n3A_225 = arith.select %le3A_221, %add3A_224, %select_n3A_214 : vector<16xi1>, vector<16xi32>
          %select_n3A_226 = arith.select %le3A_221, %select_n3A_215, %shift_right_arithmetic3A_219 : vector<16xi1>, vector<16xi32>
          %add3A_227 = arith.addi %select_n3A_225, %select_n3A_226 : vector<16xi32>
          %shift_right_arithmetic3A_228 = arith.constant 1 : i32
          %shift_right_arithmetic3A_229 = vector.broadcast %shift_right_arithmetic3A_228 : i32 to vector<16xi32>
          %shift_right_arithmetic3A_230 = arith.shrsi %add3A_227, %shift_right_arithmetic3A_229 : vector<16xi32>
          %gather3A_231 = tpu.vector_load_idx %arg6[%shift_right_arithmetic3A_230] : memref<8192xf32, #tpu.memory_space<vmem>>[vector<16xi32>], vector<16xf32>,
          %le3A_232 = arith.cmpf ole, %gather3A_231, %get3A_171 : vector<16xf32>
          %add3A_233 = arith.constant 1 : i32
          %add3A_234 = vector.broadcast %add3A_233 : i32 to vector<16xi32>
          %add3A_235 = arith.addi %shift_right_arithmetic3A_230, %add3A_234 : vector<16xi32>
          %select_n3A_236 = arith.select %le3A_232, %add3A_235, %select_n3A_225 : vector<16xi1>, vector<16xi32>
          %select_n3A_237 = arith.select %le3A_232, %select_n3A_226, %shift_right_arithmetic3A_230 : vector<16xi1>, vector<16xi32>
          %add3A_238 = arith.addi %select_n3A_236, %select_n3A_237 : vector<16xi32>
          %shift_right_arithmetic3A_239 = arith.constant 1 : i32
          %shift_right_arithmetic3A_240 = vector.broadcast %shift_right_arithmetic3A_239 : i32 to vector<16xi32>
          %shift_right_arithmetic3A_241 = arith.shrsi %add3A_238, %shift_right_arithmetic3A_240 : vector<16xi32>
          %gather3A_242 = tpu.vector_load_idx %arg6[%shift_right_arithmetic3A_241] : memref<8192xf32, #tpu.memory_space<vmem>>[vector<16xi32>], vector<16xf32>,
          %le3A_243 = arith.cmpf ole, %gather3A_242, %get3A_171 : vector<16xf32>
          %add3A_244 = arith.constant 1 : i32
          %add3A_245 = vector.broadcast %add3A_244 : i32 to vector<16xi32>
          %add3A_246 = arith.addi %shift_right_arithmetic3A_241, %add3A_245 : vector<16xi32>
          %select_n3A_247 = arith.select %le3A_243, %add3A_246, %select_n3A_236 : vector<16xi1>, vector<16xi32>
          %select_n3A_248 = arith.select %le3A_243, %select_n3A_237, %shift_right_arithmetic3A_241 : vector<16xi1>, vector<16xi32>
          %add3A_249 = arith.addi %select_n3A_247, %select_n3A_248 : vector<16xi32>
          %shift_right_arithmetic3A_250 = arith.constant 1 : i32
          %shift_right_arithmetic3A_251 = vector.broadcast %shift_right_arithmetic3A_250 : i32 to vector<16xi32>
          %shift_right_arithmetic3A_252 = arith.shrsi %add3A_249, %shift_right_arithmetic3A_251 : vector<16xi32>
          %gather3A_253 = tpu.vector_load_idx %arg6[%shift_right_arithmetic3A_252] : memref<8192xf32, #tpu.memory_space<vmem>>[vector<16xi32>], vector<16xf32>,
          %le3A_254 = arith.cmpf ole, %gather3A_253, %get3A_171 : vector<16xf32>
          %add3A_255 = arith.constant 1 : i32
          %add3A_256 = vector.broadcast %add3A_255 : i32 to vector<16xi32>
          %add3A_257 = arith.addi %shift_right_arithmetic3A_252, %add3A_256 : vector<16xi32>
          %select_n3A_258 = arith.select %le3A_254, %add3A_257, %select_n3A_247 : vector<16xi1>, vector<16xi32>
          %select_n3A_259 = arith.select %le3A_254, %select_n3A_248, %shift_right_arithmetic3A_252 : vector<16xi1>, vector<16xi32>
          %add3A_260 = arith.addi %select_n3A_258, %select_n3A_259 : vector<16xi32>
          %shift_right_arithmetic3A_261 = arith.constant 1 : i32
          %shift_right_arithmetic3A_262 = vector.broadcast %shift_right_arithmetic3A_261 : i32 to vector<16xi32>
          %shift_right_arithmetic3A_263 = arith.shrsi %add3A_260, %shift_right_arithmetic3A_262 : vector<16xi32>
          %gather3A_264 = tpu.vector_load_idx %arg6[%shift_right_arithmetic3A_263] : memref<8192xf32, #tpu.memory_space<vmem>>[vector<16xi32>], vector<16xf32>,
          %le3A_265 = arith.cmpf ole, %gather3A_264, %get3A_171 : vector<16xf32>
          %add3A_266 = arith.constant 1 : i32
          %add3A_267 = vector.broadcast %add3A_266 : i32 to vector<16xi32>
          %add3A_268 = arith.addi %shift_right_arithmetic3A_263, %add3A_267 : vector<16xi32>
          %select_n3A_269 = arith.select %le3A_265, %add3A_268, %select_n3A_258 : vector<16xi1>, vector<16xi32>
          %select_n3A_270 = arith.select %le3A_265, %select_n3A_259, %shift_right_arithmetic3A_263 : vector<16xi1>, vector<16xi32>
          %add3A_271 = arith.addi %select_n3A_269, %select_n3A_270 : vector<16xi32>
          %shift_right_arithmetic3A_272 = arith.constant 1 : i32
          %shift_right_arithmetic3A_273 = vector.broadcast %shift_right_arithmetic3A_272 : i32 to vector<16xi32>
          %shift_right_arithmetic3A_274 = arith.shrsi %add3A_271, %shift_right_arithmetic3A_273 : vector<16xi32>
          %gather3A_275 = tpu.vector_load_idx %arg6[%shift_right_arithmetic3A_274] : memref<8192xf32, #tpu.memory_space<vmem>>[vector<16xi32>], vector<16xf32>,
          %le3A_276 = arith.cmpf ole, %gather3A_275, %get3A_171 : vector<16xf32>
          %add3A_277 = arith.constant 1 : i32
          %add3A_278 = vector.broadcast %add3A_277 : i32 to vector<16xi32>
          %add3A_279 = arith.addi %shift_right_arithmetic3A_274, %add3A_278 : vector<16xi32>
          %select_n3A_280 = arith.select %le3A_276, %add3A_279, %select_n3A_269 : vector<16xi1>, vector<16xi32>
          %select_n3A_281 = arith.select %le3A_276, %select_n3A_270, %shift_right_arithmetic3A_274 : vector<16xi1>, vector<16xi32>
          %add3A_282 = arith.addi %select_n3A_280, %select_n3A_281 : vector<16xi32>
          %shift_right_arithmetic3A_283 = arith.constant 1 : i32
          %shift_right_arithmetic3A_284 = vector.broadcast %shift_right_arithmetic3A_283 : i32 to vector<16xi32>
          %shift_right_arithmetic3A_285 = arith.shrsi %add3A_282, %shift_right_arithmetic3A_284 : vector<16xi32>
          %gather3A_286 = tpu.vector_load_idx %arg6[%shift_right_arithmetic3A_285] : memref<8192xf32, #tpu.memory_space<vmem>>[vector<16xi32>], vector<16xf32>,
          %le3A_287 = arith.cmpf ole, %gather3A_286, %get3A_171 : vector<16xf32>
          %add3A_288 = arith.constant 1 : i32
          %add3A_289 = vector.broadcast %add3A_288 : i32 to vector<16xi32>
          %add3A_290 = arith.addi %shift_right_arithmetic3A_285, %add3A_289 : vector<16xi32>
          %select_n3A_291 = arith.select %le3A_287, %add3A_290, %select_n3A_280 : vector<16xi1>, vector<16xi32>
          %select_n3A_292 = arith.select %le3A_287, %select_n3A_281, %shift_right_arithmetic3A_285 : vector<16xi1>, vector<16xi32>
          %add3A_293 = arith.addi %select_n3A_291, %select_n3A_292 : vector<16xi32>
          %shift_right_arithmetic3A_294 = arith.constant 1 : i32
          %shift_right_arithmetic3A_295 = vector.broadcast %shift_right_arithmetic3A_294 : i32 to vector<16xi32>
          %shift_right_arithmetic3A_296 = arith.shrsi %add3A_293, %shift_right_arithmetic3A_295 : vector<16xi32>
          %gather3A_297 = tpu.vector_load_idx %arg6[%shift_right_arithmetic3A_296] : memref<8192xf32, #tpu.memory_space<vmem>>[vector<16xi32>], vector<16xf32>,
          %le3A_298 = arith.cmpf ole, %gather3A_297, %get3A_171 : vector<16xf32>
          %add3A_299 = arith.constant 1 : i32
          %add3A_300 = vector.broadcast %add3A_299 : i32 to vector<16xi32>
          %add3A_301 = arith.addi %shift_right_arithmetic3A_296, %add3A_300 : vector<16xi32>
          %select_n3A_302 = arith.select %le3A_298, %add3A_301, %select_n3A_291 : vector<16xi1>, vector<16xi32>
          %select_n3A_303 = arith.select %le3A_298, %select_n3A_292, %shift_right_arithmetic3A_296 : vector<16xi1>, vector<16xi32>
          %add3A_304 = arith.addi %select_n3A_302, %select_n3A_303 : vector<16xi32>
          %shift_right_arithmetic3A_305 = arith.constant 1 : i32
          %shift_right_arithmetic3A_306 = vector.broadcast %shift_right_arithmetic3A_305 : i32 to vector<16xi32>
          %shift_right_arithmetic3A_307 = arith.shrsi %add3A_304, %shift_right_arithmetic3A_306 : vector<16xi32>
          %gather3A_308 = tpu.vector_load_idx %arg6[%shift_right_arithmetic3A_307] : memref<8192xf32, #tpu.memory_space<vmem>>[vector<16xi32>], vector<16xf32>,
          %le3A_309 = arith.cmpf ole, %gather3A_308, %get3A_171 : vector<16xf32>
          %add3A_310 = arith.constant 1 : i32
          %add3A_311 = vector.broadcast %add3A_310 : i32 to vector<16xi32>
          %add3A_312 = arith.addi %shift_right_arithmetic3A_307, %add3A_311 : vector<16xi32>
          %select_n3A_313 = arith.select %le3A_309, %add3A_312, %select_n3A_302 : vector<16xi1>, vector<16xi32>
          %select_n3A_314 = arith.select %le3A_309, %select_n3A_303, %shift_right_arithmetic3A_307 : vector<16xi1>, vector<16xi32>
          %min3A = arith.constant 8191 : i32
          %min3A_315 = vector.broadcast %min3A : i32 to vector<16xi32>
          %min3A_316 = arith.minsi %select_n3A_313, %min3A_315 : vector<16xi32>
          %mul3A_317 = arith.constant 16 : i32
          %mul3A_318 = arith.muli %scan3A_166, %mul3A_317 : i32
          %add3A_319 = arith.addi %mul3A_121, %mul3A_318 : i32
          %swap3A = arith.index_cast %add3A_319 : i32 to index
          %swap3A_320 = tpu.vector_load %arg12[%swap3A] {strides = array<i32>} : memref<32768xi32, #tpu.memory_space<vmem>>, vector<16xi32>,
          tpu.vector_store %arg12[%swap3A], %min3A_316 {strides = array<i32>} : memref<32768xi32, #tpu.memory_space<vmem>>, vector<16xi32>,
          %scan3A_321 = arith.constant 0 : i32
          %scan3A_322 = arith.constant 1 : i32
          %scan3A_323 = arith.addi %scan3A_166, %scan3A_322 : i32
          %mul3A_324 = arith.constant 16 : i32
          %mul3A_325 = arith.muli %scan3A_323, %mul3A_324 : i32
          %add3A_326 = arith.addi %mul3A_121, %mul3A_325 : i32
          %get3A_327 = arith.index_cast %add3A_326 : i32 to index
          %get3A_328 = tpu.vector_load %arg11[%get3A_327] {strides = array<i32>} : memref<32768xf32, #tpu.memory_space<vmem>>, vector<16xf32>,
          %broadcast_in_dim3A_329 = arith.constant 0 : i32
          %broadcast_in_dim3A_330 = vector.broadcast %broadcast_in_dim3A_329 : i32 to vector<16xi32>
          %broadcast_in_dim3A_331 = arith.constant 8192 : i32
          %broadcast_in_dim3A_332 = vector.broadcast %broadcast_in_dim3A_331 : i32 to vector<16xi32>
          %add3A_333 = arith.addi %broadcast_in_dim3A_330, %broadcast_in_dim3A_332 : vector<16xi32>
          %shift_right_arithmetic3A_334 = arith.constant 1 : i32
          %shift_right_arithmetic3A_335 = vector.broadcast %shift_right_arithmetic3A_334 : i32 to vector<16xi32>
          %shift_right_arithmetic3A_336 = arith.shrsi %add3A_333, %shift_right_arithmetic3A_335 : vector<16xi32>
          %gather3A_337 = tpu.vector_load_idx %arg6[%shift_right_arithmetic3A_336] : memref<8192xf32, #tpu.memory_space<vmem>>[vector<16xi32>], vector<16xf32>,
          %le3A_338 = arith.cmpf ole, %gather3A_337, %get3A_328 : vector<16xf32>
          %add3A_339 = arith.constant 1 : i32
          %add3A_340 = vector.broadcast %add3A_339 : i32 to vector<16xi32>
          %add3A_341 = arith.addi %shift_right_arithmetic3A_336, %add3A_340 : vector<16xi32>
          %select_n3A_342 = arith.select %le3A_338, %add3A_341, %broadcast_in_dim3A_330 : vector<16xi1>, vector<16xi32>
          %select_n3A_343 = arith.select %le3A_338, %broadcast_in_dim3A_332, %shift_right_arithmetic3A_336 : vector<16xi1>, vector<16xi32>
          %add3A_344 = arith.addi %select_n3A_342, %select_n3A_343 : vector<16xi32>
          %shift_right_arithmetic3A_345 = arith.constant 1 : i32
          %shift_right_arithmetic3A_346 = vector.broadcast %shift_right_arithmetic3A_345 : i32 to vector<16xi32>
          %shift_right_arithmetic3A_347 = arith.shrsi %add3A_344, %shift_right_arithmetic3A_346 : vector<16xi32>
          %gather3A_348 = tpu.vector_load_idx %arg6[%shift_right_arithmetic3A_347] : memref<8192xf32, #tpu.memory_space<vmem>>[vector<16xi32>], vector<16xf32>,
          %le3A_349 = arith.cmpf ole, %gather3A_348, %get3A_328 : vector<16xf32>
          %add3A_350 = arith.constant 1 : i32
          %add3A_351 = vector.broadcast %add3A_350 : i32 to vector<16xi32>
          %add3A_352 = arith.addi %shift_right_arithmetic3A_347, %add3A_351 : vector<16xi32>
          %select_n3A_353 = arith.select %le3A_349, %add3A_352, %select_n3A_342 : vector<16xi1>, vector<16xi32>
          %select_n3A_354 = arith.select %le3A_349, %select_n3A_343, %shift_right_arithmetic3A_347 : vector<16xi1>, vector<16xi32>
          %add3A_355 = arith.addi %select_n3A_353, %select_n3A_354 : vector<16xi32>
          %shift_right_arithmetic3A_356 = arith.constant 1 : i32
          %shift_right_arithmetic3A_357 = vector.broadcast %shift_right_arithmetic3A_356 : i32 to vector<16xi32>
          %shift_right_arithmetic3A_358 = arith.shrsi %add3A_355, %shift_right_arithmetic3A_357 : vector<16xi32>
          %gather3A_359 = tpu.vector_load_idx %arg6[%shift_right_arithmetic3A_358] : memref<8192xf32, #tpu.memory_space<vmem>>[vector<16xi32>], vector<16xf32>,
          %le3A_360 = arith.cmpf ole, %gather3A_359, %get3A_328 : vector<16xf32>
          %add3A_361 = arith.constant 1 : i32
          %add3A_362 = vector.broadcast %add3A_361 : i32 to vector<16xi32>
          %add3A_363 = arith.addi %shift_right_arithmetic3A_358, %add3A_362 : vector<16xi32>
          %select_n3A_364 = arith.select %le3A_360, %add3A_363, %select_n3A_353 : vector<16xi1>, vector<16xi32>
          %select_n3A_365 = arith.select %le3A_360, %select_n3A_354, %shift_right_arithmetic3A_358 : vector<16xi1>, vector<16xi32>
          %add3A_366 = arith.addi %select_n3A_364, %select_n3A_365 : vector<16xi32>
          %shift_right_arithmetic3A_367 = arith.constant 1 : i32
          %shift_right_arithmetic3A_368 = vector.broadcast %shift_right_arithmetic3A_367 : i32 to vector<16xi32>
          %shift_right_arithmetic3A_369 = arith.shrsi %add3A_366, %shift_right_arithmetic3A_368 : vector<16xi32>
          %gather3A_370 = tpu.vector_load_idx %arg6[%shift_right_arithmetic3A_369] : memref<8192xf32, #tpu.memory_space<vmem>>[vector<16xi32>], vector<16xf32>,
          %le3A_371 = arith.cmpf ole, %gather3A_370, %get3A_328 : vector<16xf32>
          %add3A_372 = arith.constant 1 : i32
          %add3A_373 = vector.broadcast %add3A_372 : i32 to vector<16xi32>
          %add3A_374 = arith.addi %shift_right_arithmetic3A_369, %add3A_373 : vector<16xi32>
          %select_n3A_375 = arith.select %le3A_371, %add3A_374, %select_n3A_364 : vector<16xi1>, vector<16xi32>
          %select_n3A_376 = arith.select %le3A_371, %select_n3A_365, %shift_right_arithmetic3A_369 : vector<16xi1>, vector<16xi32>
          %add3A_377 = arith.addi %select_n3A_375, %select_n3A_376 : vector<16xi32>
          %shift_right_arithmetic3A_378 = arith.constant 1 : i32
          %shift_right_arithmetic3A_379 = vector.broadcast %shift_right_arithmetic3A_378 : i32 to vector<16xi32>
          %shift_right_arithmetic3A_380 = arith.shrsi %add3A_377, %shift_right_arithmetic3A_379 : vector<16xi32>
          %gather3A_381 = tpu.vector_load_idx %arg6[%shift_right_arithmetic3A_380] : memref<8192xf32, #tpu.memory_space<vmem>>[vector<16xi32>], vector<16xf32>,
          %le3A_382 = arith.cmpf ole, %gather3A_381, %get3A_328 : vector<16xf32>
          %add3A_383 = arith.constant 1 : i32
          %add3A_384 = vector.broadcast %add3A_383 : i32 to vector<16xi32>
          %add3A_385 = arith.addi %shift_right_arithmetic3A_380, %add3A_384 : vector<16xi32>
          %select_n3A_386 = arith.select %le3A_382, %add3A_385, %select_n3A_375 : vector<16xi1>, vector<16xi32>
          %select_n3A_387 = arith.select %le3A_382, %select_n3A_376, %shift_right_arithmetic3A_380 : vector<16xi1>, vector<16xi32>
          %add3A_388 = arith.addi %select_n3A_386, %select_n3A_387 : vector<16xi32>
          %shift_right_arithmetic3A_389 = arith.constant 1 : i32
          %shift_right_arithmetic3A_390 = vector.broadcast %shift_right_arithmetic3A_389 : i32 to vector<16xi32>
          %shift_right_arithmetic3A_391 = arith.shrsi %add3A_388, %shift_right_arithmetic3A_390 : vector<16xi32>
          %gather3A_392 = tpu.vector_load_idx %arg6[%shift_right_arithmetic3A_391] : memref<8192xf32, #tpu.memory_space<vmem>>[vector<16xi32>], vector<16xf32>,
          %le3A_393 = arith.cmpf ole, %gather3A_392, %get3A_328 : vector<16xf32>
          %add3A_394 = arith.constant 1 : i32
          %add3A_395 = vector.broadcast %add3A_394 : i32 to vector<16xi32>
          %add3A_396 = arith.addi %shift_right_arithmetic3A_391, %add3A_395 : vector<16xi32>
          %select_n3A_397 = arith.select %le3A_393, %add3A_396, %select_n3A_386 : vector<16xi1>, vector<16xi32>
          %select_n3A_398 = arith.select %le3A_393, %select_n3A_387, %shift_right_arithmetic3A_391 : vector<16xi1>, vector<16xi32>
          %add3A_399 = arith.addi %select_n3A_397, %select_n3A_398 : vector<16xi32>
          %shift_right_arithmetic3A_400 = arith.constant 1 : i32
          %shift_right_arithmetic3A_401 = vector.broadcast %shift_right_arithmetic3A_400 : i32 to vector<16xi32>
          %shift_right_arithmetic3A_402 = arith.shrsi %add3A_399, %shift_right_arithmetic3A_401 : vector<16xi32>
          %gather3A_403 = tpu.vector_load_idx %arg6[%shift_right_arithmetic3A_402] : memref<8192xf32, #tpu.memory_space<vmem>>[vector<16xi32>], vector<16xf32>,
          %le3A_404 = arith.cmpf ole, %gather3A_403, %get3A_328 : vector<16xf32>
          %add3A_405 = arith.constant 1 : i32
          %add3A_406 = vector.broadcast %add3A_405 : i32 to vector<16xi32>
          %add3A_407 = arith.addi %shift_right_arithmetic3A_402, %add3A_406 : vector<16xi32>
          %select_n3A_408 = arith.select %le3A_404, %add3A_407, %select_n3A_397 : vector<16xi1>, vector<16xi32>
          %select_n3A_409 = arith.select %le3A_404, %select_n3A_398, %shift_right_arithmetic3A_402 : vector<16xi1>, vector<16xi32>
          %add3A_410 = arith.addi %select_n3A_408, %select_n3A_409 : vector<16xi32>
          %shift_right_arithmetic3A_411 = arith.constant 1 : i32
          %shift_right_arithmetic3A_412 = vector.broadcast %shift_right_arithmetic3A_411 : i32 to vector<16xi32>
          %shift_right_arithmetic3A_413 = arith.shrsi %add3A_410, %shift_right_arithmetic3A_412 : vector<16xi32>
          %gather3A_414 = tpu.vector_load_idx %arg6[%shift_right_arithmetic3A_413] : memref<8192xf32, #tpu.memory_space<vmem>>[vector<16xi32>], vector<16xf32>,
          %le3A_415 = arith.cmpf ole, %gather3A_414, %get3A_328 : vector<16xf32>
          %add3A_416 = arith.constant 1 : i32
          %add3A_417 = vector.broadcast %add3A_416 : i32 to vector<16xi32>
          %add3A_418 = arith.addi %shift_right_arithmetic3A_413, %add3A_417 : vector<16xi32>
          %select_n3A_419 = arith.select %le3A_415, %add3A_418, %select_n3A_408 : vector<16xi1>, vector<16xi32>
          %select_n3A_420 = arith.select %le3A_415, %select_n3A_409, %shift_right_arithmetic3A_413 : vector<16xi1>, vector<16xi32>
          %add3A_421 = arith.addi %select_n3A_419, %select_n3A_420 : vector<16xi32>
          %shift_right_arithmetic3A_422 = arith.constant 1 : i32
          %shift_right_arithmetic3A_423 = vector.broadcast %shift_right_arithmetic3A_422 : i32 to vector<16xi32>
          %shift_right_arithmetic3A_424 = arith.shrsi %add3A_421, %shift_right_arithmetic3A_423 : vector<16xi32>
          %gather3A_425 = tpu.vector_load_idx %arg6[%shift_right_arithmetic3A_424] : memref<8192xf32, #tpu.memory_space<vmem>>[vector<16xi32>], vector<16xf32>,
          %le3A_426 = arith.cmpf ole, %gather3A_425, %get3A_328 : vector<16xf32>
          %add3A_427 = arith.constant 1 : i32
          %add3A_428 = vector.broadcast %add3A_427 : i32 to vector<16xi32>
          %add3A_429 = arith.addi %shift_right_arithmetic3A_424, %add3A_428 : vector<16xi32>
          %select_n3A_430 = arith.select %le3A_426, %add3A_429, %select_n3A_419 : vector<16xi1>, vector<16xi32>
          %select_n3A_431 = arith.select %le3A_426, %select_n3A_420, %shift_right_arithmetic3A_424 : vector<16xi1>, vector<16xi32>
          %add3A_432 = arith.addi %select_n3A_430, %select_n3A_431 : vector<16xi32>
          %shift_right_arithmetic3A_433 = arith.constant 1 : i32
          %shift_right_arithmetic3A_434 = vector.broadcast %shift_right_arithmetic3A_433 : i32 to vector<16xi32>
          %shift_right_arithmetic3A_435 = arith.shrsi %add3A_432, %shift_right_arithmetic3A_434 : vector<16xi32>
          %gather3A_436 = tpu.vector_load_idx %arg6[%shift_right_arithmetic3A_435] : memref<8192xf32, #tpu.memory_space<vmem>>[vector<16xi32>], vector<16xf32>,
          %le3A_437 = arith.cmpf ole, %gather3A_436, %get3A_328 : vector<16xf32>
          %add3A_438 = arith.constant 1 : i32
          %add3A_439 = vector.broadcast %add3A_438 : i32 to vector<16xi32>
          %add3A_440 = arith.addi %shift_right_arithmetic3A_435, %add3A_439 : vector<16xi32>
          %select_n3A_441 = arith.select %le3A_437, %add3A_440, %select_n3A_430 : vector<16xi1>, vector<16xi32>
          %select_n3A_442 = arith.select %le3A_437, %select_n3A_431, %shift_right_arithmetic3A_435 : vector<16xi1>, vector<16xi32>
          %add3A_443 = arith.addi %select_n3A_441, %select_n3A_442 : vector<16xi32>
          %shift_right_arithmetic3A_444 = arith.constant 1 : i32
          %shift_right_arithmetic3A_445 = vector.broadcast %shift_right_arithmetic3A_444 : i32 to vector<16xi32>
          %shift_right_arithmetic3A_446 = arith.shrsi %add3A_443, %shift_right_arithmetic3A_445 : vector<16xi32>
          %gather3A_447 = tpu.vector_load_idx %arg6[%shift_right_arithmetic3A_446] : memref<8192xf32, #tpu.memory_space<vmem>>[vector<16xi32>], vector<16xf32>,
          %le3A_448 = arith.cmpf ole, %gather3A_447, %get3A_328 : vector<16xf32>
          %add3A_449 = arith.constant 1 : i32
          %add3A_450 = vector.broadcast %add3A_449 : i32 to vector<16xi32>
          %add3A_451 = arith.addi %shift_right_arithmetic3A_446, %add3A_450 : vector<16xi32>
          %select_n3A_452 = arith.select %le3A_448, %add3A_451, %select_n3A_441 : vector<16xi1>, vector<16xi32>
          %select_n3A_453 = arith.select %le3A_448, %select_n3A_442, %shift_right_arithmetic3A_446 : vector<16xi1>, vector<16xi32>
          %add3A_454 = arith.addi %select_n3A_452, %select_n3A_453 : vector<16xi32>
          %shift_right_arithmetic3A_455 = arith.constant 1 : i32
          %shift_right_arithmetic3A_456 = vector.broadcast %shift_right_arithmetic3A_455 : i32 to vector<16xi32>
          %shift_right_arithmetic3A_457 = arith.shrsi %add3A_454, %shift_right_arithmetic3A_456 : vector<16xi32>
          %gather3A_458 = tpu.vector_load_idx %arg6[%shift_right_arithmetic3A_457] : memref<8192xf32, #tpu.memory_space<vmem>>[vector<16xi32>], vector<16xf32>,
          %le3A_459 = arith.cmpf ole, %gather3A_458, %get3A_328 : vector<16xf32>
          %add3A_460 = arith.constant 1 : i32
          %add3A_461 = vector.broadcast %add3A_460 : i32 to vector<16xi32>
          %add3A_462 = arith.addi %shift_right_arithmetic3A_457, %add3A_461 : vector<16xi32>
          %select_n3A_463 = arith.select %le3A_459, %add3A_462, %select_n3A_452 : vector<16xi1>, vector<16xi32>
          %select_n3A_464 = arith.select %le3A_459, %select_n3A_453, %shift_right_arithmetic3A_457 : vector<16xi1>, vector<16xi32>
          %add3A_465 = arith.addi %select_n3A_463, %select_n3A_464 : vector<16xi32>
          %shift_right_arithmetic3A_466 = arith.constant 1 : i32
          %shift_right_arithmetic3A_467 = vector.broadcast %shift_right_arithmetic3A_466 : i32 to vector<16xi32>
          %shift_right_arithmetic3A_468 = arith.shrsi %add3A_465, %shift_right_arithmetic3A_467 : vector<16xi32>
          %gather3A_469 = tpu.vector_load_idx %arg6[%shift_right_arithmetic3A_468] : memref<8192xf32, #tpu.memory_space<vmem>>[vector<16xi32>], vector<16xf32>,
          %le3A_470 = arith.cmpf ole, %gather3A_469, %get3A_328 : vector<16xf32>
          %add3A_471 = arith.constant 1 : i32
          %add3A_472 = vector.broadcast %add3A_471 : i32 to vector<16xi32>
          %add3A_473 = arith.addi %shift_right_arithmetic3A_468, %add3A_472 : vector<16xi32>
          %select_n3A_474 = arith.select %le3A_470, %add3A_473, %select_n3A_463 : vector<16xi1>, vector<16xi32>
          %select_n3A_475 = arith.select %le3A_470, %select_n3A_464, %shift_right_arithmetic3A_468 : vector<16xi1>, vector<16xi32>
          %min3A_476 = arith.constant 8191 : i32
          %min3A_477 = vector.broadcast %min3A_476 : i32 to vector<16xi32>
          %min3A_478 = arith.minsi %select_n3A_474, %min3A_477 : vector<16xi32>
          %mul3A_479 = arith.constant 16 : i32
          %mul3A_480 = arith.muli %scan3A_323, %mul3A_479 : i32
          %add3A_481 = arith.addi %mul3A_121, %mul3A_480 : i32
          %swap3A_482 = arith.index_cast %add3A_481 : i32 to index
          %swap3A_483 = tpu.vector_load %arg12[%swap3A_482] {strides = array<i32>} : memref<32768xi32, #tpu.memory_space<vmem>>, vector<16xi32>,
          tpu.vector_store %arg12[%swap3A_482], %min3A_478 {strides = array<i32>} : memref<32768xi32, #tpu.memory_space<vmem>>, vector<16xi32>,
          %scan3A_484 = arith.constant 0 : i32
          %scan3A_485 = arith.constant 2 : i32
          %scan3A_486 = arith.addi %scan3A_166, %scan3A_485 : i32
          %mul3A_487 = arith.constant 16 : i32
          %mul3A_488 = arith.muli %scan3A_486, %mul3A_487 : i32
          %add3A_489 = arith.addi %mul3A_121, %mul3A_488 : i32
          %get3A_490 = arith.index_cast %add3A_489 : i32 to index
          %get3A_491 = tpu.vector_load %arg11[%get3A_490] {strides = array<i32>} : memref<32768xf32, #tpu.memory_space<vmem>>, vector<16xf32>,
          %broadcast_in_dim3A_492 = arith.constant 0 : i32
          %broadcast_in_dim3A_493 = vector.broadcast %broadcast_in_dim3A_492 : i32 to vector<16xi32>
          %broadcast_in_dim3A_494 = arith.constant 8192 : i32
          %broadcast_in_dim3A_495 = vector.broadcast %broadcast_in_dim3A_494 : i32 to vector<16xi32>
          %add3A_496 = arith.addi %broadcast_in_dim3A_493, %broadcast_in_dim3A_495 : vector<16xi32>
          %shift_right_arithmetic3A_497 = arith.constant 1 : i32
          %shift_right_arithmetic3A_498 = vector.broadcast %shift_right_arithmetic3A_497 : i32 to vector<16xi32>
          %shift_right_arithmetic3A_499 = arith.shrsi %add3A_496, %shift_right_arithmetic3A_498 : vector<16xi32>
          %gather3A_500 = tpu.vector_load_idx %arg6[%shift_right_arithmetic3A_499] : memref<8192xf32, #tpu.memory_space<vmem>>[vector<16xi32>], vector<16xf32>,
          %le3A_501 = arith.cmpf ole, %gather3A_500, %get3A_491 : vector<16xf32>
          %add3A_502 = arith.constant 1 : i32
          %add3A_503 = vector.broadcast %add3A_502 : i32 to vector<16xi32>
          %add3A_504 = arith.addi %shift_right_arithmetic3A_499, %add3A_503 : vector<16xi32>
          %select_n3A_505 = arith.select %le3A_501, %add3A_504, %broadcast_in_dim3A_493 : vector<16xi1>, vector<16xi32>
          %select_n3A_506 = arith.select %le3A_501, %broadcast_in_dim3A_495, %shift_right_arithmetic3A_499 : vector<16xi1>, vector<16xi32>
          %add3A_507 = arith.addi %select_n3A_505, %select_n3A_506 : vector<16xi32>
          %shift_right_arithmetic3A_508 = arith.constant 1 : i32
          %shift_right_arithmetic3A_509 = vector.broadcast %shift_right_arithmetic3A_508 : i32 to vector<16xi32>
          %shift_right_arithmetic3A_510 = arith.shrsi %add3A_507, %shift_right_arithmetic3A_509 : vector<16xi32>
          %gather3A_511 = tpu.vector_load_idx %arg6[%shift_right_arithmetic3A_510] : memref<8192xf32, #tpu.memory_space<vmem>>[vector<16xi32>], vector<16xf32>,
          %le3A_512 = arith.cmpf ole, %gather3A_511, %get3A_491 : vector<16xf32>
          %add3A_513 = arith.constant 1 : i32
          %add3A_514 = vector.broadcast %add3A_513 : i32 to vector<16xi32>
          %add3A_515 = arith.addi %shift_right_arithmetic3A_510, %add3A_514 : vector<16xi32>
          %select_n3A_516 = arith.select %le3A_512, %add3A_515, %select_n3A_505 : vector<16xi1>, vector<16xi32>
          %select_n3A_517 = arith.select %le3A_512, %select_n3A_506, %shift_right_arithmetic3A_510 : vector<16xi1>, vector<16xi32>
          %add3A_518 = arith.addi %select_n3A_516, %select_n3A_517 : vector<16xi32>
          %shift_right_arithmetic3A_519 = arith.constant 1 : i32
          %shift_right_arithmetic3A_520 = vector.broadcast %shift_right_arithmetic3A_519 : i32 to vector<16xi32>
          %shift_right_arithmetic3A_521 = arith.shrsi %add3A_518, %shift_right_arithmetic3A_520 : vector<16xi32>
          %gather3A_522 = tpu.vector_load_idx %arg6[%shift_right_arithmetic3A_521] : memref<8192xf32, #tpu.memory_space<vmem>>[vector<16xi32>], vector<16xf32>,
          %le3A_523 = arith.cmpf ole, %gather3A_522, %get3A_491 : vector<16xf32>
          %add3A_524 = arith.constant 1 : i32
          %add3A_525 = vector.broadcast %add3A_524 : i32 to vector<16xi32>
          %add3A_526 = arith.addi %shift_right_arithmetic3A_521, %add3A_525 : vector<16xi32>
          %select_n3A_527 = arith.select %le3A_523, %add3A_526, %select_n3A_516 : vector<16xi1>, vector<16xi32>
          %select_n3A_528 = arith.select %le3A_523, %select_n3A_517, %shift_right_arithmetic3A_521 : vector<16xi1>, vector<16xi32>
          %add3A_529 = arith.addi %select_n3A_527, %select_n3A_528 : vector<16xi32>
          %shift_right_arithmetic3A_530 = arith.constant 1 : i32
          %shift_right_arithmetic3A_531 = vector.broadcast %shift_right_arithmetic3A_530 : i32 to vector<16xi32>
          %shift_right_arithmetic3A_532 = arith.shrsi %add3A_529, %shift_right_arithmetic3A_531 : vector<16xi32>
          %gather3A_533 = tpu.vector_load_idx %arg6[%shift_right_arithmetic3A_532] : memref<8192xf32, #tpu.memory_space<vmem>>[vector<16xi32>], vector<16xf32>,
          %le3A_534 = arith.cmpf ole, %gather3A_533, %get3A_491 : vector<16xf32>
          %add3A_535 = arith.constant 1 : i32
          %add3A_536 = vector.broadcast %add3A_535 : i32 to vector<16xi32>
          %add3A_537 = arith.addi %shift_right_arithmetic3A_532, %add3A_536 : vector<16xi32>
          %select_n3A_538 = arith.select %le3A_534, %add3A_537, %select_n3A_527 : vector<16xi1>, vector<16xi32>
          %select_n3A_539 = arith.select %le3A_534, %select_n3A_528, %shift_right_arithmetic3A_532 : vector<16xi1>, vector<16xi32>
          %add3A_540 = arith.addi %select_n3A_538, %select_n3A_539 : vector<16xi32>
          %shift_right_arithmetic3A_541 = arith.constant 1 : i32
          %shift_right_arithmetic3A_542 = vector.broadcast %shift_right_arithmetic3A_541 : i32 to vector<16xi32>
          %shift_right_arithmetic3A_543 = arith.shrsi %add3A_540, %shift_right_arithmetic3A_542 : vector<16xi32>
          %gather3A_544 = tpu.vector_load_idx %arg6[%shift_right_arithmetic3A_543] : memref<8192xf32, #tpu.memory_space<vmem>>[vector<16xi32>], vector<16xf32>,
          %le3A_545 = arith.cmpf ole, %gather3A_544, %get3A_491 : vector<16xf32>
          %add3A_546 = arith.constant 1 : i32
          %add3A_547 = vector.broadcast %add3A_546 : i32 to vector<16xi32>
          %add3A_548 = arith.addi %shift_right_arithmetic3A_543, %add3A_547 : vector<16xi32>
          %select_n3A_549 = arith.select %le3A_545, %add3A_548, %select_n3A_538 : vector<16xi1>, vector<16xi32>
          %select_n3A_550 = arith.select %le3A_545, %select_n3A_539, %shift_right_arithmetic3A_543 : vector<16xi1>, vector<16xi32>
          %add3A_551 = arith.addi %select_n3A_549, %select_n3A_550 : vector<16xi32>
          %shift_right_arithmetic3A_552 = arith.constant 1 : i32
          %shift_right_arithmetic3A_553 = vector.broadcast %shift_right_arithmetic3A_552 : i32 to vector<16xi32>
          %shift_right_arithmetic3A_554 = arith.shrsi %add3A_551, %shift_right_arithmetic3A_553 : vector<16xi32>
          %gather3A_555 = tpu.vector_load_idx %arg6[%shift_right_arithmetic3A_554] : memref<8192xf32, #tpu.memory_space<vmem>>[vector<16xi32>], vector<16xf32>,
          %le3A_556 = arith.cmpf ole, %gather3A_555, %get3A_491 : vector<16xf32>
          %add3A_557 = arith.constant 1 : i32
          %add3A_558 = vector.broadcast %add3A_557 : i32 to vector<16xi32>
          %add3A_559 = arith.addi %shift_right_arithmetic3A_554, %add3A_558 : vector<16xi32>
          %select_n3A_560 = arith.select %le3A_556, %add3A_559, %select_n3A_549 : vector<16xi1>, vector<16xi32>
          %select_n3A_561 = arith.select %le3A_556, %select_n3A_550, %shift_right_arithmetic3A_554 : vector<16xi1>, vector<16xi32>
          %add3A_562 = arith.addi %select_n3A_560, %select_n3A_561 : vector<16xi32>
          %shift_right_arithmetic3A_563 = arith.constant 1 : i32
          %shift_right_arithmetic3A_564 = vector.broadcast %shift_right_arithmetic3A_563 : i32 to vector<16xi32>
          %shift_right_arithmetic3A_565 = arith.shrsi %add3A_562, %shift_right_arithmetic3A_564 : vector<16xi32>
          %gather3A_566 = tpu.vector_load_idx %arg6[%shift_right_arithmetic3A_565] : memref<8192xf32, #tpu.memory_space<vmem>>[vector<16xi32>], vector<16xf32>,
          %le3A_567 = arith.cmpf ole, %gather3A_566, %get3A_491 : vector<16xf32>
          %add3A_568 = arith.constant 1 : i32
          %add3A_569 = vector.broadcast %add3A_568 : i32 to vector<16xi32>
          %add3A_570 = arith.addi %shift_right_arithmetic3A_565, %add3A_569 : vector<16xi32>
          %select_n3A_571 = arith.select %le3A_567, %add3A_570, %select_n3A_560 : vector<16xi1>, vector<16xi32>
          %select_n3A_572 = arith.select %le3A_567, %select_n3A_561, %shift_right_arithmetic3A_565 : vector<16xi1>, vector<16xi32>
          %add3A_573 = arith.addi %select_n3A_571, %select_n3A_572 : vector<16xi32>
          %shift_right_arithmetic3A_574 = arith.constant 1 : i32
          %shift_right_arithmetic3A_575 = vector.broadcast %shift_right_arithmetic3A_574 : i32 to vector<16xi32>
          %shift_right_arithmetic3A_576 = arith.shrsi %add3A_573, %shift_right_arithmetic3A_575 : vector<16xi32>
          %gather3A_577 = tpu.vector_load_idx %arg6[%shift_right_arithmetic3A_576] : memref<8192xf32, #tpu.memory_space<vmem>>[vector<16xi32>], vector<16xf32>,
          %le3A_578 = arith.cmpf ole, %gather3A_577, %get3A_491 : vector<16xf32>
          %add3A_579 = arith.constant 1 : i32
          %add3A_580 = vector.broadcast %add3A_579 : i32 to vector<16xi32>
          %add3A_581 = arith.addi %shift_right_arithmetic3A_576, %add3A_580 : vector<16xi32>
          %select_n3A_582 = arith.select %le3A_578, %add3A_581, %select_n3A_571 : vector<16xi1>, vector<16xi32>
          %select_n3A_583 = arith.select %le3A_578, %select_n3A_572, %shift_right_arithmetic3A_576 : vector<16xi1>, vector<16xi32>
          %add3A_584 = arith.addi %select_n3A_582, %select_n3A_583 : vector<16xi32>
          %shift_right_arithmetic3A_585 = arith.constant 1 : i32
          %shift_right_arithmetic3A_586 = vector.broadcast %shift_right_arithmetic3A_585 : i32 to vector<16xi32>
          %shift_right_arithmetic3A_587 = arith.shrsi %add3A_584, %shift_right_arithmetic3A_586 : vector<16xi32>
          %gather3A_588 = tpu.vector_load_idx %arg6[%shift_right_arithmetic3A_587] : memref<8192xf32, #tpu.memory_space<vmem>>[vector<16xi32>], vector<16xf32>,
          %le3A_589 = arith.cmpf ole, %gather3A_588, %get3A_491 : vector<16xf32>
          %add3A_590 = arith.constant 1 : i32
          %add3A_591 = vector.broadcast %add3A_590 : i32 to vector<16xi32>
          %add3A_592 = arith.addi %shift_right_arithmetic3A_587, %add3A_591 : vector<16xi32>
          %select_n3A_593 = arith.select %le3A_589, %add3A_592, %select_n3A_582 : vector<16xi1>, vector<16xi32>
          %select_n3A_594 = arith.select %le3A_589, %select_n3A_583, %shift_right_arithmetic3A_587 : vector<16xi1>, vector<16xi32>
          %add3A_595 = arith.addi %select_n3A_593, %select_n3A_594 : vector<16xi32>
          %shift_right_arithmetic3A_596 = arith.constant 1 : i32
          %shift_right_arithmetic3A_597 = vector.broadcast %shift_right_arithmetic3A_596 : i32 to vector<16xi32>
          %shift_right_arithmetic3A_598 = arith.shrsi %add3A_595, %shift_right_arithmetic3A_597 : vector<16xi32>
          %gather3A_599 = tpu.vector_load_idx %arg6[%shift_right_arithmetic3A_598] : memref<8192xf32, #tpu.memory_space<vmem>>[vector<16xi32>], vector<16xf32>,
          %le3A_600 = arith.cmpf ole, %gather3A_599, %get3A_491 : vector<16xf32>
          %add3A_601 = arith.constant 1 : i32
          %add3A_602 = vector.broadcast %add3A_601 : i32 to vector<16xi32>
          %add3A_603 = arith.addi %shift_right_arithmetic3A_598, %add3A_602 : vector<16xi32>
          %select_n3A_604 = arith.select %le3A_600, %add3A_603, %select_n3A_593 : vector<16xi1>, vector<16xi32>
          %select_n3A_605 = arith.select %le3A_600, %select_n3A_594, %shift_right_arithmetic3A_598 : vector<16xi1>, vector<16xi32>
          %add3A_606 = arith.addi %select_n3A_604, %select_n3A_605 : vector<16xi32>
          %shift_right_arithmetic3A_607 = arith.constant 1 : i32
          %shift_right_arithmetic3A_608 = vector.broadcast %shift_right_arithmetic3A_607 : i32 to vector<16xi32>
          %shift_right_arithmetic3A_609 = arith.shrsi %add3A_606, %shift_right_arithmetic3A_608 : vector<16xi32>
          %gather3A_610 = tpu.vector_load_idx %arg6[%shift_right_arithmetic3A_609] : memref<8192xf32, #tpu.memory_space<vmem>>[vector<16xi32>], vector<16xf32>,
          %le3A_611 = arith.cmpf ole, %gather3A_610, %get3A_491 : vector<16xf32>
          %add3A_612 = arith.constant 1 : i32
          %add3A_613 = vector.broadcast %add3A_612 : i32 to vector<16xi32>
          %add3A_614 = arith.addi %shift_right_arithmetic3A_609, %add3A_613 : vector<16xi32>
          %select_n3A_615 = arith.select %le3A_611, %add3A_614, %select_n3A_604 : vector<16xi1>, vector<16xi32>
          %select_n3A_616 = arith.select %le3A_611, %select_n3A_605, %shift_right_arithmetic3A_609 : vector<16xi1>, vector<16xi32>
          %add3A_617 = arith.addi %select_n3A_615, %select_n3A_616 : vector<16xi32>
          %shift_right_arithmetic3A_618 = arith.constant 1 : i32
          %shift_right_arithmetic3A_619 = vector.broadcast %shift_right_arithmetic3A_618 : i32 to vector<16xi32>
          %shift_right_arithmetic3A_620 = arith.shrsi %add3A_617, %shift_right_arithmetic3A_619 : vector<16xi32>
          %gather3A_621 = tpu.vector_load_idx %arg6[%shift_right_arithmetic3A_620] : memref<8192xf32, #tpu.memory_space<vmem>>[vector<16xi32>], vector<16xf32>,
          %le3A_622 = arith.cmpf ole, %gather3A_621, %get3A_491 : vector<16xf32>
          %add3A_623 = arith.constant 1 : i32
          %add3A_624 = vector.broadcast %add3A_623 : i32 to vector<16xi32>
          %add3A_625 = arith.addi %shift_right_arithmetic3A_620, %add3A_624 : vector<16xi32>
          %select_n3A_626 = arith.select %le3A_622, %add3A_625, %select_n3A_615 : vector<16xi1>, vector<16xi32>
          %select_n3A_627 = arith.select %le3A_622, %select_n3A_616, %shift_right_arithmetic3A_620 : vector<16xi1>, vector<16xi32>
          %add3A_628 = arith.addi %select_n3A_626, %select_n3A_627 : vector<16xi32>
          %shift_right_arithmetic3A_629 = arith.constant 1 : i32
          %shift_right_arithmetic3A_630 = vector.broadcast %shift_right_arithmetic3A_629 : i32 to vector<16xi32>
          %shift_right_arithmetic3A_631 = arith.shrsi %add3A_628, %shift_right_arithmetic3A_630 : vector<16xi32>
          %gather3A_632 = tpu.vector_load_idx %arg6[%shift_right_arithmetic3A_631] : memref<8192xf32, #tpu.memory_space<vmem>>[vector<16xi32>], vector<16xf32>,
          %le3A_633 = arith.cmpf ole, %gather3A_632, %get3A_491 : vector<16xf32>
          %add3A_634 = arith.constant 1 : i32
          %add3A_635 = vector.broadcast %add3A_634 : i32 to vector<16xi32>
          %add3A_636 = arith.addi %shift_right_arithmetic3A_631, %add3A_635 : vector<16xi32>
          %select_n3A_637 = arith.select %le3A_633, %add3A_636, %select_n3A_626 : vector<16xi1>, vector<16xi32>
          %select_n3A_638 = arith.select %le3A_633, %select_n3A_627, %shift_right_arithmetic3A_631 : vector<16xi1>, vector<16xi32>
          %min3A_639 = arith.constant 8191 : i32
          %min3A_640 = vector.broadcast %min3A_639 : i32 to vector<16xi32>
          %min3A_641 = arith.minsi %select_n3A_637, %min3A_640 : vector<16xi32>
          %mul3A_642 = arith.constant 16 : i32
          %mul3A_643 = arith.muli %scan3A_486, %mul3A_642 : i32
          %add3A_644 = arith.addi %mul3A_121, %mul3A_643 : i32
          %swap3A_645 = arith.index_cast %add3A_644 : i32 to index
          %swap3A_646 = tpu.vector_load %arg12[%swap3A_645] {strides = array<i32>} : memref<32768xi32, #tpu.memory_space<vmem>>, vector<16xi32>,
          tpu.vector_store %arg12[%swap3A_645], %min3A_641 {strides = array<i32>} : memref<32768xi32, #tpu.memory_space<vmem>>, vector<16xi32>,
          %scan3A_647 = arith.constant 0 : i32
          %scan3A_648 = arith.constant 3 : i32
          %scan3A_649 = arith.addi %scan3A_166, %scan3A_648 : i32
          %mul3A_650 = arith.constant 16 : i32
          %mul3A_651 = arith.muli %scan3A_649, %mul3A_650 : i32
          %add3A_652 = arith.addi %mul3A_121, %mul3A_651 : i32
          %get3A_653 = arith.index_cast %add3A_652 : i32 to index
          %get3A_654 = tpu.vector_load %arg11[%get3A_653] {strides = array<i32>} : memref<32768xf32, #tpu.memory_space<vmem>>, vector<16xf32>,
          %broadcast_in_dim3A_655 = arith.constant 0 : i32
          %broadcast_in_dim3A_656 = vector.broadcast %broadcast_in_dim3A_655 : i32 to vector<16xi32>
          %broadcast_in_dim3A_657 = arith.constant 8192 : i32
          %broadcast_in_dim3A_658 = vector.broadcast %broadcast_in_dim3A_657 : i32 to vector<16xi32>
          %add3A_659 = arith.addi %broadcast_in_dim3A_656, %broadcast_in_dim3A_658 : vector<16xi32>
          %shift_right_arithmetic3A_660 = arith.constant 1 : i32
          %shift_right_arithmetic3A_661 = vector.broadcast %shift_right_arithmetic3A_660 : i32 to vector<16xi32>
          %shift_right_arithmetic3A_662 = arith.shrsi %add3A_659, %shift_right_arithmetic3A_661 : vector<16xi32>
          %gather3A_663 = tpu.vector_load_idx %arg6[%shift_right_arithmetic3A_662] : memref<8192xf32, #tpu.memory_space<vmem>>[vector<16xi32>], vector<16xf32>,
          %le3A_664 = arith.cmpf ole, %gather3A_663, %get3A_654 : vector<16xf32>
          %add3A_665 = arith.constant 1 : i32
          %add3A_666 = vector.broadcast %add3A_665 : i32 to vector<16xi32>
          %add3A_667 = arith.addi %shift_right_arithmetic3A_662, %add3A_666 : vector<16xi32>
          %select_n3A_668 = arith.select %le3A_664, %add3A_667, %broadcast_in_dim3A_656 : vector<16xi1>, vector<16xi32>
          %select_n3A_669 = arith.select %le3A_664, %broadcast_in_dim3A_658, %shift_right_arithmetic3A_662 : vector<16xi1>, vector<16xi32>
          %add3A_670 = arith.addi %select_n3A_668, %select_n3A_669 : vector<16xi32>
          %shift_right_arithmetic3A_671 = arith.constant 1 : i32
          %shift_right_arithmetic3A_672 = vector.broadcast %shift_right_arithmetic3A_671 : i32 to vector<16xi32>
          %shift_right_arithmetic3A_673 = arith.shrsi %add3A_670, %shift_right_arithmetic3A_672 : vector<16xi32>
          %gather3A_674 = tpu.vector_load_idx %arg6[%shift_right_arithmetic3A_673] : memref<8192xf32, #tpu.memory_space<vmem>>[vector<16xi32>], vector<16xf32>,
          %le3A_675 = arith.cmpf ole, %gather3A_674, %get3A_654 : vector<16xf32>
          %add3A_676 = arith.constant 1 : i32
          %add3A_677 = vector.broadcast %add3A_676 : i32 to vector<16xi32>
          %add3A_678 = arith.addi %shift_right_arithmetic3A_673, %add3A_677 : vector<16xi32>
          %select_n3A_679 = arith.select %le3A_675, %add3A_678, %select_n3A_668 : vector<16xi1>, vector<16xi32>
          %select_n3A_680 = arith.select %le3A_675, %select_n3A_669, %shift_right_arithmetic3A_673 : vector<16xi1>, vector<16xi32>
          %add3A_681 = arith.addi %select_n3A_679, %select_n3A_680 : vector<16xi32>
          %shift_right_arithmetic3A_682 = arith.constant 1 : i32
          %shift_right_arithmetic3A_683 = vector.broadcast %shift_right_arithmetic3A_682 : i32 to vector<16xi32>
          %shift_right_arithmetic3A_684 = arith.shrsi %add3A_681, %shift_right_arithmetic3A_683 : vector<16xi32>
          %gather3A_685 = tpu.vector_load_idx %arg6[%shift_right_arithmetic3A_684] : memref<8192xf32, #tpu.memory_space<vmem>>[vector<16xi32>], vector<16xf32>,
          %le3A_686 = arith.cmpf ole, %gather3A_685, %get3A_654 : vector<16xf32>
          %add3A_687 = arith.constant 1 : i32
          %add3A_688 = vector.broadcast %add3A_687 : i32 to vector<16xi32>
          %add3A_689 = arith.addi %shift_right_arithmetic3A_684, %add3A_688 : vector<16xi32>
          %select_n3A_690 = arith.select %le3A_686, %add3A_689, %select_n3A_679 : vector<16xi1>, vector<16xi32>
          %select_n3A_691 = arith.select %le3A_686, %select_n3A_680, %shift_right_arithmetic3A_684 : vector<16xi1>, vector<16xi32>
          %add3A_692 = arith.addi %select_n3A_690, %select_n3A_691 : vector<16xi32>
          %shift_right_arithmetic3A_693 = arith.constant 1 : i32
          %shift_right_arithmetic3A_694 = vector.broadcast %shift_right_arithmetic3A_693 : i32 to vector<16xi32>
          %shift_right_arithmetic3A_695 = arith.shrsi %add3A_692, %shift_right_arithmetic3A_694 : vector<16xi32>
          %gather3A_696 = tpu.vector_load_idx %arg6[%shift_right_arithmetic3A_695] : memref<8192xf32, #tpu.memory_space<vmem>>[vector<16xi32>], vector<16xf32>,
          %le3A_697 = arith.cmpf ole, %gather3A_696, %get3A_654 : vector<16xf32>
          %add3A_698 = arith.constant 1 : i32
          %add3A_699 = vector.broadcast %add3A_698 : i32 to vector<16xi32>
          %add3A_700 = arith.addi %shift_right_arithmetic3A_695, %add3A_699 : vector<16xi32>
          %select_n3A_701 = arith.select %le3A_697, %add3A_700, %select_n3A_690 : vector<16xi1>, vector<16xi32>
          %select_n3A_702 = arith.select %le3A_697, %select_n3A_691, %shift_right_arithmetic3A_695 : vector<16xi1>, vector<16xi32>
          %add3A_703 = arith.addi %select_n3A_701, %select_n3A_702 : vector<16xi32>
          %shift_right_arithmetic3A_704 = arith.constant 1 : i32
          %shift_right_arithmetic3A_705 = vector.broadcast %shift_right_arithmetic3A_704 : i32 to vector<16xi32>
          %shift_right_arithmetic3A_706 = arith.shrsi %add3A_703, %shift_right_arithmetic3A_705 : vector<16xi32>
          %gather3A_707 = tpu.vector_load_idx %arg6[%shift_right_arithmetic3A_706] : memref<8192xf32, #tpu.memory_space<vmem>>[vector<16xi32>], vector<16xf32>,
          %le3A_708 = arith.cmpf ole, %gather3A_707, %get3A_654 : vector<16xf32>
          %add3A_709 = arith.constant 1 : i32
          %add3A_710 = vector.broadcast %add3A_709 : i32 to vector<16xi32>
          %add3A_711 = arith.addi %shift_right_arithmetic3A_706, %add3A_710 : vector<16xi32>
          %select_n3A_712 = arith.select %le3A_708, %add3A_711, %select_n3A_701 : vector<16xi1>, vector<16xi32>
          %select_n3A_713 = arith.select %le3A_708, %select_n3A_702, %shift_right_arithmetic3A_706 : vector<16xi1>, vector<16xi32>
          %add3A_714 = arith.addi %select_n3A_712, %select_n3A_713 : vector<16xi32>
          %shift_right_arithmetic3A_715 = arith.constant 1 : i32
          %shift_right_arithmetic3A_716 = vector.broadcast %shift_right_arithmetic3A_715 : i32 to vector<16xi32>
          %shift_right_arithmetic3A_717 = arith.shrsi %add3A_714, %shift_right_arithmetic3A_716 : vector<16xi32>
          %gather3A_718 = tpu.vector_load_idx %arg6[%shift_right_arithmetic3A_717] : memref<8192xf32, #tpu.memory_space<vmem>>[vector<16xi32>], vector<16xf32>,
          %le3A_719 = arith.cmpf ole, %gather3A_718, %get3A_654 : vector<16xf32>
          %add3A_720 = arith.constant 1 : i32
          %add3A_721 = vector.broadcast %add3A_720 : i32 to vector<16xi32>
          %add3A_722 = arith.addi %shift_right_arithmetic3A_717, %add3A_721 : vector<16xi32>
          %select_n3A_723 = arith.select %le3A_719, %add3A_722, %select_n3A_712 : vector<16xi1>, vector<16xi32>
          %select_n3A_724 = arith.select %le3A_719, %select_n3A_713, %shift_right_arithmetic3A_717 : vector<16xi1>, vector<16xi32>
          %add3A_725 = arith.addi %select_n3A_723, %select_n3A_724 : vector<16xi32>
          %shift_right_arithmetic3A_726 = arith.constant 1 : i32
          %shift_right_arithmetic3A_727 = vector.broadcast %shift_right_arithmetic3A_726 : i32 to vector<16xi32>
          %shift_right_arithmetic3A_728 = arith.shrsi %add3A_725, %shift_right_arithmetic3A_727 : vector<16xi32>
          %gather3A_729 = tpu.vector_load_idx %arg6[%shift_right_arithmetic3A_728] : memref<8192xf32, #tpu.memory_space<vmem>>[vector<16xi32>], vector<16xf32>,
          %le3A_730 = arith.cmpf ole, %gather3A_729, %get3A_654 : vector<16xf32>
          %add3A_731 = arith.constant 1 : i32
          %add3A_732 = vector.broadcast %add3A_731 : i32 to vector<16xi32>
          %add3A_733 = arith.addi %shift_right_arithmetic3A_728, %add3A_732 : vector<16xi32>
          %select_n3A_734 = arith.select %le3A_730, %add3A_733, %select_n3A_723 : vector<16xi1>, vector<16xi32>
          %select_n3A_735 = arith.select %le3A_730, %select_n3A_724, %shift_right_arithmetic3A_728 : vector<16xi1>, vector<16xi32>
          %add3A_736 = arith.addi %select_n3A_734, %select_n3A_735 : vector<16xi32>
          %shift_right_arithmetic3A_737 = arith.constant 1 : i32
          %shift_right_arithmetic3A_738 = vector.broadcast %shift_right_arithmetic3A_737 : i32 to vector<16xi32>
          %shift_right_arithmetic3A_739 = arith.shrsi %add3A_736, %shift_right_arithmetic3A_738 : vector<16xi32>
          %gather3A_740 = tpu.vector_load_idx %arg6[%shift_right_arithmetic3A_739] : memref<8192xf32, #tpu.memory_space<vmem>>[vector<16xi32>], vector<16xf32>,
          %le3A_741 = arith.cmpf ole, %gather3A_740, %get3A_654 : vector<16xf32>
          %add3A_742 = arith.constant 1 : i32
          %add3A_743 = vector.broadcast %add3A_742 : i32 to vector<16xi32>
          %add3A_744 = arith.addi %shift_right_arithmetic3A_739, %add3A_743 : vector<16xi32>
          %select_n3A_745 = arith.select %le3A_741, %add3A_744, %select_n3A_734 : vector<16xi1>, vector<16xi32>
          %select_n3A_746 = arith.select %le3A_741, %select_n3A_735, %shift_right_arithmetic3A_739 : vector<16xi1>, vector<16xi32>
          %add3A_747 = arith.addi %select_n3A_745, %select_n3A_746 : vector<16xi32>
          %shift_right_arithmetic3A_748 = arith.constant 1 : i32
          %shift_right_arithmetic3A_749 = vector.broadcast %shift_right_arithmetic3A_748 : i32 to vector<16xi32>
          %shift_right_arithmetic3A_750 = arith.shrsi %add3A_747, %shift_right_arithmetic3A_749 : vector<16xi32>
          %gather3A_751 = tpu.vector_load_idx %arg6[%shift_right_arithmetic3A_750] : memref<8192xf32, #tpu.memory_space<vmem>>[vector<16xi32>], vector<16xf32>,
          %le3A_752 = arith.cmpf ole, %gather3A_751, %get3A_654 : vector<16xf32>
          %add3A_753 = arith.constant 1 : i32
          %add3A_754 = vector.broadcast %add3A_753 : i32 to vector<16xi32>
          %add3A_755 = arith.addi %shift_right_arithmetic3A_750, %add3A_754 : vector<16xi32>
          %select_n3A_756 = arith.select %le3A_752, %add3A_755, %select_n3A_745 : vector<16xi1>, vector<16xi32>
          %select_n3A_757 = arith.select %le3A_752, %select_n3A_746, %shift_right_arithmetic3A_750 : vector<16xi1>, vector<16xi32>
          %add3A_758 = arith.addi %select_n3A_756, %select_n3A_757 : vector<16xi32>
          %shift_right_arithmetic3A_759 = arith.constant 1 : i32
          %shift_right_arithmetic3A_760 = vector.broadcast %shift_right_arithmetic3A_759 : i32 to vector<16xi32>
          %shift_right_arithmetic3A_761 = arith.shrsi %add3A_758, %shift_right_arithmetic3A_760 : vector<16xi32>
          %gather3A_762 = tpu.vector_load_idx %arg6[%shift_right_arithmetic3A_761] : memref<8192xf32, #tpu.memory_space<vmem>>[vector<16xi32>], vector<16xf32>,
          %le3A_763 = arith.cmpf ole, %gather3A_762, %get3A_654 : vector<16xf32>
          %add3A_764 = arith.constant 1 : i32
          %add3A_765 = vector.broadcast %add3A_764 : i32 to vector<16xi32>
          %add3A_766 = arith.addi %shift_right_arithmetic3A_761, %add3A_765 : vector<16xi32>
          %select_n3A_767 = arith.select %le3A_763, %add3A_766, %select_n3A_756 : vector<16xi1>, vector<16xi32>
          %select_n3A_768 = arith.select %le3A_763, %select_n3A_757, %shift_right_arithmetic3A_761 : vector<16xi1>, vector<16xi32>
          %add3A_769 = arith.addi %select_n3A_767, %select_n3A_768 : vector<16xi32>
          %shift_right_arithmetic3A_770 = arith.constant 1 : i32
          %shift_right_arithmetic3A_771 = vector.broadcast %shift_right_arithmetic3A_770 : i32 to vector<16xi32>
          %shift_right_arithmetic3A_772 = arith.shrsi %add3A_769, %shift_right_arithmetic3A_771 : vector<16xi32>
          %gather3A_773 = tpu.vector_load_idx %arg6[%shift_right_arithmetic3A_772] : memref<8192xf32, #tpu.memory_space<vmem>>[vector<16xi32>], vector<16xf32>,
          %le3A_774 = arith.cmpf ole, %gather3A_773, %get3A_654 : vector<16xf32>
          %add3A_775 = arith.constant 1 : i32
          %add3A_776 = vector.broadcast %add3A_775 : i32 to vector<16xi32>
          %add3A_777 = arith.addi %shift_right_arithmetic3A_772, %add3A_776 : vector<16xi32>
          %select_n3A_778 = arith.select %le3A_774, %add3A_777, %select_n3A_767 : vector<16xi1>, vector<16xi32>
          %select_n3A_779 = arith.select %le3A_774, %select_n3A_768, %shift_right_arithmetic3A_772 : vector<16xi1>, vector<16xi32>
          %add3A_780 = arith.addi %select_n3A_778, %select_n3A_779 : vector<16xi32>
          %shift_right_arithmetic3A_781 = arith.constant 1 : i32
          %shift_right_arithmetic3A_782 = vector.broadcast %shift_right_arithmetic3A_781 : i32 to vector<16xi32>
          %shift_right_arithmetic3A_783 = arith.shrsi %add3A_780, %shift_right_arithmetic3A_782 : vector<16xi32>
          %gather3A_784 = tpu.vector_load_idx %arg6[%shift_right_arithmetic3A_783] : memref<8192xf32, #tpu.memory_space<vmem>>[vector<16xi32>], vector<16xf32>,
          %le3A_785 = arith.cmpf ole, %gather3A_784, %get3A_654 : vector<16xf32>
          %add3A_786 = arith.constant 1 : i32
          %add3A_787 = vector.broadcast %add3A_786 : i32 to vector<16xi32>
          %add3A_788 = arith.addi %shift_right_arithmetic3A_783, %add3A_787 : vector<16xi32>
          %select_n3A_789 = arith.select %le3A_785, %add3A_788, %select_n3A_778 : vector<16xi1>, vector<16xi32>
          %select_n3A_790 = arith.select %le3A_785, %select_n3A_779, %shift_right_arithmetic3A_783 : vector<16xi1>, vector<16xi32>
          %add3A_791 = arith.addi %select_n3A_789, %select_n3A_790 : vector<16xi32>
          %shift_right_arithmetic3A_792 = arith.constant 1 : i32
          %shift_right_arithmetic3A_793 = vector.broadcast %shift_right_arithmetic3A_792 : i32 to vector<16xi32>
          %shift_right_arithmetic3A_794 = arith.shrsi %add3A_791, %shift_right_arithmetic3A_793 : vector<16xi32>
          %gather3A_795 = tpu.vector_load_idx %arg6[%shift_right_arithmetic3A_794] : memref<8192xf32, #tpu.memory_space<vmem>>[vector<16xi32>], vector<16xf32>,
          %le3A_796 = arith.cmpf ole, %gather3A_795, %get3A_654 : vector<16xf32>
          %add3A_797 = arith.constant 1 : i32
          %add3A_798 = vector.broadcast %add3A_797 : i32 to vector<16xi32>
          %add3A_799 = arith.addi %shift_right_arithmetic3A_794, %add3A_798 : vector<16xi32>
          %select_n3A_800 = arith.select %le3A_796, %add3A_799, %select_n3A_789 : vector<16xi1>, vector<16xi32>
          %select_n3A_801 = arith.select %le3A_796, %select_n3A_790, %shift_right_arithmetic3A_794 : vector<16xi1>, vector<16xi32>
          %min3A_802 = arith.constant 8191 : i32
          %min3A_803 = vector.broadcast %min3A_802 : i32 to vector<16xi32>
          %min3A_804 = arith.minsi %select_n3A_800, %min3A_803 : vector<16xi32>
          %mul3A_805 = arith.constant 16 : i32
          %mul3A_806 = arith.muli %scan3A_649, %mul3A_805 : i32
          %add3A_807 = arith.addi %mul3A_121, %mul3A_806 : i32
          %swap3A_808 = arith.index_cast %add3A_807 : i32 to index
          %swap3A_809 = tpu.vector_load %arg12[%swap3A_808] {strides = array<i32>} : memref<32768xi32, #tpu.memory_space<vmem>>, vector<16xi32>,
          tpu.vector_store %arg12[%swap3A_808], %min3A_804 {strides = array<i32>} : memref<32768xi32, #tpu.memory_space<vmem>>, vector<16xi32>,
          %scan3A_810 = arith.constant 0 : i32
          scf.yield %scan3A_810 : i32
        }
        %scan3A_165 = arith.constant 1024 : i32
      } else {
      }
      %add3A_141 = arith.constant 2 : i32
      %add3A_142 = arith.addi %scan3A_116, %add3A_141 : i32
      %lt3A = arith.constant 32 : i32
      %lt3A_143 = arith.cmpi slt, %add3A_142, %lt3A : i32
      %convert_element_type3A_144 = arith.extui %lt3A_143 : i1 to i32
      %cond3A_145 = arith.constant 0 : i32
      %cond3A_146 = arith.cmpi ne, %convert_element_type3A_144, %cond3A_145 : i32
      scf.if %cond3A_146 {
        %add3A_159 = arith.constant 2 : i32
        %add3A_160 = arith.addi %scan3A_116, %add3A_159 : i32
        %mul3A_161 = arith.constant 16384 : i32
        %mul3A_162 = arith.muli %add3A_160, %mul3A_161 : i32
        %add3A_163 = arith.addi %mul3A_2, %mul3A_162 : i32
        %mul3A_164 = arith.constant 16384 : i32
        %mul3A_165 = arith.muli %and3A_119, %mul3A_164 : i32
        %dma_start3A_166 = tpu.memref_slice %arg11[%mul3A_165] : memref<32768xf32, #tpu.memory_space<vmem>> -> memref<16384xf32, #tpu.memory_space<vmem>>
        %dma_start3A_167 = tpu.memref_slice %arg2[%add3A_163] : memref<16777216xf32, #tpu.memory_space<hbm>> -> memref<16384xf32, #tpu.memory_space<hbm>>
        %dma_start3A_168 = tpu.memref_slice %arg13[%and3A_119] : memref<2x!tpu.dma_semaphore, #tpu.memory_space<semaphore_mem>> -> memref<1x!tpu.dma_semaphore, #tpu.memory_space<semaphore_mem>>
        %dma_start3A_169 = tpu.memref_squeeze %dma_start3A_168 : memref<1x!tpu.dma_semaphore, #tpu.memory_space<semaphore_mem>> -> memref<!tpu.dma_semaphore, #tpu.memory_space<semaphore_mem>>
        %dma_start3A_170 = tpu.memref_slice %arg11[%mul3A_165] : memref<32768xf32, #tpu.memory_space<vmem>> -> memref<16384xf32, #tpu.memory_space<vmem>>
        %dma_start3A_171 = tpu.memref_slice %arg2[%add3A_163] : memref<16777216xf32, #tpu.memory_space<hbm>> -> memref<16384xf32, #tpu.memory_space<hbm>>
        tpu.enqueue_dma source(%dma_start3A_171 : memref<16384xf32, #tpu.memory_space<hbm>>) target(%dma_start3A_170 : memref<16384xf32, #tpu.memory_space<vmem>>) target_semaphore(%dma_start3A_169 : memref<!tpu.dma_semaphore, #tpu.memory_space<semaphore_mem>>)
      } else {
      }
      %mul3A_147 = arith.constant 16384 : i32
      %mul3A_148 = arith.muli %and3A_119, %mul3A_147 : i32
      %mul3A_149 = arith.constant 16384 : i32
      %mul3A_150 = arith.muli %scan3A_116, %mul3A_149 : i32
      %add3A_151 = arith.addi %mul3A_2, %mul3A_150 : i32
      %dma_start3A_152 = tpu.memref_slice %arg12[%mul3A_148] : memref<32768xi32, #tpu.memory_space<vmem>> -> memref<16384xi32, #tpu.memory_space<vmem>>
      %dma_start3A_153 = tpu.memref_slice %arg4[%add3A_151] : memref<16777216xi32, #tpu.memory_space<hbm>> -> memref<16384xi32, #tpu.memory_space<hbm>>
      %dma_start3A_154 = tpu.memref_slice %arg14[%and3A_119] : memref<2x!tpu.dma_semaphore, #tpu.memory_space<semaphore_mem>> -> memref<1x!tpu.dma_semaphore, #tpu.memory_space<semaphore_mem>>
      %dma_start3A_155 = tpu.memref_squeeze %dma_start3A_154 : memref<1x!tpu.dma_semaphore, #tpu.memory_space<semaphore_mem>> -> memref<!tpu.dma_semaphore, #tpu.memory_space<semaphore_mem>>
      %dma_start3A_156 = tpu.memref_slice %arg4[%add3A_151] : memref<16777216xi32, #tpu.memory_space<hbm>> -> memref<16384xi32, #tpu.memory_space<hbm>>
      %dma_start3A_157 = tpu.memref_slice %arg12[%mul3A_148] : memref<32768xi32, #tpu.memory_space<vmem>> -> memref<16384xi32, #tpu.memory_space<vmem>>
      tpu.enqueue_dma source(%dma_start3A_157 : memref<16384xi32, #tpu.memory_space<vmem>>) target(%dma_start3A_156 : memref<16384xi32, #tpu.memory_space<hbm>>) target_semaphore(%dma_start3A_155 : memref<!tpu.dma_semaphore, #tpu.memory_space<semaphore_mem>>)
      %scan3A_158 = arith.constant 0 : i32
      scf.yield %scan3A_158 : i32
    }
    %scan3A_90 = arith.constant 32 : i32
    %and3A = arith.constant 30 : i32
    %and3A_91 = arith.constant 1 : i32
    %and3A_92 = arith.andi %and3A, %and3A_91 : i32
    %mul3A_93 = arith.constant 16384 : i32
    %mul3A_94 = arith.muli %and3A_92, %mul3A_93 : i32
    %add3A_95 = arith.constant 491520 : i32
    %add3A_96 = arith.addi %mul3A_2, %add3A_95 : i32
    %dma_wait3A_97 = tpu.memref_slice %arg12[%mul3A_94] : memref<32768xi32, #tpu.memory_space<vmem>> -> memref<16384xi32, #tpu.memory_space<vmem>>
    %dma_wait3A_98 = tpu.memref_slice %arg4[%add3A_96] : memref<16777216xi32, #tpu.memory_space<hbm>> -> memref<16384xi32, #tpu.memory_space<hbm>>
    %dma_wait3A_99 = tpu.memref_slice %arg14[%and3A_92] : memref<2x!tpu.dma_semaphore, #tpu.memory_space<semaphore_mem>> -> memref<1x!tpu.dma_semaphore, #tpu.memory_space<semaphore_mem>>
    %dma_wait3A_100 = tpu.memref_squeeze %dma_wait3A_99 : memref<1x!tpu.dma_semaphore, #tpu.memory_space<semaphore_mem>> -> memref<!tpu.dma_semaphore, #tpu.memory_space<semaphore_mem>>
    %dma_wait3A_101 = tpu.memref_slice %arg4[%add3A_96] : memref<16777216xi32, #tpu.memory_space<hbm>> -> memref<16384xi32, #tpu.memory_space<hbm>>
    %dma_wait3A_102 = tpu.memref_slice %arg12[%mul3A_94] : memref<32768xi32, #tpu.memory_space<vmem>> -> memref<16384xi32, #tpu.memory_space<vmem>>
    tpu.wait_dma2 semaphore(%dma_wait3A_100 : memref<!tpu.dma_semaphore, #tpu.memory_space<semaphore_mem>>) src(%dma_wait3A_102 : memref<16384xi32, #tpu.memory_space<vmem>>) dst(%dma_wait3A_101 : memref<16384xi32, #tpu.memory_space<hbm>>)
    %and3A_103 = arith.constant 31 : i32
    %and3A_104 = arith.constant 1 : i32
    %and3A_105 = arith.andi %and3A_103, %and3A_104 : i32
    %mul3A_106 = arith.constant 16384 : i32
    %mul3A_107 = arith.muli %and3A_105, %mul3A_106 : i32
    %add3A_108 = arith.constant 507904 : i32
    %add3A_109 = arith.addi %mul3A_2, %add3A_108 : i32
    %dma_wait3A_110 = tpu.memref_slice %arg12[%mul3A_107] : memref<32768xi32, #tpu.memory_space<vmem>> -> memref<16384xi32, #tpu.memory_space<vmem>>
    %dma_wait3A_111 = tpu.memref_slice %arg4[%add3A_109] : memref<16777216xi32, #tpu.memory_space<hbm>> -> memref<16384xi32, #tpu.memory_space<hbm>>
    %dma_wait3A_112 = tpu.memref_slice %arg14[%and3A_105] : memref<2x!tpu.dma_semaphore, #tpu.memory_space<semaphore_mem>> -> memref<1x!tpu.dma_semaphore, #tpu.memory_space<semaphore_mem>>
    %dma_wait3A_113 = tpu.memref_squeeze %dma_wait3A_112 : memref<1x!tpu.dma_semaphore, #tpu.memory_space<semaphore_mem>> -> memref<!tpu.dma_semaphore, #tpu.memory_space<semaphore_mem>>
    %dma_wait3A_114 = tpu.memref_slice %arg4[%add3A_109] : memref<16777216xi32, #tpu.memory_space<hbm>> -> memref<16384xi32, #tpu.memory_space<hbm>>
    %dma_wait3A_115 = tpu.memref_slice %arg12[%mul3A_107] : memref<32768xi32, #tpu.memory_space<vmem>> -> memref<16384xi32, #tpu.memory_space<vmem>>
    tpu.wait_dma2 semaphore(%dma_wait3A_113 : memref<!tpu.dma_semaphore, #tpu.memory_space<semaphore_mem>>) src(%dma_wait3A_115 : memref<16384xi32, #tpu.memory_space<vmem>>) dst(%dma_wait3A_114 : memref<16384xi32, #tpu.memory_space<hbm>>)
    return
  }
}

</mosaic_0001>

<sc_bundles>
// kernel: kernel.3.cloned.1.call-start
scs
__scs_entry_jumppad:
0x0: {  	(pc) =	sbr.rel $0x88, $3  }
0x1: {  	(tag) =	ssettag $0x0;
	lr =	simm.s32 $0x1  }
0x2: {  	[smem:$0x3F9F] =	sst lr;
	_ =	strace $0xD0000000  }
0x3: {  	_ = 	snop  }
0x4: {  	_ = 	snop  }
0x5: {  	_ = 	snop  }
0x6: {  	_ = 	snop  }
0x7: {  	_ = 	snop  }
__scs_overlays_trampoline_lowered:
0x8: {  	[smem:$0x3FAE] =	sst s0  }
0x9: {  	[smem:$0x3FAF] =	sst s1  }
0xa: {  	[smem:$0x3FB0] =	sst s2  }
0xb: {  	[smem:$0x3FB1] =	sst s3  }
0xc: {  	[smem:$0x3FB2] =	sst s4  }
0xd: {  	[smem:$0x3FB3] =	sst s5  }
0xe: {  	[smem:$0x3FB4] =	sst s6  }
0xf: {  	[smem:$0x3FB5] =	sst s7  }
0x10: {  	[smem:$0x3FB6] =	sst s8  }
0x11: {  	[smem:$0x3FB7] =	sst s9;
	s0 =	simm.s32 @!p0 $0x0  }
0x12: {  	s1 =	sld [smem:$0x3F9D];
	s0 =	simm.s32 @p0 $0x1  }
0x13: {  	[smem:$0x3FB8] =	sst s0;
	s0 =	simm.s32 @!p1 $0x0  }
0x14: {  	s2 =	sld [smem:$0x3F9C];
	s0 =	simm.s32 @p1 $0x1  }
0x15: {  	[smem:$0x3FB9] =	sst s0;
	s0 =	simm.s32 @!p2 $0x0  }
0x16: {  	s3 =	sld [smem:$0x3FDB];
	s0 =	simm.s32 @p2 $0x1  }
0x17: {  	s4 =	simm.s32 $0x1BF5;
	[smem:$0x3FBB] =	sst s0  }
0x18: {  	s0 =	sld [smem:$0x3F9E];
	_ =	swait.ge [sflag:s4], $0x0  }
0x19: {  	s7 =	sld [smem:$0x3F9F]  }
0x1a: {  	s8 =	sadd.s32 $0xFFFFE003, lr  }
0x1b: {  	s9 =	sadd.s32 $0xFFFFFEF7, lr;
	s5 =	simm.s32 $0xFFFFFFFF;
	p2 =	slt.u32 s8, $0xFFFFF086  }
0x1c: {  	p1 =	slt.u32 s9, $0xF7A;
	s5 =	simm.s32 @!p2 $0x0  }
0x1d: {  	s5 =	simm.s32 @p1 $0x1;
	p0 =	seq.s32 s7, s2  }
0x1e: {  	s7 =	smul.u32 @!p0 $0xF7A, s2;
	p2 =	seq.s32 @!p0 s5, $0x0  }
0x1f: {  	s9 =	smul.u32 $0xF7A, s1;
	s8 =	simm.s32 @!p0 $0x1BF5;
	p2 =	por !p2, p0  }
0x20: {  	[sflag:s8] =	ssyncset.s32 @!p0 $0xFFFFF086;
	s6 =	sadd.s32 @!p0 s3, s7;
	s7 =	simm.s32 @!p0 $0x108  }
0x21: {  	s3 =	sadd.s32 s3, s9;
	s6 =	sadd.s32 @!p0 $0x88, s6;
	s7 =	simm.s32 @p2 $0x1082  }
0x22: {  	[simem:s7], [sflag:s8] =	dma.local @!p0 [hbm:s6], $0xF7A  }
0x23: {  	s9 =	sor.u32 $0xD0000000, s2;
	s6 =	simm.s32 $0x108;
	_ =	swait.ge @!p0 [sflag:s8], $0x0  }
0x24: {  	s3 =	sadd.s32 $0x88, s3;
	s6 =	simm.s32 @!p1 $0x1082;
	[sflag:s4] =	ssyncset.s32 $0xFFFFF086  }
0x25: {  	[simem:s6], [sflag:s4] =	dma.local [hbm:s3], $0xF7A  }
0x26: {  	[smem:$0x3F9F] =	sst s1;
	(tag) =	ssettag s2;
	_ =	strace s9  }
0x27: {  	s1 =	sld [smem:$0x3FAF]  }
0x28: {  	s2 =	sld [smem:$0x3FB0]  }
0x29: {  	s4 =	sld [smem:$0x3FB2]  }
0x2a: {  	p0 =	seq.s32 s5, $0x0;
	s5 =	sld [smem:$0x3FB3]  }
0x2b: {  	s6 =	sld [smem:$0x3FB4]  }
0x2c: {  	s7 =	sld [smem:$0x3FB5]  }
0x2d: {  	s3 =	simm.s32 $0x108;
	s8 =	sld [smem:$0x3FB6]  }
0x2e: {  	s3 =	simm.s32 @!p0 $0x1082;
	s9 =	sld [smem:$0x3FB7]  }
0x2f: {  	lr =	sadd.s32 s0, s3;
	s0 =	sld [smem:$0x3FAE]  }
0x30: {  	s3 =	sld [smem:$0x3FB1]  }
0x31: {  	[smem:$0x3FBA] =	sst s10  }
0x32: {  	s10 =	sld [smem:$0x3FB8];
	_ =	sdelay $0x3  }
0x33: {  	p0 =	seq.s32 s10, $0x1;
	s10 =	sld [smem:$0x3FBA];
	_ =	sdelay $0x3  }
0x34: {  	[smem:$0x3FBA] =	sst s10  }
0x35: {  	s10 =	sld [smem:$0x3FB9];
	_ =	sdelay $0x3  }
0x36: {  	p1 =	seq.s32 s10, $0x1;
	s10 =	sld [smem:$0x3FBA];
	_ =	sdelay $0x3  }
0x37: {  	[smem:$0x3FBA] =	sst s10  }
0x38: {  	s10 =	sld [smem:$0x3FBB]  }
0x39: {  	_ = 	snop;
	(pc) =	sbr.ind lr, $3  }
0x3a: {  	_ = 	snop  }
0x3b: {  	_ = 	snop  }
0x3c: {  	p2 =	seq.s32 s10, $0x1;
	s10 =	sld [smem:$0x3FBA]  }
0x3d: {  	_ =	shalt  }
0x3e: {  	_ =	shalt  }
0x3f: {  	_ =	shalt  }
0x40: {  	_ =	shalt  }
0x41: {  	_ =	shalt  }
0x42: {  	_ =	shalt  }
0x43: {  	_ =	shalt  }
0x44: {  	_ =	shalt  }
0x45: {  	_ =	shalt  }
0x46: {  	_ =	shalt  }
0x47: {  	_ =	shalt  }
0x48: {  	_ =	shalt  }
0x49: {  	_ =	shalt  }
0x4a: {  	_ =	shalt  }
0x4b: {  	_ =	shalt  }
0x4c: {  	_ =	shalt  }
0x4d: {  	_ =	shalt  }
0x4e: {  	_ =	shalt  }
0x4f: {  	_ =	shalt  }
0x50: {  	_ =	shalt  }
0x51: {  	_ =	shalt  }
0x52: {  	_ =	shalt  }
0x53: {  	_ =	shalt  }
0x54: {  	_ =	shalt  }
0x55: {  	_ =	shalt  }
0x56: {  	_ =	shalt  }
0x57: {  	_ =	shalt  }
0x58: {  	_ =	shalt  }
0x59: {  	_ =	shalt  }
0x5a: {  	_ =	shalt  }
0x5b: {  	_ =	shalt  }
0x5c: {  	_ =	shalt  }
0x5d: {  	_ =	shalt  }
0x5e: {  	_ =	shalt  }
0x5f: {  	_ =	shalt  }
0x60: {  	_ =	shalt  }
0x61: {  	_ =	shalt  }
0x62: {  	_ =	shalt  }
0x63: {  	_ =	shalt  }
0x64: {  	_ =	shalt  }
0x65: {  	_ =	shalt  }
0x66: {  	_ =	shalt  }
0x67: {  	_ =	shalt  }
0x68: {  	_ =	shalt  }
0x69: {  	_ =	shalt  }
0x6a: {  	_ =	shalt  }
0x6b: {  	_ =	shalt  }
0x6c: {  	_ =	shalt  }
0x6d: {  	_ =	shalt  }
0x6e: {  	_ =	shalt  }
0x6f: {  	_ =	shalt  }
0x70: {  	_ =	shalt  }
0x71: {  	_ =	shalt  }
0x72: {  	_ =	shalt  }
0x73: {  	_ =	shalt  }
0x74: {  	_ =	shalt  }
0x75: {  	_ =	shalt  }
0x76: {  	_ =	shalt  }
0x77: {  	_ =	shalt  }
0x78: {  	_ =	shalt  }
0x79: {  	_ =	shalt  }
0x7a: {  	_ =	shalt  }
0x7b: {  	_ =	shalt  }
0x7c: {  	_ =	shalt  }
0x7d: {  	_ =	shalt  }
0x7e: {  	_ =	shalt  }
0x7f: {  	_ =	shalt  }
0x80: {  	_ =	shalt  }
0x81: {  	_ =	shalt  }
0x82: {  	_ =	shalt  }
0x83: {  	_ =	shalt  }
0x84: {  	_ =	shalt  }
0x85: {  	_ =	shalt  }
0x86: {  	_ =	shalt  }
0x87: {  	_ =	shalt  }
.Lfunc_end0:
.L_simem_size_0:
called_computation_lowered:
.L_overlay_start_0:
0x88: {  	s2 =	sld [smem:$0x3FD9]  }
0x89: {  	s3 =	sld [smem:$0x3FFE];
	_ =	sdelay $0x1  }
0x8a: {  	s1 =	srdreg.scid  }
0x8b: {  	s0 =	sand.u32 $0x1, s1  }
0x8c: {  	s18 =	sshll.u32 s0, $0xA;
	s2 =	sadd.s32 s3, s2  }
0x8d: {  	s2 =	sadd.s32 s2, s18  }
0x8e: {  	[smem:$0x3FC6] =	sst s2  }
0x8f: {  	_ = 	snop  }
0x90: {  	s2 =	sld [smem:$0x3FC9]  }
0x91: {  	s19 =	sld [smem:$0x3FC8]  }
0x92: {  	s4 =	sld [smem:$0x3FD0];
	(tm) =	ssettm $0x1  }
0x93: {  	s5 =	sld [smem:$0x3FFB];
	_ =	sdelay $0x3  }
0x94: {  	_ =	strace s5  }
0x95: {  	s5 =	sld [smem:$0x3FFC];
	_ =	sdelay $0x3  }
0x96: {  	_ =	strace s5  }
0x97: {  	s5 =	sld [smem:$0x3FFD];
	_ =	sdelay $0x3  }
0x98: {  	_ =	strace s5  }
0x99: {  	_ =	strace $0x8FFFFFFF  }
0x9a: {  	s20 =	sld [smem:$0x3FDB];
	_ =	sdelay $0x1  }
0x9b: {  	s6 =	simm.s32 $_scs_section_size  }
0x9c: {  	s7 =	simm.s32 $_size__tile_overlayer_lowered;
	s8 =	simm.s32 $_tile_overlayer_lowered  }
0x9d: {  	s23 =	simm.s32 $0x1BFF;
	s22 =	sshll.u32 s8, $0x1;
	s5 =	sadd.s32 s6, s20  }
0x9e: {  	s9 =	simm.s32 $0x0;
	s21 =	sshll.u32 s7, $0x1;
	s7 =	sadd.s32 s22, s5  }
0x9f: {  	[timem:s9], [sflag:s23] =	dma.local [hbm:s7], s21  }
0xa0: {  	_ =	swait.ge [sflag:s23], s21  }
0xa1: {  	s6 =	ssub.s32 $0x0, s21;
	[sflag:s23] =	ssyncset.done $0x0  }
0xa2: {  	[sflag:s23] =	ssyncadd.s32 s6;
	_ =	sdelay $0x1  }
0xa3: {  	s24 =	simm.s32 $0x1B8B  }
0xa4: {  	_ =	swait.ge [sflag:s24], $0x1  }
0xa5: {  	[sflag:s24] =	ssyncset.done $0x0  }
0xa6: {  	s25 =	simm.s32 $0x1B8E;
	[sflag:s24] =	ssyncadd.s32 $0xFFFFFFFF  }
0xa7: {  	s26 =	simm.s32 $execute0_lowered;
	[smem:$0x3FD2] =	sst s25  }
0xa8: {  	s6 =	sshll.u32 s26, $0x1;
	_ =	strace $0x80000046;
	[dreg:$0x1] =	wrdreg $0xFFFFFFFF  }
0xa9: {  	s28 =	simm.s32 $_size_execute0_lowered;
	s5 =	sadd.s32 s5, s6;
	[dreg:$0x0] =	wrdreg $0x0  }
0xaa: {  	s6 =	sshll.u32 s28, $0x1;
	[dreg:$0x2] =	wrdreg s5  }
0xab: {  	[dreg:$0x3] =	wrdreg s6  }
0xac: {  	[dreg:$0x4] =	wrdreg $0xC0  }
0xad: {  	_ =	task [dreg:s9], $0x5FFFF  }
0xae: {  	[dreg:$0x1] =	wrdreg $0xFFFFFFFF  }
0xaf: {  	[dreg:$0x0] =	wrdreg $0x60  }
0xb0: {  	[dreg:$0x2] =	wrdreg s2  }
0xb1: {  	[dreg:$0x3] =	wrdreg s19  }
0xb2: {  	[dreg:$0x4] =	wrdreg s4  }
0xb3: {  	[dreg:$0x5] =	wrdreg $0x9  }
0xb4: {  	_ =	task.clear_ibuf [dreg:s9], $0x6FFFF;
	_ =	strace $0x90000046  }
0xb5: {  	s29 =	simm.s32 $0x9;
	_ =	strace $0x80000048  }
0xb6: {  	_ =	swait.ge [sflag:s29], $0x1  }
0xb7: {  	[sflag:s29] =	ssyncadd.s32 $0xFFFFFFFF  }
0xb8: {  	_ =	strace $0x90000048  }
0xb9: {  	_ =	sfence  }
0xba: {  	s30 =	sld [smem:$0x0];
	_ =	sdelay $0x2  }
0xbb: {  	s31 =	sshll.u32 s1, $0xD;
	s1 =	sshrl.u32 s1, $0x2  }
0xbc: {  	s3 =	sand.u32 $0x4000, s31;
	s1 =	sadd.s32 s1, s30  }
0xbd: {  	s0 =	sor.u32 s3, s0;
	s1 =	sshll.u32 s1, $0x11  }
0xbe: {  	s0 =	sor.u32 s1, s0  }
0xbf: {  	s0 =	sadd.s32 $0x8F2B, s0  }
0xc0: {  	[sflag:s0] =	ssyncadd.remote.s32 $0x1  }
0xc1: {  	_ =	sfence.sel $0xFFFF  }
0xc2: {  	[dreg:$0x0] =	wrdreg $0xFFFFFFFF;
	(pc) =	sbr.abs _section_cstart, $3  }
0xc3: {  	[dreg:$0x1] =	wrdreg $0xFFFFFFFF  }
0xc4: {  	_ =	task.clear_ibuf [dreg:s9], $0x2FFFF;
	_ =	strace $0x9FFFFFFF  }
0xc5: {  	(tm) =	ssettm $0x7FFFFFFF  }
tec
execute0_lowered:
.L_overlay_start_1:
0x0: {  	(tag) =	ssettag $0x1  }
0x1: {  	v0 =	vimm.s32 $0x0;
	v1 =	vimm.f32 $3.000000010e+38;
	v2 =	vlaneseq.u32  }
0x2: {  	v4 =	vimm.s32 $0x65432100;
	v5 =	vimm.s32 $0xEDCBA987;
	v7 =	vimm.s32 $0xDCBA9876  }
0x3: {  	v8 =	vimm.s32 $0x54321000;
	v9 =	vimm.s32 $0xBA987654;
	v10 =	vimm.s32 $0xE40000  }
0x4: {  	v11 =	vimm.s32 $0x32100000;
	vm0 =	vmmov $0x3;
	vm2 =	vcmask $0x3F30  }
0x5: {  	vm1 =	vmmov $0xf;
	v12 =	vimm.s32 $0x400;
	v13 =	vimm.s32 $0x1000  }
0x6: {  	v6 =	vunpack.c.l.s4.s8 v4;
	v5 =	vunpack.c.l.s4.s8 v5;
	v7 =	vunpack.c.l.s4.s8 v7  }
0x7: {  	s0 =	rddreg [dreg:$0x0];
	s1 =	srdreg.scid;
	v8 =	vunpack.c.l.s4.s8 v8;
	v9 =	vunpack.c.l.s4.s8 v9;
	v10 =	vunpack.c.l.s2.s4 v10  }
0x8: {  	s2 =	stileid.u32;
	s4 =	rddreg [dreg:$0x2];
	s5 =	simm.s32 $0x0;
	v11 =	vunpack.c.l.s4.s8 v11;
	v5 =	vunpack.c.0.s8.s32 v5;
	v7 =	vunpack.c.0.s8.s32 v7  }
0x9: {  	s13 =	simm.s32 $0x5;
	s14 =	simm.s32 $0xC100;
	s15 =	simm.s32 $0x4000;
	v6 =	vunpack.c.0.s8.s32 v6;
	v8 =	vunpack.c.0.s8.s32 v8;
	v9 =	vunpack.c.0.s8.s32 v9  }
0xa: {  	s16 =	simm.s32 $0x8080;
	s17 =	simm.s32 $0xC300;
	s18 =	simm.s32 $0x2000;
	v10 =	vunpack.c.l.s4.s8 v10;
	v5 =	vand.u32 $0xF, v5;
	v7 =	vand.u32 $0xF, v7  }
0xb: {  	s19 =	simm.s32 $0x3;
	s20 =	simm.s32 $0x4;
	s1 =	sand.u32 $0x1, s1;
	v5 =	vcombine.low v6, v5;
	v6 =	vcombine.low v8, v7;
	v7 =	vunpack.c.0.s8.s32 v11  }
.Ltmp0:
0xc: {  	s2 =	sshll.u32 s2, $0x14;
	s3 =	sshll.u32 s1, $0x13;
	v10 =	vunpack.c.0.s8.s32 v10;
	v8 =	vand.u32 $0xF, v9;
	v9 =	vimm.s32 $0x7060504;
	(pc) =	sbr.rel .LBB2_1-.Ltmp0, $4  }
0xd: {  	s21 =	simm.s32 $0x0;
	v3 =	vmul.u32 $0xFFFFFFFF, v2;
	s1 =	ssub.s32 $0x2, s1;
	s6 =	sor.u32 s3, s2;
	v7 =	vcombine.low v7, v8;
	v8 =	vunpack.c.0.s8.s32 v9  }
0xe: {  	v14 =	vimm.s32 $0x800;
	[smem:$0x7FF] =	sst s5;
	s31 =	sshrl.u32 s1, $0x1;
	s2 =	sshrl.u32 s6, $0x3;
	v9 =	vand.u32 $0x3, v10;
	v10 =	vmul.u32 $0x10, v2  }
0xf: {  	_ =	strace $0x80000047;
	v4 =	vadd.s32 $0x1FFF, v3;
	s1 =	ssub.s32 s1, s31;
	s7 =	sadd.s32 s0, s2;
	v11 =	vimm.f32 $0.0e+00;
	v8 =	vsel vm2, v8, v9  }
0x10: {  	s9 =	sor.u32 $0x8000, s6;
	s10 =	smax.u32 s1, $0x1;
	s8 =	sadd.s32 $0x800, s7;
	vm2 =	vmmov $0xff;
	v9 =	vor.u32 $0xF, v10;
	v10 =	vimm.s32 $0xF  }
.LBB2_24:
0x11: {  	s21 =	sadd.s32 $0x1, s21  }
0x12: {  	_ =	swait.ge [sflag:s19], $0x4000;
	p0 =	sne.s32 s21, s10  }
.Ltmp1:
0x13: {  	[sflag:s19] =	ssyncset.done $0x0;
	(pc) =	sbr.rel @!p0 .LBB2_25-.Ltmp1, $4  }
0x14: {  	[sflag:s19] =	ssyncadd.s32 $0xFFFFC000  }
0x15: {  	_ =	swait.ge [sflag:s20], $0x4000  }
0x16: {  	[sflag:s20] =	ssyncset.done $0x0  }
0x17: {  	[sflag:s20] =	ssyncadd.s32 $0xFFFFC000  }
.LBB2_1:
0x18: {  	s1 =	simm.s32 $0xC780  }
0x19: {  	[tilespmem:s1], [sflag:$0x1] =	stream.linear.gather [hbm4b:s7+s5], $0x4000, $0x38;
	[tilespmem:$0x1C780] =	vst v63  }
0x1a: {  	s30 =	simm.s32 $0x10780  }
0x1b: {  	[tilespmem:s30], [sflag:$0x2] =	stream.linear.gather [hbm4b:s8+s5], $0x4000, $0x38;
	[tilespmem:$0x1C780] =	vst v63  }
0x1c: {  	s31 =	rddreg [dreg:$0x1];
	s2 =	simm.s32 $0x4020  }
0x1d: {  	[tilespmem:s5], [sflag:$0x5] =	stream.linear.gather [hbm4b:s31+s5], $0x1FFF, $0x38;
	[tilespmem:$0x1C780] =	vst v63  }
0x1e: {  	[tilespmem:s2+$0xFFFFFFF0] =	vst v0  }
0x1f: {  	[tilespmem:s2+$0x0] =	vst v0  }
0x20: {  	[tilespmem:s2+$0x10] =	vst v0  }
0x21: {  	s1 =	simm.s32 $0x80A0;
	[tilespmem:s2+$0xFFFFFFE0] =	vst v0  }
0x22: {  	[tilespmem:s1+$0xFFFFFFF0] =	vst v1  }
0x23: {  	[tilespmem:s1+$0x0] =	vst v1  }
0x24: {  	[tilespmem:s1+$0x10] =	vst v1  }
0x25: {  	s3 =	simm.s32 $0x4060;
	s2 =	simm.s32 $0x0;
	[tilespmem:s1+$0xFFFFFFE0] =	vst v1  }
.LBB2_2:
0x26: {  	[tilespmem:s3+$0xFFFFFFF0] =	vst v0;
	s1 =	sadd.s32 $0x40, s1  }
0x27: {  	s2 =	sadd.s32 $0x4, s2;
	[tilespmem:s1+$0xFFFFFFF0] =	vst v1  }
0x28: {  	p0 =	slt.u32 s2, $0x3FC;
	[tilespmem:s3+$0x0] =	vst v0  }
.Ltmp2:
0x29: {  	[tilespmem:s1+$0x0] =	vst v1;
	(pc) =	sbr.rel @p0 .LBB2_2-.Ltmp2, $4  }
0x2a: {  	[tilespmem:s3+$0x10] =	vst v0  }
0x2b: {  	[tilespmem:s1+$0x10] =	vst v1  }
0x2c: {  	[tilespmem:s3+$0xFFFFFFE0] =	vst v0  }
0x2d: {  	s3 =	sadd.s32 $0x40, s3;
	[tilespmem:s1+$0xFFFFFFE0] =	vst v1  }
0x2e: {  	[tilespmem:$0x8000] =	vst v0  }
0x2f: {  	[tilespmem:$0xC080] =	vst v1  }
0x30: {  	_ =	swait.ge [sflag:s13], $0x1FFF  }
0x31: {  	[sflag:s13] =	ssyncset.done $0x0  }
0x32: {  	s3 =	simm.s32 $0x20;
	[sflag:s13] =	ssyncadd.s32 $0xFFFFE001  }
0x33: {  	v15 =	vld [tilespmem:s3+$0x10]  }
0x34: {  	v16 =	vld [tilespmem:s3+$0xFFFFFFF0]  }
0x35: {  	v17 =	vld [tilespmem:s3+$0x0]  }
0x36: {  	v18 =	vld [tilespmem:s3+$0xFFFFFFE0];
	_ =	sdelay $0x1  }
0x37: {  	v15 =	vmul.f32 $1.442695020e+00, v15  }
0x38: {  	v16 =	vmul.f32 $1.442695020e+00, v16  }
0x39: {  	v17 =	vmul.f32 $1.442695020e+00, v17;
	(erf) = vpow2.f32 v15  }
0x3a: {  	v15 =	vmul.f32 $1.442695020e+00, v18;
	(erf) = vpow2.f32 v16  }
0x3b: {  	(erf) = vpow2.f32 v17  }
0x3c: {  	(erf) = vpow2.f32 v15;
	_ =	sdelay $0x1  }
0x3d: {  	s1 =	simm.s32 $0x30  }
0x3e: {  	s2 =	simm.s32 $0x10;
	v15 =	vmov s1  }
0x3f: {  	v16 =	vmov s2  }
0x40: {  	s31 =	simm.s32 $0x20  }
0x41: {  	s22 =	simm.s32 $0x0;
	v18 =	vmov s31;
	vm3 =	vlt.u32 v15, v4;
	v15 =	vpop (erf)  }
0x42: {  	v17 =	vmov s22;
	vm4 =	vlt.u32 v16, v4;
	v15 =	vnsel vm3, $0x0, v15;
	v16 =	vpop (erf)  }
0x43: {  	vm5 =	vlt.u32 v17, v4;
	v16 =	vnsel vm4, $0x0, v16;
	v19 =	vperm.xlane v15, v5;
	v20 =	vpop (erf)  }
0x44: {  	vm3 =	veq.s32 v2, $0x0;
	vm4 =	vlt.u32 v18, v4;
	v17 =	vperm.xlane v16, v5;
	v18 =	vpop (erf)  }
0x45: {  	s1 =	simm.s32 $0x60;
	v20 =	vnsel vm4, $0x0, v20;
	v18 =	vnsel vm5, $0x0, v18;
	v19 =	vsel vm3, $0x0, v19  }
0x46: {  	v23 =	vld [tilespmem:s1+$0xFFFFFFF0];
	v21 =	vperm.xlane v18, v5;
	v15 =	vadd.f32 v15, v19;
	v19 =	vperm.xlane v20, v5  }
0x47: {  	v17 =	vsel vm3, $0x0, v17  }
0x48: {  	v16 =	vadd.f32 v16, v17;
	v17 =	vld [tilespmem:s1+$0x10];
	v21 =	vsel vm3, $0x0, v21;
	v19 =	vsel vm3, $0x0, v19  }
0x49: {  	v22 =	vperm.xlane v15, v6;
	v18 =	vadd.f32 v18, v21;
	v19 =	vadd.f32 v20, v19;
	v20 =	vld [tilespmem:s1+$0x0]  }
0x4a: {  	v24 =	vld [tilespmem:s1+$0xFFFFFFE0];
	v21 =	vperm.xlane v16, v6  }
0x4b: {  	v23 =	vmul.f32 $1.442695020e+00, v23;
	v22 =	vsel vm0, $0x0, v22;
	v25 =	vperm.xlane v18, v6  }
0x4c: {  	v21 =	vsel vm0, $0x0, v21;
	v15 =	vadd.f32 v15, v22;
	v22 =	vperm.xlane v19, v6  }
0x4d: {  	v16 =	vadd.f32 v16, v21;
	v17 =	vmul.f32 $1.442695020e+00, v17;
	v21 =	vsel vm0, $0x0, v25  }
0x4e: {  	v25 =	vperm.xlane v15, v7;
	v22 =	vsel vm0, $0x0, v22;
	v20 =	vmul.f32 $1.442695020e+00, v20  }
0x4f: {  	v18 =	vadd.f32 v18, v21;
	(erf) = vpow2.f32 v17;
	v21 =	vmul.f32 $1.442695020e+00, v24  }
0x50: {  	v19 =	vadd.f32 v19, v22;
	v17 =	vsel vm1, $0x0, v25;
	(erf) = vpow2.f32 v23  }
0x51: {  	v15 =	vadd.f32 v15, v17;
	(erf) = vpow2.f32 v20;
	v17 =	vperm.xlane v18, v7  }
0x52: {  	v22 =	vperm.xlane v19, v7;
	(erf) = vpow2.f32 v21  }
0x53: {  	v21 =	vperm.xlane v16, v7;
	v20 =	vperm.xlane v15, v8;
	v17 =	vsel vm1, $0x0, v17  }
0x54: {  	v17 =	vadd.f32 v18, v17  }
0x55: {  	s11 =	simm.s32 $0x50;
	v18 =	vsel vm2, $0x0, v20;
	v20 =	vsel vm1, $0x0, v21;
	v21 =	vsel vm1, $0x0, v22  }
0x56: {  	s2 =	simm.s32 $0x40;
	v22 =	vadd.f32 v15, v18;
	v15 =	vadd.f32 v19, v21;
	v19 =	vmov s11  }
0x57: {  	s12 =	simm.s32 $0x60;
	s23 =	simm.s32 $0x70;
	v18 =	vmov s2  }
0x58: {  	v16 =	vadd.f32 v16, v20;
	v20 =	vmov s12;
	v21 =	vmov s23  }
0x59: {  	v27 =	vperm.xlane v17, v8;
	vm4 =	vlt.u32 v19, v4;
	vm6 =	vlt.u32 v21, v4;
	v19 =	vpop (erf)  }
0x5a: {  	vm5 =	vlt.u32 v20, v4;
	vm7 =	vlt.u32 v18, v4;
	v20 =	vnsel vm6, $0x0, v19;
	v18 =	vpop (erf)  }
0x5b: {  	v26 =	vnsel vm4, $0x0, v18;
	v21 =	vperm.xlane v20, v5;
	v19 =	vpop (erf);
	v18 =	vperm.xlane v16, v8  }
0x5c: {  	v28 =	vperm.xlane v26, v5;
	v23 =	vnsel vm5, $0x0, v19;
	v24 =	vpop (erf);
	v19 =	vperm.xlane v15, v8  }
0x5d: {  	v24 =	vnsel vm7, $0x0, v24;
	v29 =	vperm.xlane v23, v5;
	v21 =	vsel vm3, $0x0, v21  }
0x5e: {  	v21 =	vadd.f32 v20, v21;
	v25 =	vperm.xlane v24, v5;
	v20 =	vsel vm3, $0x0, v28  }
0x5f: {  	s11 =	simm.s32 $0x4;
	s12 =	simm.s32 $0xA0;
	[tilespmem:s3+$0x10] =	vst v22;
	v22 =	vadd.f32 v26, v20;
	v26 =	vsel vm3, $0x0, v29;
	v20 =	vsel vm2, $0x0, v27  }
.LBB2_4:
0x60: {  	v27 =	vld [tilespmem:s12+$0x10];
	s11 =	sadd.s32 $0x4, s11;
	v25 =	vsel vm3, $0x0, v25;
	v23 =	vadd.f32 v23, v26;
	v26 =	vperm.xlane v21, v6  }
0x61: {  	v18 =	vsel vm2, $0x0, v18;
	v28 =	vld [tilespmem:s12+$0xFFFFFFF0];
	p0 =	slt.u32 s11, $0x1FC;
	v24 =	vadd.f32 v24, v25;
	v25 =	vperm.xlane v22, v6  }
0x62: {  	v19 =	vsel vm2, $0x0, v19;
	v29 =	vld [tilespmem:s12+$0x0];
	v30 =	vperm.xlane v23, v6;
	v26 =	vsel vm0, $0x0, v26  }
0x63: {  	v31 =	vld [tilespmem:s12+$0xFFFFFFE0];
	v32 =	vperm.xlane v24, v6;
	v25 =	vsel vm0, $0x0, v25;
	v21 =	vadd.f32 v21, v26  }
0x64: {  	v17 =	vadd.f32 v17, v20;
	v22 =	vadd.f32 v22, v25;
	v25 =	vsel vm0, $0x0, v30  }
0x65: {  	v20 =	vmul.f32 $1.442695020e+00, v27;
	v26 =	vsel vm0, $0x0, v32;
	v27 =	vperm.xlane v21, v7  }
0x66: {  	v23 =	vadd.f32 v23, v25;
	v28 =	vmul.f32 $1.442695020e+00, v28;
	v24 =	vadd.f32 v24, v26;
	[tilespmem:s3+$0xFFFFFFE0] =	vst v17  }
0x67: {  	v17 =	vmul.f32 $1.442695020e+00, v29;
	(erf) = vpow2.f32 v20;
	v20 =	vsel vm1, $0x0, v27  }
0x68: {  	v25 =	vmul.f32 $1.442695020e+00, v31;
	(erf) = vpow2.f32 v28;
	v20 =	vadd.f32 v21, v20  }
0x69: {  	v16 =	vadd.f32 v16, v18;
	(erf) = vpow2.f32 v17;
	v17 =	vperm.xlane v24, v7  }
0x6a: {  	v15 =	vadd.f32 v15, v19;
	(erf) = vpow2.f32 v25;
	v18 =	vperm.xlane v20, v8  }
0x6b: {  	v19 =	vperm.xlane v22, v7;
	v21 =	vperm.xlane v23, v7;
	v17 =	vsel vm1, $0x0, v17;
	[tilespmem:s3+$0xFFFFFFF0] =	vst v16  }
0x6c: {  	v17 =	vadd.f32 v24, v17;
	v16 =	vsel vm2, $0x0, v18;
	[tilespmem:s3+$0x0] =	vst v15;
	s3 =	smov.u32 s1;
	s1 =	smov.u32 s12  }
0x6d: {  	s2 =	sadd.s32 $0x40, s2;
	v15 =	vsel vm1, $0x0, v19;
	v18 =	vsel vm1, $0x0, v21;
	v19 =	vadd.f32 v20, v16  }
0x6e: {  	s23 =	sadd.s32 $0x10, s2;
	s24 =	sadd.s32 $0x20, s2;
	s25 =	sadd.s32 $0x30, s2;
	v20 =	vmov s2;
	v16 =	vadd.f32 v22, v15;
	v15 =	vadd.f32 v23, v18  }
0x6f: {  	v21 =	vmov s24;
	v23 =	vmov s23;
	v22 =	vmov s25;
	[tilespmem:s3+$0x10] =	vst v19  }
0x70: {  	vm5 =	vlt.u32 v21, v4;
	vm4 =	vlt.u32 v23, v4;
	vm6 =	vlt.u32 v22, v4;
	v18 =	vpop (erf)  }
0x71: {  	vm7 =	vlt.u32 v20, v4;
	v27 =	vperm.xlane v17, v8;
	v20 =	vnsel vm6, $0x0, v18;
	v18 =	vpop (erf)  }
.Ltmp3:
0x72: {  	v22 =	vnsel vm4, $0x0, v18;
	v21 =	vperm.xlane v20, v5;
	v19 =	vpop (erf);
	v18 =	vperm.xlane v16, v8;
	(pc) =	sbr.rel @p0 .LBB2_4-.Ltmp3, $4  }
0x73: {  	v26 =	vperm.xlane v22, v5;
	v23 =	vnsel vm5, $0x0, v19;
	v24 =	vpop (erf);
	v19 =	vperm.xlane v15, v8  }
0x74: {  	v24 =	vnsel vm7, $0x0, v24;
	v28 =	vperm.xlane v23, v5;
	v21 =	vsel vm3, $0x0, v21  }
0x75: {  	v25 =	vperm.xlane v24, v5;
	v26 =	vsel vm3, $0x0, v26;
	v21 =	vadd.f32 v20, v21  }
0x76: {  	s12 =	sadd.s32 $0x40, s12;
	v20 =	vsel vm2, $0x0, v27;
	v22 =	vadd.f32 v22, v26;
	v26 =	vsel vm3, $0x0, v28  }
0x77: {  	v25 =	vsel vm3, $0x0, v25  }
0x78: {  	v47 =	vperm.xlane v21, v6;
	v24 =	vadd.f32 v24, v25  }
0x79: {  	v23 =	vadd.f32 v23, v26;
	v27 =	vperm.xlane v22, v6  }
0x7a: {  	v25 =	vsel vm0, $0x0, v47;
	v48 =	vperm.xlane v24, v6  }
0x7b: {  	v28 =	vperm.xlane v23, v6;
	v49 =	vadd.f32 v21, v25;
	v51 =	vsel vm0, $0x0, v27  }
0x7c: {  	v18 =	vsel vm2, $0x0, v18;
	v52 =	vadd.f32 v22, v51;
	v50 =	vsel vm0, $0x0, v48  }
0x7d: {  	v53 =	vsel vm0, $0x0, v28;
	v54 =	vperm.xlane v49, v7;
	v24 =	vadd.f32 v24, v50  }
0x7e: {  	v19 =	vsel vm2, $0x0, v19;
	v23 =	vadd.f32 v23, v53;
	v56 =	vperm.xlane v52, v7  }
0x7f: {  	v17 =	vadd.f32 v17, v20;
	v26 =	vsel vm1, $0x0, v54;
	v55 =	vperm.xlane v24, v7  }
0x80: {  	v57 =	vperm.xlane v23, v7;
	v21 =	vadd.f32 v49, v26;
	v59 =	vsel vm1, $0x0, v56  }
0x81: {  	v16 =	vadd.f32 v16, v18;
	v22 =	vadd.f32 v52, v59;
	v25 =	vsel vm1, $0x0, v55  }
0x82: {  	v26 =	vsel vm1, $0x0, v57;
	v60 =	vperm.xlane v21, v8;
	v58 =	vadd.f32 v24, v25  }
0x83: {  	v15 =	vadd.f32 v15, v19;
	[tilespmem:s3+$0xFFFFFFE0] =	vst v17;
	v18 =	vadd.f32 v23, v26;
	v19 =	vperm.xlane v22, v8  }
0x84: {  	[tilespmem:s3+$0xFFFFFFF0] =	vst v16;
	v17 =	vsel vm2, $0x0, v60;
	v61 =	vperm.xlane v58, v8  }
0x85: {  	[tilespmem:s3+$0x0] =	vst v15;
	v16 =	vadd.f32 v21, v17;
	v17 =	vperm.xlane v18, v8;
	v15 =	vsel vm2, $0x0, v19  }
0x86: {  	v63 =	vor.u32 s22, v9;
	v15 =	vadd.f32 v22, v15;
	v62 =	vsel vm2, $0x0, v61  }
0x87: {  	[tilespmem:s1+$0x10] =	vst v16;
	v16 =	vsel vm2, $0x0, v17;
	v19 =	vadd.f32 v58, v62  }
0x88: {  	v16 =	vadd.f32 v18, v16;
	[tilespmem:s1+$0xFFFFFFF0] =	vst v15  }
0x89: {  	[tilespmem:s1+$0xFFFFFFE0] =	vst v19  }
0x8a: {  	[tilespmem:s1+$0x0] =	vst v16  }
0x8b: {  	v15 =	vld.idx.msk [tilespmem:v63+s5+$0x0], $0xffff;
	_ =	sdelay $0x4  }
0x8c: {  	v16 =	vperm.xlane v15, v5;
	_ =	sdelay $0x1  }
0x8d: {  	v16 =	vsel vm3, $0x0, v16  }
0x8e: {  	v16 =	vadd.f32 v16, v15;
	_ =	sdelay $0x1  }
0x8f: {  	v17 =	vperm.xlane v16, v6;
	_ =	sdelay $0x1  }
0x90: {  	v17 =	vsel vm0, $0x0, v17  }
0x91: {  	v16 =	vadd.f32 v17, v16;
	_ =	sdelay $0x1  }
0x92: {  	v17 =	vperm.xlane v16, v7;
	_ =	sdelay $0x1  }
0x93: {  	v17 =	vsel vm1, $0x0, v17  }
0x94: {  	v16 =	vadd.f32 v17, v16;
	_ =	sdelay $0x1  }
0x95: {  	v17 =	vperm.xlane v16, v8;
	_ =	sdelay $0x1  }
0x96: {  	v17 =	vsel vm2, $0x0, v17  }
0x97: {  	v16 =	vadd.f32 v17, v16  }
0x98: {  	s31 =	simm.s32 $0x100  }
0x99: {  	v15 =	vsub.f32 v16, v15;
	v18 =	vperm.xlane v16, v10;
	v16 =	vor.u32 s31, v9  }
0x9a: {  	v19 =	vimm.f32 $0.0e+00  }
0x9b: {  	s2 =	simm.s32 $0x200;
	s1 =	simm.s32 $0xC100;
	v17 =	vadd.f32 v15, v19;
	v15 =	vadd.f32 v18, v19  }
.LBB2_6:
0x9c: {  	p0 =	sne.s32 s2, $0x1F00  }
0x9d: {  	s3 =	smov.u32 s2;
	s2 =	sadd.s32 $0x100, s2;
	[tilespmem:s1+$0x0] =	vst v17;
	s1 =	sadd.s32 $0x10, s1  }
0x9e: {  	v17 =	vld.idx.msk [tilespmem:v16+s5+$0x0], $0xffff;
	_ =	sdelay $0x5  }
0x9f: {  	v16 =	vperm.xlane v17, v5;
	_ =	sdelay $0x1  }
0xa0: {  	v16 =	vsel vm3, $0x0, v16  }
0xa1: {  	v16 =	vadd.f32 v16, v17;
	_ =	sdelay $0x1  }
0xa2: {  	v18 =	vperm.xlane v16, v6;
	_ =	sdelay $0x1  }
0xa3: {  	v18 =	vsel vm0, $0x0, v18  }
0xa4: {  	v16 =	vadd.f32 v18, v16;
	_ =	sdelay $0x1  }
0xa5: {  	v18 =	vperm.xlane v16, v7;
	_ =	sdelay $0x1  }
0xa6: {  	v18 =	vsel vm1, $0x0, v18  }
0xa7: {  	v16 =	vadd.f32 v18, v16;
	_ =	sdelay $0x1  }
0xa8: {  	v18 =	vperm.xlane v16, v8;
	_ =	sdelay $0x1  }
0xa9: {  	v18 =	vsel vm2, $0x0, v18  }
.Ltmp4:
0xaa: {  	v18 =	vadd.f32 v18, v16;
	(pc) =	sbr.rel @p0 .LBB2_6-.Ltmp4, $3  }
0xab: {  	_ = 	snop  }
0xac: {  	v16 =	vor.u32 s3, v9;
	v17 =	vsub.f32 v18, v17;
	v18 =	vperm.xlane v18, v10;
	_ =	sdelay $0x1  }
0xad: {  	v17 =	vadd.f32 v17, v15;
	v15 =	vadd.f32 v18, v15  }
0xae: {  	_ =	sdelay $0x2  }
0xaf: {  	[tilespmem:s1+$0x0] =	vst v17  }
0xb0: {  	v16 =	vld.idx.msk [tilespmem:v16+s5+$0x0], $0xffff;
	_ =	sdelay $0x4  }
0xb1: {  	v17 =	vperm.xlane v16, v5;
	_ =	sdelay $0x1  }
0xb2: {  	v17 =	vsel vm3, $0x0, v17  }
0xb3: {  	v17 =	vadd.f32 v17, v16;
	_ =	sdelay $0x1  }
0xb4: {  	v18 =	vperm.xlane v17, v6;
	_ =	sdelay $0x1  }
0xb5: {  	v18 =	vsel vm0, $0x0, v18  }
0xb6: {  	v17 =	vadd.f32 v18, v17;
	_ =	sdelay $0x1  }
0xb7: {  	v18 =	vperm.xlane v17, v7;
	_ =	sdelay $0x1  }
0xb8: {  	v18 =	vsel vm1, $0x0, v18  }
0xb9: {  	v17 =	vadd.f32 v18, v17;
	_ =	sdelay $0x1  }
0xba: {  	v18 =	vperm.xlane v17, v8;
	_ =	sdelay $0x1  }
0xbb: {  	v18 =	vsel vm2, $0x0, v18  }
0xbc: {  	v17 =	vadd.f32 v18, v17;
	_ =	sdelay $0x1  }
0xbd: {  	s2 =	simm.s32 $0x2;
	v18 =	vperm.xlane v17, v10  }
0xbe: {  	v19 =	vmov s2  }
0xbf: {  	v16 =	vsub.f32 v17, v16;
	v17 =	vadd.f32 v18, v15;
	v18 =	vand.u32 $0xFFFFFFFE, v19  }
0xc0: {  	s3 =	simm.s32 $0x1;
	v18 =	vbroadcast v18, $0x0  }
0xc1: {  	v20 =	vmov s3;
	v15 =	vadd.f32 v16, v15;
	(erf) = vrcp.f32 v17  }
0xc2: {  	s26 =	simm.s32 $0x3;
	s28 =	simm.s32 $0x0;
	s29 =	sadd.s32 $0x10, s1;
	v20 =	vand.u32 $0xFFFFFFFD, v20  }
0xc3: {  	s30 =	simm.s32 $0x20;
	v19 =	vmov s26;
	v16 =	vbroadcast v20, $0x0;
	v17 =	vmov s28;
	[tilespmem:s29+$0x0] =	vst v15  }
0xc4: {  	v15 =	vand.u32 $0xFFFFFFFC, v17;
	v20 =	vld [tilespmem:s30+$0x0]  }
0xc5: {  	v21 =	vld [tilespmem:s30+$0xFFFFFFF0];
	v15 =	vbroadcast v15, $0x0  }
0xc6: {  	v18 =	vld.idx.msk [tilespmem:v18+s14+$0x0], $0xffff  }
0xc7: {  	v22 =	vld [tilespmem:s30+$0x10]  }
0xc8: {  	v19 =	vld.idx.msk [tilespmem:v19+s14+$0x0], $0xffff  }
0xc9: {  	v16 =	vld.idx.msk [tilespmem:v16+s14+$0x0], $0xffff  }
0xca: {  	s24 =	simm.s32 $0x6;
	v23 =	vpop (erf)  }
0xcb: {  	s11 =	simm.s32 $0x5;
	v27 =	vmov s24;
	v24 =	vld.idx.msk [tilespmem:v15+s14+$0x0], $0xffff;
	v15 =	vmul.f32 $8.000000000e+00, v23;
	v18 =	vadd.f32 v18, v20  }
0xcc: {  	v26 =	vmov s11;
	v27 =	vand.u32 $0xFFFFFFFE, v27;
	s29 =	simm.s32 $0x50;
	v25 =	vld [tilespmem:s30+$0xFFFFFFE0];
	vm4 =	vlt.u32 v17, v4  }
0xcd: {  	s12 =	simm.s32 $0x20;
	v63 =	vmov s29;
	v19 =	vadd.f32 v19, v22;
	v18 =	vmul.f32 v18, v15  }
0xce: {  	s31 =	simm.s32 $0x4;
	v22 =	vmov s12;
	v16 =	vadd.f32 v16, v21;
	v21 =	vand.u32 $0xFFFFFFFD, v26  }
0xcf: {  	s23 =	simm.s32 $0x30;
	vm5 =	vlt.u32 v22, v4;
	v23 =	vmov s31;
	v18 =	vadd.f32 $-4.000000000e+00, v18  }
0xd0: {  	v26 =	vmov s23;
	v21 =	vbroadcast v21, $0x0;
	v20 =	vand.u32 $0xFFFFFFFC, v23  }
0xd1: {  	v16 =	vmul.f32 v16, v15;
	v24 =	vadd.f32 v24, v25;
	v22 =	vnsel vm5, $0x40800000, v18  }
0xd2: {  	s22 =	simm.s32 $0x10;
	v20 =	vbroadcast v20, $0x0;
	v19 =	vmul.f32 v19, v15;
	v25 =	vadd.f32 $4.000000000e+00, v22  }
0xd3: {  	v16 =	vadd.f32 $-4.000000000e+00, v16;
	v18 =	vmul.f32 v24, v15;
	v24 =	vmov s22  }
0xd4: {  	s3 =	simm.s32 $0x7;
	vm6 =	vlt.u32 v24, v4;
	v24 =	vbroadcast v27, $0x0;
	v25 =	vmul.f32 $2.048000000e+03, v25  }
0xd5: {  	v23 =	vmov s3;
	v18 =	vadd.f32 $-4.000000000e+00, v18;
	v29 =	vnsel vm6, $0x40800000, v16  }
0xd6: {  	s3 =	simm.s32 $0x60;
	v19 =	vadd.f32 $-4.000000000e+00, v19;
	v17 =	vadd.f32 $4.000000000e+00, v29;
	v16 =	vmax.f32 v25, $0.0e+00  }
0xd7: {  	vm3 =	vlt.u32 v26, v4;
	v31 =	vld [tilespmem:s3+$0xFFFFFFF0];
	v25 =	vnsel vm4, $0x40800000, v18;
	v18 =	vmin.f32 v16, $1.638300000e+04  }
0xd8: {  	v32 =	vld [tilespmem:s3+$0x10];
	v17 =	vmul.f32 $2.048000000e+03, v17;
	v16 =	vnsel vm3, $0x40800000, v19;
	v18 =	vtrunc.f32 v18  }
0xd9: {  	v27 =	vld.idx.msk [tilespmem:v20+s14+$0x0], $0xffff;
	v19 =	vadd.f32 $4.000000000e+00, v25;
	v26 =	vadd.f32 $4.000000000e+00, v16;
	v20 =	vcvt.f32.s32 v18  }
0xda: {  	v34 =	vsel vm4, $0x1, v0;
	v33 =	vsel vm5, $0x1, v0;
	v24 =	vld.idx.msk [tilespmem:v24+s14+$0x0], $0xffff;
	v17 =	vmax.f32 v17, $0.0e+00  }
0xdb: {  	v18 =	vmul.f32 $2.048000000e+03, v19;
	v17 =	vmin.f32 v17, $1.638300000e+04;
	v19 =	vmul.f32 $2.048000000e+03, v26;
	v26 =	vld [tilespmem:s3+$0x0]  }
0xdc: {  	v30 =	vsel vm3, $0x1, v0;
	v21 =	vld.idx.msk [tilespmem:v21+s14+$0x0], $0xffff;
	v28 =	vsel vm6, $0x1, v0;
	v17 =	vtrunc.f32 v17  }
0xdd: {  	s25 =	simm.s32 $0x8;
	s1 =	simm.s32 $0x2020;
	v36 =	vld [tilespmem:s3+$0xFFFFFFE0];
	v18 =	vmax.f32 v18, $0.0e+00;
	v35 =	vcvt.f32.s32 v17;
	v19 =	vmax.f32 v19, $0.0e+00  }
0xde: {  	v23 =	vld.idx.msk [tilespmem:v23+s14+$0x0], $0xffff;
	[tilespmem:s1+$0x0] =	vst v22;
	v17 =	vmov s25;
	v18 =	vmin.f32 v18, $1.638300000e+04;
	v19 =	vmin.f32 v19, $1.638300000e+04  }
0xdf: {  	v17 =	vand.u32 $0xFFFFFFFC, v17;
	v18 =	vtrunc.f32 v18;
	v19 =	vtrunc.f32 v19;
	[tilespmem:v20+s15+$0x0] =	vst.idx.add.s32.msk $0xffff, v33  }
0xe0: {  	s11 =	simm.s32 $0x9;
	v62 =	vcvt.f32.s32 v18;
	v18 =	vcvt.f32.s32 v19;
	[tilespmem:v20+s16+$0x0] =	vst.idx.msk vm5, v22;
	v22 =	vadd.f32 v24, v26  }
0xe1: {  	s26 =	simm.s32 $0xB;
	[tilespmem:s1+$0xFFFFFFF0] =	vst v29;
	v19 =	vbroadcast v17, $0x0;
	v17 =	vmov s11;
	v24 =	vadd.f32 v21, v31  }
0xe2: {  	[tilespmem:s1+$0xFFFFFFE0] =	vst v25;
	v20 =	vmov s26;
	v17 =	vand.u32 $0xFFFFFFFD, v17;
	v26 =	vmul.f32 v22, v15  }
0xe3: {  	s28 =	simm.s32 $0x60;
	[tilespmem:s1+$0x10] =	vst v16;
	v31 =	vadd.f32 v23, v32;
	v21 =	vbroadcast v17, $0x0;
	v17 =	vmul.f32 v24, v15  }
0xe4: {  	s31 =	simm.s32 $0xA;
	[tilespmem:v35+s15+$0x0] =	vst.idx.add.s32.msk $0xffff, v28;
	v24 =	vadd.f32 v27, v36;
	v27 =	vmov s28;
	v26 =	vadd.f32 $-4.000000000e+00, v26  }
0xe5: {  	v28 =	vmov s31;
	[tilespmem:v35+s16+$0x0] =	vst.idx.msk vm6, v29;
	vm5 =	vlt.u32 v27, v4;
	v27 =	vmul.f32 v31, v15  }
0xe6: {  	s30 =	simm.s32 $0x70;
	s22 =	simm.s32 $0x40;
	v23 =	vadd.f32 $-4.000000000e+00, v17;
	[tilespmem:v62+s15+$0x0] =	vst.idx.add.s32.msk $0xffff, v34;
	v31 =	vmul.f32 v24, v15;
	v17 =	vnsel vm5, $0x40800000, v26  }
0xe7: {  	v22 =	vmov s22;
	[tilespmem:v62+s16+$0x0] =	vst.idx.msk vm4, v25;
	v25 =	vmov s30;
	v26 =	vadd.f32 $4.000000000e+00, v17  }
0xe8: {  	s2 =	simm.s32 $0xC;
	v24 =	vadd.f32 $-4.000000000e+00, v27;
	[tilespmem:v18+s15+$0x0] =	vst.idx.add.s32.msk $0xffff, v30;
	vm4 =	vlt.u32 v63, v4;
	v27 =	vadd.f32 $-4.000000000e+00, v31  }
.LBB2_8:
0xe9: {  	p0 =	slt.u32 s2, $0x1FC;
	v28 =	vand.u32 $0xFFFFFFFE, v28;
	v26 =	vmul.f32 $2.048000000e+03, v26;
	[tilespmem:v18+s16+$0x0] =	vst.idx.msk vm3, v16;
	vm3 =	vlt.u32 v25, v4  }
0xea: {  	vm6 =	vlt.u32 v22, v4;
	v29 =	vnsel vm4, $0x40800000, v23;
	v18 =	vbroadcast v28, $0x0  }
0xeb: {  	v25 =	vnsel vm6, $0x40800000, v27;
	v16 =	vnsel vm3, $0x40800000, v24;
	v22 =	vmax.f32 v26, $0.0e+00  }
0xec: {  	v24 =	vadd.f32 $4.000000000e+00, v29;
	v23 =	vadd.f32 $4.000000000e+00, v25;
	v22 =	vmin.f32 v22, $1.638300000e+04  }
0xed: {  	v27 =	vsel vm4, $0x1, v0;
	v26 =	vld.idx.msk [tilespmem:v20+s14+$0x0], $0xffff;
	v20 =	vtrunc.f32 v22;
	v22 =	vadd.f32 $4.000000000e+00, v16  }
0xee: {  	v30 =	vsel vm3, $0x1, v0;
	v28 =	vld.idx.msk [tilespmem:v19+s14+$0x0], $0xffff;
	v19 =	vmul.f32 $2.048000000e+03, v24;
	v20 =	vcvt.f32.s32 v20  }
0xef: {  	v23 =	vmul.f32 $2.048000000e+03, v23;
	v24 =	vsel vm6, $0x1, v0;
	v21 =	vld.idx.msk [tilespmem:v21+s14+$0x0], $0xffff;
	v22 =	vmul.f32 $2.048000000e+03, v22  }
0xf0: {  	s3 =	sadd.s32 $0x40, s3;
	v31 =	vld.idx.msk [tilespmem:v18+s14+$0x0], $0xffff;
	v18 =	vmax.f32 v19, $0.0e+00  }
0xf1: {  	v23 =	vmax.f32 v23, $0.0e+00;
	v19 =	vld [tilespmem:s3+$0x0];
	v18 =	vmin.f32 v18, $1.638300000e+04;
	v22 =	vmax.f32 v22, $0.0e+00  }
0xf2: {  	s1 =	sadd.s32 $0x40, s1;
	v23 =	vmin.f32 v23, $1.638300000e+04;
	v32 =	vld [tilespmem:s3+$0xFFFFFFF0];
	v18 =	vtrunc.f32 v18;
	v22 =	vmin.f32 v22, $1.638300000e+04  }
0xf3: {  	v34 =	vsel vm5, $0x1, v0;
	v23 =	vtrunc.f32 v23;
	v33 =	vld [tilespmem:s3+$0x10];
	[tilespmem:s1+$0x0] =	vst v17;
	v22 =	vtrunc.f32 v22  }
0xf4: {  	v35 =	vcvt.f32.s32 v23;
	v36 =	vcvt.f32.s32 v18;
	[tilespmem:v20+s15+$0x0] =	vst.idx.add.s32.msk $0xffff, v34  }
0xf5: {  	s11 =	sadd.s32 $0x3, s2;
	v23 =	vmov s2;
	v18 =	vcvt.f32.s32 v22;
	v34 =	vld [tilespmem:s3+$0xFFFFFFE0];
	[tilespmem:v20+s16+$0x0] =	vst.idx.msk vm5, v17  }
0xf6: {  	s12 =	sadd.s32 $0x1, s2;
	v17 =	vand.u32 $0xFFFFFFFC, v23;
	v20 =	vmov s11;
	v22 =	vadd.f32 v31, v19;
	[tilespmem:s1+$0xFFFFFFF0] =	vst v29  }
0xf7: {  	v19 =	vbroadcast v17, $0x0;
	v17 =	vmov s12;
	v23 =	vadd.f32 v21, v32;
	[tilespmem:s1+$0xFFFFFFE0] =	vst v25  }
0xf8: {  	s22 =	sadd.s32 $0x40, s22;
	v17 =	vand.u32 $0xFFFFFFFD, v17;
	v31 =	vmul.f32 v22, v15;
	v26 =	vadd.f32 v26, v33;
	[tilespmem:s1+$0x10] =	vst v16  }
0xf9: {  	s23 =	sadd.s32 $0x30, s22;
	s11 =	sadd.s32 $0x10, s22;
	s12 =	sadd.s32 $0x20, s22;
	v21 =	vbroadcast v17, $0x0;
	v22 =	vmov s22;
	v17 =	vmul.f32 v23, v15  }
.Ltmp5:
0xfa: {  	v32 =	vmov s12;
	v28 =	vadd.f32 v28, v34;
	v31 =	vadd.f32 $-4.000000000e+00, v31;
	[tilespmem:v36+s15+$0x0] =	vst.idx.add.s32.msk $0xffff, v27;
	(pc) =	sbr.rel @p0 .LBB2_8-.Ltmp5, $4  }
0xfb: {  	vm5 =	vlt.u32 v32, v4;
	v27 =	vmul.f32 v26, v15;
	v23 =	vadd.f32 $-4.000000000e+00, v17;
	[tilespmem:v35+s15+$0x0] =	vst.idx.add.s32.msk $0xffff, v24  }
0xfc: {  	v33 =	vmov s11;
	v32 =	vmul.f32 v28, v15;
	v17 =	vnsel vm5, $0x40800000, v31;
	[tilespmem:v35+s16+$0x0] =	vst.idx.msk vm6, v25  }
0xfd: {  	s11 =	sadd.s32 $0x2, s2;
	v25 =	vmov s23;
	v24 =	vadd.f32 $-4.000000000e+00, v27;
	v26 =	vadd.f32 $4.000000000e+00, v17;
	[tilespmem:v18+s15+$0x0] =	vst.idx.add.s32.msk $0xffff, v30  }
0xfe: {  	s2 =	sadd.s32 $0x4, s2;
	v28 =	vmov s11;
	v27 =	vadd.f32 $-4.000000000e+00, v32;
	[tilespmem:v36+s16+$0x0] =	vst.idx.msk vm4, v29;
	vm4 =	vlt.u32 v33, v4  }
0xff: {  	_ =	sdelay $0x2  }
0x100: {  	v28 =	vand.u32 $0xFFFFFFFE, v28  }
0x101: {  	v21 =	vld.idx.msk [tilespmem:v21+s14+$0x0], $0xffff;
	v28 =	vbroadcast v28, $0x0  }
0x102: {  	v20 =	vld.idx.msk [tilespmem:v20+s14+$0x0], $0xffff  }
0x103: {  	s2 =	sadd.s32 $0x40, s3;
	v19 =	vld.idx.msk [tilespmem:v19+s14+$0x0], $0xffff  }
0x104: {  	v26 =	vmul.f32 $2.048000000e+03, v26;
	v29 =	vld [tilespmem:s2+$0x0]  }
0x105: {  	vm6 =	vlt.u32 v25, v4;
	vm7 =	vlt.u32 v22, v4;
	v22 =	vnsel vm4, $0x40800000, v23;
	v31 =	vld [tilespmem:s2+$0xFFFFFFF0]  }
0x106: {  	v23 =	vnsel vm7, $0x40800000, v27;
	v24 =	vnsel vm6, $0x40800000, v24;
	v34 =	vld [tilespmem:s2+$0x10];
	v25 =	vmax.f32 v26, $0.0e+00  }
0x107: {  	s29 =	sadd.s32 $0x40, s22;
	v27 =	vadd.f32 $4.000000000e+00, v23;
	v30 =	vadd.f32 $4.000000000e+00, v24;
	v25 =	vmin.f32 v25, $1.638300000e+04;
	v26 =	vld.idx.msk [tilespmem:v28+s14+$0x0], $0xffff  }
0x108: {  	v62 =	vsel vm5, $0x1, v0;
	v59 =	vadd.f32 $4.000000000e+00, v22;
	v61 =	vld [tilespmem:s2+$0xFFFFFFE0];
	s30 =	sadd.s32 $0x20, s29;
	v25 =	vtrunc.f32 v25  }
0x109: {  	v63 =	vmov s30;
	v27 =	vmul.f32 $2.048000000e+03, v27;
	v30 =	vmul.f32 $2.048000000e+03, v30  }
0x10a: {  	v33 =	vsel vm7, $0x1, v0;
	vm8 =	vlt.u32 v63, v4;
	v25 =	vcvt.f32.s32 v25  }
0x10b: {  	v27 =	vmax.f32 v27, $0.0e+00;
	v30 =	vmax.f32 v30, $0.0e+00;
	v21 =	vadd.f32 v21, v31  }
0x10c: {  	v20 =	vadd.f32 v20, v34;
	v27 =	vmin.f32 v27, $1.638300000e+04;
	v26 =	vadd.f32 v26, v29  }
0x10d: {  	[tilespmem:v18+s16+$0x0] =	vst.idx.msk vm3, v16;
	v18 =	vadd.f32 v19, v61;
	v28 =	vmul.f32 $2.048000000e+03, v59;
	v27 =	vtrunc.f32 v27  }
0x10e: {  	v60 =	vmin.f32 v30, $1.638300000e+04;
	v16 =	vmul.f32 v21, v15;
	v26 =	vmul.f32 v26, v15  }
0x10f: {  	v21 =	vmov s29;
	v20 =	vmul.f32 v20, v15;
	v28 =	vmax.f32 v28, $0.0e+00  }
0x110: {  	s1 =	sadd.s32 $0x40, s1;
	v27 =	vcvt.f32.s32 v27;
	vm9 =	vlt.u32 v21, v4;
	v26 =	vadd.f32 $-4.000000000e+00, v26  }
0x111: {  	[tilespmem:s1+$0x0] =	vst v17;
	v28 =	vmin.f32 v28, $1.638300000e+04;
	v16 =	vadd.f32 $-4.000000000e+00, v16;
	v20 =	vadd.f32 $-4.000000000e+00, v20  }
0x112: {  	s31 =	sadd.s32 $0x10, s29;
	[tilespmem:s1+$0xFFFFFFF0] =	vst v22;
	v28 =	vtrunc.f32 v28;
	v15 =	vmul.f32 v18, v15;
	v19 =	vnsel vm8, $0x40800000, v26  }
0x113: {  	[tilespmem:v25+s15+$0x0] =	vst.idx.add.s32.msk $0xffff, v62;
	v29 =	vtrunc.f32 v60;
	v18 =	vmov s31;
	v26 =	vadd.f32 $4.000000000e+00, v19  }
0x114: {  	s2 =	sadd.s32 $0x30, s29;
	v28 =	vcvt.f32.s32 v28;
	[tilespmem:v25+s16+$0x0] =	vst.idx.msk vm5, v17;
	vm5 =	vlt.u32 v18, v4;
	v15 =	vadd.f32 $-4.000000000e+00, v15  }
0x115: {  	[tilespmem:s1+$0xFFFFFFE0] =	vst v23;
	v17 =	vmov s2;
	v16 =	vnsel vm5, $0x40800000, v16;
	v25 =	vmul.f32 $2.048000000e+03, v26  }
0x116: {  	[tilespmem:s1+$0x10] =	vst v24;
	vm3 =	vlt.u32 v17, v4;
	v18 =	vadd.f32 $4.000000000e+00, v16;
	v15 =	vnsel vm9, $0x40800000, v15  }
0x117: {  	s1 =	sadd.s32 $0x40, s1;
	v20 =	vnsel vm3, $0x40800000, v20;
	[tilespmem:v27+s15+$0x0] =	vst.idx.add.s32.msk $0xffff, v33;
	v21 =	vadd.f32 $4.000000000e+00, v15;
	v17 =	vmax.f32 v25, $0.0e+00  }
0x118: {  	v29 =	vcvt.f32.s32 v29;
	[tilespmem:s1+$0x10] =	vst v20;
	v18 =	vmul.f32 $2.048000000e+03, v18;
	v17 =	vmin.f32 v17, $1.638300000e+04  }
0x119: {  	v32 =	vsel vm4, $0x1, v0;
	[tilespmem:v27+s16+$0x0] =	vst.idx.msk vm7, v23;
	v21 =	vmul.f32 $2.048000000e+03, v21;
	v17 =	vtrunc.f32 v17  }
0x11a: {  	v23 =	vadd.f32 $4.000000000e+00, v20;
	[tilespmem:s1+$0xFFFFFFF0] =	vst v16;
	v18 =	vmax.f32 v18, $0.0e+00;
	v17 =	vcvt.f32.s32 v17  }
0x11b: {  	[tilespmem:v28+s15+$0x0] =	vst.idx.add.s32.msk $0xffff, v32;
	v18 =	vmin.f32 v18, $1.638300000e+04;
	v21 =	vmax.f32 v21, $0.0e+00  }
0x11c: {  	v23 =	vmul.f32 $2.048000000e+03, v23;
	[tilespmem:v28+s16+$0x0] =	vst.idx.msk vm4, v22;
	v18 =	vtrunc.f32 v18;
	v21 =	vmin.f32 v21, $1.638300000e+04  }
0x11d: {  	v22 =	vsel vm6, $0x1, v0;
	[tilespmem:s1+$0x0] =	vst v19;
	v18 =	vcvt.f32.s32 v18;
	v21 =	vtrunc.f32 v21  }
0x11e: {  	[tilespmem:v29+s15+$0x0] =	vst.idx.add.s32.msk $0xffff, v22;
	v22 =	vmax.f32 v23, $0.0e+00;
	v21 =	vcvt.f32.s32 v21  }
0x11f: {  	[tilespmem:s1+$0xFFFFFFE0] =	vst v15;
	v23 =	vsel vm8, $0x1, v0;
	v22 =	vmin.f32 v22, $1.638300000e+04  }
0x120: {  	v22 =	vtrunc.f32 v22;
	[tilespmem:v17+s15+$0x0] =	vst.idx.add.s32.msk $0xffff, v23  }
0x121: {  	[tilespmem:v17+s16+$0x0] =	vst.idx.msk vm8, v19;
	v17 =	vcvt.f32.s32 v22  }
0x122: {  	[tilespmem:v29+s16+$0x0] =	vst.idx.msk vm6, v24;
	v19 =	vsel vm5, $0x1, v0  }
0x123: {  	v22 =	vsel vm9, $0x1, v0;
	[tilespmem:v18+s15+$0x0] =	vst.idx.add.s32.msk $0xffff, v19  }
0x124: {  	[tilespmem:v21+s15+$0x0] =	vst.idx.add.s32.msk $0xffff, v22  }
0x125: {  	[tilespmem:v21+s16+$0x0] =	vst.idx.msk vm9, v15  }
0x126: {  	v19 =	vsel vm3, $0x1, v0;
	[tilespmem:v18+s16+$0x0] =	vst.idx.msk vm5, v16  }
0x127: {  	[tilespmem:v17+s15+$0x0] =	vst.idx.add.s32.msk $0xffff, v19  }
0x128: {  	s1 =	simm.s32 $0x4020;
	[tilespmem:v17+s16+$0x0] =	vst.idx.msk vm3, v20  }
0x129: {  	v16 =	vld [tilespmem:s1+$0xFFFFFFE0];
	_ =	sdelay $0x1  }
0x12a: {  	v20 =	vld [tilespmem:s1+$0xFFFFFFF0]  }
0x12b: {  	v18 =	vld [tilespmem:s1+$0x0]  }
0x12c: {  	p1 =	por $0x1, $0x1;
	v15 =	vimm.s32 $0x0  }
.Ltmp6:
0x12d: {  	vm3 =	vgt.s32 v15, v16;
	(pc) =	sbr.rel @!p1 .LBB2_10-.Ltmp6, $4  }
0x12e: {  	v17 =	vperm.xlane v16, v5;
	v19 =	vsel vm3, v15, v16  }
0x12f: {  	v21 =	vperm.xlane v20, v5;
	vm3 =	veq.s32 v2, $0x0;
	vm4 =	vgt.s32 v19, v20  }
0x130: {  	v24 =	vperm.xlane v18, v5;
	v17 =	vsel vm3, $0x0, v17;
	v19 =	vsel vm4, v19, v20  }
0x131: {  	p0 =	por $0x0, $0x0;
	v23 =	vsel vm3, $0x0, v21;
	v22 =	vadd.s32 v16, v17;
	v17 =	vld [tilespmem:s1+$0x10];
	vm4 =	vgt.s32 v19, v18  }
0x132: {  	_ =	sdelay $0x1  }
0x133: {  	v16 =	vperm.xlane v22, v6  }
0x134: {  	v20 =	vadd.s32 v20, v23;
	v21 =	vsel vm3, $0x0, v24;
	v19 =	vsel vm4, v19, v18  }
0x135: {  	v24 =	vperm.xlane v20, v6;
	v18 =	vadd.s32 v18, v21;
	v23 =	vperm.xlane v17, v5  }
0x136: {  	v16 =	vsel vm0, $0x0, v16;
	v21 =	vperm.xlane v18, v6  }
0x137: {  	v16 =	vadd.s32 v16, v22;
	v22 =	vsel vm0, $0x0, v24;
	v23 =	vsel vm3, $0x0, v23  }
0x138: {  	v20 =	vadd.s32 v22, v20;
	v21 =	vsel vm0, $0x0, v21;
	v23 =	vadd.s32 v17, v23  }
0x139: {  	v24 =	vperm.xlane v16, v7;
	v18 =	vadd.s32 v21, v18;
	v22 =	vperm.xlane v23, v6  }
0x13a: {  	vm4 =	vgt.s32 v19, v17;
	v21 =	vperm.xlane v18, v7  }
0x13b: {  	s3 =	simm.s32 $0x4060;
	v25 =	vperm.xlane v20, v7;
	v24 =	vsel vm1, $0x0, v24;
	v22 =	vsel vm0, $0x0, v22  }
0x13c: {  	v24 =	vadd.s32 v24, v16;
	v16 =	vsel vm1, $0x0, v21;
	v22 =	vadd.s32 v22, v23;
	v23 =	vld [tilespmem:s3+$0xFFFFFFE0]  }
0x13d: {  	v25 =	vsel vm1, $0x0, v25;
	v26 =	vperm.xlane v24, v8;
	v27 =	vadd.s32 v16, v18  }
0x13e: {  	v25 =	vadd.s32 v25, v20;
	v20 =	vld [tilespmem:s3+$0xFFFFFFF0];
	v29 =	vperm.xlane v27, v8;
	v21 =	vperm.xlane v22, v7  }
0x13f: {  	v17 =	vsel vm4, v19, v17;
	v28 =	vperm.xlane v25, v8;
	v19 =	vsel vm2, $0x0, v26  }
0x140: {  	v19 =	vadd.s32 v19, v24;
	v26 =	vsel vm2, $0x0, v29;
	v16 =	vsel vm1, $0x0, v21  }
0x141: {  	v16 =	vadd.s32 v16, v22;
	vm4 =	vgt.s32 v17, v23;
	v63 =	vperm.xlane v23, v5  }
0x142: {  	p1 =	por $0x1, $0x1;
	v18 =	vld [tilespmem:s3+$0x0];
	v21 =	vsel vm2, $0x0, v28;
	v22 =	vperm.xlane v16, v8;
	v17 =	vsel vm4, v17, v23  }
.Ltmp7:
0x143: {  	[tilespmem:s1+$0xFFFFFFE0] =	vst v19;
	v24 =	vadd.s32 v21, v25;
	v19 =	vsel vm3, $0x0, v63;
	vm4 =	vgt.s32 v17, v20;
	(pc) =	sbr.rel @!p1 .LBB2_12-.Ltmp7, $4  }
0x144: {  	v21 =	vsel vm2, $0x0, v22;
	v22 =	vadd.s32 v23, v19;
	v19 =	vsel vm4, v17, v20;
	v17 =	vld [tilespmem:s3+$0x10]  }
0x145: {  	v26 =	vadd.s32 v26, v27;
	v25 =	vperm.xlane v20, v5  }
0x146: {  	vm5 =	veq.s32 v2, $0x0;
	[tilespmem:s1+$0x0] =	vst v26  }
0x147: {  	s2 =	simm.s32 $0x4;
	p0 =	por $0x1, $0x1;
	[tilespmem:s1+$0xFFFFFFF0] =	vst v24;
	v24 =	vperm.xlane v18, v5;
	v23 =	vsel vm3, $0x0, v25;
	vm4 =	vgt.s32 v19, v18  }
.LBB2_13:
0x148: {  	s2 =	sadd.s32 $0x4, s2;
	v25 =	vperm.xlane v22, v6;
	v20 =	vadd.s32 v20, v23;
	v19 =	vsel vm4, v19, v18  }
0x149: {  	p1 =	slt.u32 s2, $0x3FC;
	v23 =	vsel vm5, $0x0, v24;
	vm4 =	vgt.s32 v19, v17;
	v24 =	vperm.xlane v17, v5  }
0x14a: {  	v26 =	vperm.xlane v20, v6;
	v18 =	vadd.s32 v18, v23;
	v19 =	vsel vm4, v19, v17  }
0x14b: {  	v23 =	vsel vm0, $0x0, v25;
	v25 =	vperm.xlane v18, v6;
	v24 =	vsel vm5, $0x0, v24  }
0x14c: {  	v22 =	vadd.s32 v23, v22;
	v23 =	vsel vm0, $0x0, v26;
	v17 =	vadd.s32 v17, v24  }
0x14d: {  	v20 =	vadd.s32 v23, v20;
	v23 =	vsel vm0, $0x0, v25;
	v24 =	vperm.xlane v17, v6  }
0x14e: {  	v25 =	vperm.xlane v22, v7;
	v26 =	vperm.xlane v20, v7;
	v18 =	vadd.s32 v23, v18  }
0x14f: {  	v16 =	vadd.s32 v21, v16;
	v23 =	vperm.xlane v18, v7;
	v24 =	vsel vm0, $0x0, v24  }
0x150: {  	v21 =	vsel vm1, $0x0, v25;
	v25 =	vsel vm1, $0x0, v26;
	v17 =	vadd.s32 v24, v17;
	[tilespmem:s1+$0x10] =	vst v16;
	s1 =	smov.u32 s3;
	s3 =	sadd.s32 $0x40, s3  }
0x151: {  	v21 =	vadd.s32 v21, v22;
	v24 =	vld [tilespmem:s3+$0xFFFFFFE0];
	v16 =	vsel vm1, $0x0, v23;
	v22 =	vperm.xlane v17, v7  }
0x152: {  	v25 =	vadd.s32 v25, v20;
	v23 =	vperm.xlane v21, v8;
	v26 =	vadd.s32 v16, v18  }
0x153: {  	v27 =	vperm.xlane v25, v8;
	v20 =	vld [tilespmem:s3+$0xFFFFFFF0];
	v28 =	vperm.xlane v26, v8;
	v16 =	vsel vm1, $0x0, v22  }
0x154: {  	vm5 =	veq.s32 v2, $0x0;
	v22 =	vsel vm2, $0x0, v23;
	v16 =	vadd.s32 v16, v17  }
0x155: {  	v23 =	vsel vm2, $0x0, v27;
	v18 =	vld [tilespmem:s3+$0x0];
	v27 =	vsel vm2, $0x0, v28;
	v28 =	vperm.xlane v16, v8  }
.Ltmp8:
0x156: {  	v21 =	vadd.s32 v22, v21;
	vm4 =	vgt.s32 v19, v24;
	v29 =	vperm.xlane v24, v5;
	(pc) =	sbr.rel @p1 .LBB2_13-.Ltmp8, $4  }
0x157: {  	v22 =	vadd.s32 v23, v25;
	v19 =	vsel vm4, v19, v24;
	v17 =	vld [tilespmem:s3+$0x10];
	[tilespmem:s1+$0xFFFFFFE0] =	vst v21;
	v21 =	vsel vm2, $0x0, v28  }
0x158: {  	v23 =	vsel vm5, $0x0, v29;
	vm4 =	vgt.s32 v19, v20;
	v25 =	vperm.xlane v20, v5;
	[tilespmem:s1+$0xFFFFFFF0] =	vst v22  }
0x159: {  	v26 =	vadd.s32 v27, v26;
	v22 =	vadd.s32 v24, v23;
	v19 =	vsel vm4, v19, v20  }
0x15a: {  	v23 =	vsel vm5, $0x0, v25;
	vm4 =	vgt.s32 v19, v18;
	v24 =	vperm.xlane v18, v5;
	[tilespmem:s1+$0x0] =	vst v26  }
.LBB2_14:
0x15b: {  	_ = 	snop  }
0x15c: {  	v25 =	vperm.xlane v22, v6;
	v51 =	vperm.xlane v17, v5  }
0x15d: {  	v20 =	vadd.s32 v20, v23;
	v16 =	vadd.s32 @p0 v21, v16;
	v23 =	vsel vm5, $0x0, v24  }
0x15e: {  	v26 =	vperm.xlane v20, v6;
	v23 =	vadd.s32 v18, v23;
	v24 =	vsel vm5, $0x0, v51  }
0x15f: {  	v25 =	vsel vm0, $0x0, v25;
	v27 =	vperm.xlane v23, v6;
	v24 =	vadd.s32 v17, v24  }
0x160: {  	v22 =	vadd.s32 v25, v22;
	v52 =	vsel vm0, $0x0, v26;
	v54 =	vperm.xlane v24, v6  }
0x161: {  	v20 =	vadd.s32 v52, v20;
	v55 =	vperm.xlane v22, v7;
	v53 =	vsel vm0, $0x0, v27  }
0x162: {  	v21 =	vperm.xlane v20, v7;
	v23 =	vadd.s32 v53, v23;
	v56 =	vsel vm0, $0x0, v54  }
0x163: {  	v25 =	vsel vm1, $0x0, v55;
	v57 =	vperm.xlane v23, v7;
	v24 =	vadd.s32 v56, v24  }
0x164: {  	v21 =	vsel vm1, $0x0, v21;
	v22 =	vadd.s32 v25, v22;
	v58 =	vperm.xlane v24, v7  }
0x165: {  	v20 =	vadd.s32 v21, v20;
	v21 =	vperm.xlane v22, v8;
	v26 =	vsel vm1, $0x0, v57  }
0x166: {  	v59 =	vperm.xlane v20, v8;
	v23 =	vadd.s32 v26, v23;
	v25 =	vsel vm1, $0x0, v58  }
0x167: {  	v21 =	vsel vm2, $0x0, v21;
	v60 =	vperm.xlane v23, v8;
	v24 =	vadd.s32 v25, v24  }
0x168: {  	[tilespmem:s1+$0x10] =	vst @p0 v16;
	v16 =	vsel vm2, $0x0, v59;
	v21 =	vadd.s32 v21, v22;
	v61 =	vperm.xlane v24, v8  }
0x169: {  	[tilespmem:s3+$0xFFFFFFE0] =	vst v21;
	v16 =	vadd.s32 v16, v20;
	v22 =	vsel vm2, $0x0, v60  }
0x16a: {  	[tilespmem:s3+$0xFFFFFFF0] =	vst v16;
	v16 =	vadd.s32 v22, v23;
	v20 =	vsel vm2, $0x0, v61  }
0x16b: {  	[tilespmem:s3+$0x0] =	vst v16;
	v16 =	vadd.s32 v20, v24  }
0x16c: {  	[tilespmem:s3+$0x10] =	vst v16  }
0x16d: {  	v16 =	vld [tilespmem:$0x8000];
	_ =	sdelay $0x4  }
0x16e: {  	v20 =	vperm.xlane v16, v5;
	_ =	sdelay $0x1  }
0x16f: {  	v20 =	vsel vm5, $0x0, v20  }
0x170: {  	v20 =	vadd.s32 v16, v20  }
0x171: {  	v21 =	vperm.xlane v20, v6;
	_ =	sdelay $0x1  }
0x172: {  	v21 =	vsel vm0, $0x0, v21  }
0x173: {  	v20 =	vadd.s32 v21, v20  }
0x174: {  	v21 =	vperm.xlane v20, v7  }
0x175: {  	s1 =	simm.s32 $0x0  }
0x176: {  	v22 =	vor.u32 s1, v9;
	v21 =	vsel vm1, $0x0, v21  }
0x177: {  	vm12 =	vlt.s32 v22, $0x400F;
	v20 =	vadd.s32 v21, v20  }
0x178: {  	v22 =	vnsel vm12, $0x400F, v22;
	v21 =	vperm.xlane v20, v8;
	_ =	sdelay $0x1  }
0x179: {  	v21 =	vsel vm2, $0x0, v21  }
0x17a: {  	v20 =	vadd.s32 v21, v20  }
0x17b: {  	[tilespmem:$0x8000] =	vst v20  }
0x17c: {  	v21 =	vld.idx.msk [tilespmem:v22+s15+$0x0], $0xffff;
	_ =	sdelay $0x2  }
0x17d: {  	v20 =	vadd.s32 $0x401, v3;
	v22 =	vmov s1  }
0x17e: {  	vm13 =	vlt.u32 v22, v20  }
0x17f: {  	v21 =	vnsel vm13, $0x0, v21  }
0x180: {  	v22 =	vperm.xlane v21, v5;
	_ =	sdelay $0x1  }
0x181: {  	v22 =	vsel vm3, $0x0, v22  }
0x182: {  	v22 =	vadd.s32 v21, v22  }
0x183: {  	v23 =	vperm.xlane v22, v6;
	_ =	sdelay $0x1  }
0x184: {  	v23 =	vsel vm0, $0x0, v23  }
0x185: {  	v22 =	vadd.s32 v23, v22  }
0x186: {  	v23 =	vperm.xlane v22, v7;
	_ =	sdelay $0x1  }
0x187: {  	s2 =	simm.s32 $0x100;
	v23 =	vsel vm1, $0x0, v23  }
0x188: {  	v62 =	vor.u32 s2, v9;
	v22 =	vadd.s32 v23, v22  }
0x189: {  	vm14 =	vlt.s32 v62, $0x400F;
	v23 =	vperm.xlane v22, v8  }
0x18a: {  	v24 =	vnsel vm14, $0x400F, v62  }
0x18b: {  	v23 =	vsel vm2, $0x0, v23  }
0x18c: {  	v21 =	vsub.s32 v15, v21;
	v22 =	vadd.s32 v23, v22  }
0x18d: {  	s2 =	simm.s32 $0xC300;
	v21 =	vadd.s32 v22, v21  }
0x18e: {  	[tilespmem:s2+$0x0] =	vst v21  }
0x18f: {  	v21 =	vld.idx.msk [tilespmem:v24+s15+$0x0], $0xffff;
	_ =	sdelay $0x1  }
0x190: {  	s3 =	simm.s32 $0x10  }
0x191: {  	v23 =	vmov s3  }
0x192: {  	vm15 =	vlt.u32 v23, v20  }
0x193: {  	v21 =	vnsel vm15, $0x0, v21  }
0x194: {  	v23 =	vperm.xlane v21, v5;
	_ =	sdelay $0x1  }
0x195: {  	v23 =	vsel vm3, $0x0, v23  }
0x196: {  	v23 =	vadd.s32 v21, v23  }
0x197: {  	v63 =	vperm.xlane v23, v6;
	_ =	sdelay $0x1  }
0x198: {  	v24 =	vsel vm0, $0x0, v63  }
0x199: {  	v23 =	vadd.s32 v24, v23  }
0x19a: {  	v18 =	vsel vm4, v19, v18;
	v19 =	vperm.xlane v22, v10;
	v22 =	vperm.xlane v23, v7  }
0x19b: {  	vm3 =	vgt.s32 v18, v17  }
0x19c: {  	s11 =	simm.s32 $0x200;
	v15 =	vadd.s32 v15, v19;
	v17 =	vsel vm3, v18, v17;
	v19 =	vsel vm1, $0x0, v22  }
0x19d: {  	v18 =	vsub.s32 v15, v21;
	v21 =	vor.u32 s11, v9;
	s11 =	simm.s32 $0x300;
	v19 =	vadd.s32 v19, v23  }
.LBB2_15:
0x19e: {  	p0 =	sne.s32 s11, $0x4000;
	vm3 =	vlt.s32 v21, $0x400F;
	v22 =	vperm.xlane v19, v8  }
0x19f: {  	v21 =	vnsel vm3, $0x400F, v21  }
0x1a0: {  	v22 =	vsel vm2, $0x0, v22  }
0x1a1: {  	v19 =	vadd.s32 v22, v19  }
0x1a2: {  	s2 =	sadd.s32 $0x10, s2;
	v18 =	vadd.s32 v19, v18;
	v19 =	vperm.xlane v19, v10  }
0x1a3: {  	[tilespmem:s2+$0x0] =	vst v18  }
0x1a4: {  	v18 =	vld.idx.msk [tilespmem:v21+s15+$0x0], $0xffff;
	v15 =	vadd.s32 v15, v19;
	_ =	sdelay $0x2  }
0x1a5: {  	s3 =	sadd.s32 $0x10, s3  }
0x1a6: {  	v19 =	vmov s3  }
0x1a7: {  	vm3 =	vlt.u32 v19, v20  }
0x1a8: {  	v19 =	vnsel vm3, $0x0, v18  }
0x1a9: {  	v21 =	vperm.xlane v19, v5;
	v18 =	vsub.s32 v15, v19  }
0x1aa: {  	vm3 =	veq.s32 v2, $0x0  }
0x1ab: {  	v21 =	vsel vm3, $0x0, v21  }
0x1ac: {  	v19 =	vadd.s32 v19, v21  }
0x1ad: {  	v21 =	vperm.xlane v19, v6;
	_ =	sdelay $0x1  }
0x1ae: {  	v21 =	vsel vm0, $0x0, v21  }
.Ltmp9:
0x1af: {  	v19 =	vadd.s32 v21, v19;
	(pc) =	sbr.rel @p0 .LBB2_15-.Ltmp9, $3  }
0x1b0: {  	v21 =	vperm.xlane v19, v7;
	_ =	sdelay $0x1  }
0x1b1: {  	v22 =	vsel vm1, $0x0, v21  }
0x1b2: {  	v21 =	vor.u32 s11, v9;
	s11 =	sadd.s32 $0x100, s11;
	v19 =	vadd.s32 v22, v19  }
0x1b3: {  	vm4 =	vlt.s32 v21, $0x400F;
	v22 =	vperm.xlane v19, v8  }
0x1b4: {  	v21 =	vnsel vm4, $0x400F, v21  }
0x1b5: {  	v22 =	vsel vm2, $0x0, v22  }
0x1b6: {  	v19 =	vadd.s32 v22, v19  }
0x1b7: {  	s2 =	sadd.s32 $0x10, s2;
	v18 =	vadd.s32 v19, v18  }
0x1b8: {  	[tilespmem:s2+$0x0] =	vst v18  }
0x1b9: {  	v18 =	vld.idx.msk [tilespmem:v21+s15+$0x0], $0xffff;
	_ =	sdelay $0x1  }
0x1ba: {  	s3 =	sadd.s32 $0x10, s3  }
0x1bb: {  	v21 =	vmov s3  }
0x1bc: {  	vm4 =	vlt.u32 v21, v20  }
0x1bd: {  	v18 =	vnsel vm4, $0x0, v18  }
0x1be: {  	v20 =	vperm.xlane v18, v5;
	_ =	sdelay $0x1  }
0x1bf: {  	v20 =	vsel vm3, $0x0, v20  }
0x1c0: {  	v20 =	vadd.s32 v18, v20  }
0x1c1: {  	v21 =	vperm.xlane v20, v6;
	_ =	sdelay $0x1  }
0x1c2: {  	v21 =	vsel vm0, $0x0, v21  }
0x1c3: {  	v20 =	vadd.s32 v21, v20  }
0x1c4: {  	v21 =	vperm.xlane v20, v7  }
0x1c5: {  	s24 =	simm.s32 $0x1  }
0x1c6: {  	v22 =	vmov s24;
	v21 =	vsel vm1, $0x0, v21  }
0x1c7: {  	v19 =	vperm.xlane v19, v10;
	v20 =	vadd.s32 v21, v20;
	v21 =	vand.u32 $0xFFFFFFFD, v22  }
0x1c8: {  	v22 =	vperm.xlane v20, v8;
	v21 =	vbroadcast v21, $0x0  }
0x1c9: {  	s25 =	simm.s32 $0x2  }
0x1ca: {  	v23 =	vmov s25;
	v15 =	vadd.s32 v15, v19;
	v19 =	vsel vm2, $0x0, v22  }
0x1cb: {  	v15 =	vsub.s32 v15, v18;
	v22 =	vand.u32 $0xFFFFFFFE, v23;
	v18 =	vadd.s32 v19, v20  }
0x1cc: {  	s2 =	sadd.s32 $0x10, s2;
	v19 =	vbroadcast v22, $0x0;
	v15 =	vadd.s32 v18, v15  }
0x1cd: {  	s26 =	simm.s32 $0x5;
	[tilespmem:s2+$0x0] =	vst v15;
	v15 =	vmov s1  }
0x1ce: {  	s28 =	simm.s32 $0x3;
	v18 =	vmov s26;
	s1 =	simm.s32 $0x4020;
	v15 =	vand.u32 $0xFFFFFFFC, v15;
	v28 =	vld.idx.msk [tilespmem:v21+s17+$0x0], $0xffff  }
0x1cf: {  	v20 =	vmov s28;
	v18 =	vand.u32 $0xFFFFFFFD, v18;
	v22 =	vld [tilespmem:s1+$0x0];
	v15 =	vbroadcast v15, $0x0  }
0x1d0: {  	s29 =	simm.s32 $0x6;
	v24 =	vbroadcast v18, $0x0;
	v25 =	vld [tilespmem:s1+$0xFFFFFFF0]  }
0x1d1: {  	v18 =	vmov s29;
	v26 =	vld [tilespmem:s1+$0x10]  }
0x1d2: {  	s30 =	simm.s32 $0x4;
	v18 =	vand.u32 $0xFFFFFFFE, v18;
	v19 =	vld.idx.msk [tilespmem:v19+s17+$0x0], $0xffff  }
0x1d3: {  	v29 =	vmov s30;
	v27 =	vld [tilespmem:s1+$0xFFFFFFE0];
	v23 =	vbroadcast v18, $0x0  }
0x1d4: {  	s31 =	simm.s32 $0x7;
	s11 =	simm.s32 $0x9;
	v29 =	vand.u32 $0xFFFFFFFC, v29;
	v18 =	vld.idx.msk [tilespmem:v20+s17+$0x0], $0xffff;
	v30 =	vperm.xlane v22, v5  }
0x1d5: {  	v21 =	vmov s31;
	v22 =	vmov s11;
	v25 =	vperm.xlane v25, v5;
	v20 =	vld.idx.msk [tilespmem:v15+s17+$0x0], $0xffff  }
0x1d6: {  	s2 =	simm.s32 $0x4060;
	v31 =	vand.u32 $0xFFFFFFFD, v22;
	v22 =	vbroadcast v29, $0x0;
	v15 =	vld.idx.msk [tilespmem:v24+s17+$0x0], $0xffff;
	v29 =	vsel vm3, $0x0, v30  }
0x1d7: {  	v26 =	vperm.xlane v26, v5;
	v24 =	vld [tilespmem:s2+$0x0];
	v30 =	vsel vm3, $0x0, v25;
	v29 =	vadd.s32 v19, v29  }
0x1d8: {  	s12 =	simm.s32 $0xA;
	s3 =	simm.s32 $0x8;
	s11 =	simm.s32 $0xC;
	v27 =	vperm.xlane v27, v5;
	v25 =	vld [tilespmem:s2+$0xFFFFFFF0];
	v19 =	vbroadcast v31, $0x0;
	v28 =	vadd.s32 v28, v30;
	[tilespmem:s1+$0x0] =	vst v29  }
.LBB2_17:
0x1d9: {  	p0 =	slt.u32 s11, $0x3FC;
	v29 =	vmov s12;
	v30 =	vld.idx.msk [tilespmem:v23+s17+$0x0], $0xffff;
	[tilespmem:s1+$0xFFFFFFF0] =	vst v28;
	v23 =	vsel vm3, $0x0, v26  }
0x1da: {  	v26 =	vand.u32 $0xFFFFFFFE, v29;
	v28 =	vld [tilespmem:s2+$0x10];
	v27 =	vsel vm3, $0x0, v27;
	v18 =	vadd.s32 v18, v23  }
0x1db: {  	s12 =	sadd.s32 $0x3, s3;
	v23 =	vbroadcast v26, $0x0;
	v29 =	vld [tilespmem:s2+$0xFFFFFFE0];
	v20 =	vadd.s32 v20, v27;
	[tilespmem:s1+$0x10] =	vst v18  }
.Ltmp10:
0x1dc: {  	s22 =	sadd.s32 $0x1, s11;
	v26 =	vmov s3;
	v31 =	vmovc v15;
	v24 =	vperm.xlane v24, v5;
	v18 =	vld.idx.msk [tilespmem:v21+s17+$0x0], $0xffff;
	v21 =	vmov s12;
	[tilespmem:s1+$0xFFFFFFE0] =	vst v20;
	s1 =	smov.u32 s2;
	(pc) =	sbr.rel @p0 .LBB2_17-.Ltmp10, $4  }
0x1dd: {  	v15 =	vmov s22;
	s3 =	smov.u32 s11;
	v26 =	vand.u32 $0xFFFFFFFC, v26;
	v20 =	vld.idx.msk [tilespmem:v22+s17+$0x0], $0xffff;
	v25 =	vperm.xlane v25, v5  }
0x1de: {  	v27 =	vand.u32 $0xFFFFFFFD, v15;
	s2 =	sadd.s32 $0x40, s2;
	v22 =	vbroadcast v26, $0x0;
	v15 =	vld.idx.msk [tilespmem:v19+s17+$0x0], $0xffff;
	v19 =	vsel vm3, $0x0, v24  }
0x1df: {  	v24 =	vld [tilespmem:s2+$0x0];
	v32 =	vsel vm3, $0x0, v25;
	v30 =	vadd.s32 v30, v19;
	v26 =	vperm.xlane v28, v5  }
0x1e0: {  	s11 =	sadd.s32 $0x4, s11;
	s12 =	sadd.s32 $0x2, s3;
	v19 =	vbroadcast v27, $0x0;
	v25 =	vld [tilespmem:s2+$0xFFFFFFF0];
	v27 =	vperm.xlane v29, v5;
	v28 =	vadd.s32 v31, v32;
	[tilespmem:s1+$0x0] =	vst v30  }
0x1e1: {  	_ =	sdelay $0x3  }
0x1e2: {  	v23 =	vld.idx.msk [tilespmem:v23+s17+$0x0], $0xffff  }
0x1e3: {  	v30 =	vld [tilespmem:s2+$0x10];
	vm4 =	vgt.s32 v17, v16  }
0x1e4: {  	v29 =	vmov s12;
	v31 =	vld [tilespmem:s2+$0xFFFFFFE0];
	v16 =	vsel vm4, v17, v16  }
0x1e5: {  	v45 =	vld.idx.msk [tilespmem:v21+s17+$0x0], $0xffff;
	v46 =	vmov s3;
	v29 =	vand.u32 $0xFFFFFFFE, v29;
	vm4 =	vgt.s32 v16, $0x1  }
0x1e6: {  	v22 =	vld.idx.msk [tilespmem:v22+s17+$0x0], $0xffff;
	s11 =	sadd.s32 $0x40, s2;
	v21 =	vand.u32 $0xFFFFFFFC, v46;
	v29 =	vbroadcast v29, $0x0;
	v16 =	vsel vm4, $0x3F800000, v11  }
0x1e7: {  	v32 =	vld [tilespmem:s11+$0x0];
	v21 =	vbroadcast v21, $0x0;
	(xrf0) =	vmax.scan.msk.f32 $0xffff, v16  }
0x1e8: {  	s30 =	sadd.s32 $0x3, s3;
	v26 =	vsel vm3, $0x0, v26;
	v33 =	vld [tilespmem:s11+$0xFFFFFFF0]  }
0x1e9: {  	v47 =	vmov s30;
	v27 =	vsel vm3, $0x0, v27;
	v48 =	vld [tilespmem:s11+$0x10];
	v24 =	vperm.xlane v24, v5  }
0x1ea: {  	[tilespmem:s1+$0xFFFFFFF0] =	vst v28;
	v18 =	vadd.s32 v18, v26;
	v52 =	vld [tilespmem:s11+$0xFFFFFFE0];
	v20 =	vadd.s32 v20, v27;
	v25 =	vperm.xlane v25, v5  }
0x1eb: {  	v19 =	vld.idx.msk [tilespmem:v19+s17+$0x0], $0xffff;
	[tilespmem:s1+$0x10] =	vst v18;
	v24 =	vsel vm3, $0x0, v24;
	v50 =	vperm.xlane v30, v5;
	v51 =	vperm.xlane v31, v5  }
0x1ec: {  	[tilespmem:s1+$0xFFFFFFE0] =	vst v20;
	v49 =	vsel vm3, $0x0, v25;
	v53 =	vadd.s32 v23, v24;
	v56 =	vperm.xlane v32, v5;
	v29 =	vld.idx.msk [tilespmem:v29+s17+$0x0], $0xffff  }
0x1ed: {  	v59 =	vperm.xlane v33, v5;
	v15 =	vadd.s32 v15, v49;
	[tilespmem:s2+$0x0] =	vst v53;
	v54 =	vsel vm3, $0x0, v50;
	v58 =	vld.idx.msk [tilespmem:v21+s17+$0x0], $0xffff;
	v57, _, _ =	vpop (xrf0)  }
0x1ee: {  	v16 =	vld.idx.msk [tilespmem:v47+s17+$0x0], $0xffff;
	v55 =	vsel vm3, $0x0, v51;
	[tilespmem:s2+$0xFFFFFFF0] =	vst v15;
	v15 =	vadd.s32 v45, v54;
	(v2sf) =	vpush v57, $0xF  }
0x1ef: {  	v61 =	vperm.xlane v52, v5;
	v20 =	vadd.s32 v22, v55;
	v18 =	vsel vm3, $0x0, v59;
	[tilespmem:s2+$0x10] =	vst v15  }
0x1f0: {  	v60 =	vperm.xlane v48, v5;
	v15 =	vsel vm3, $0x0, v56;
	[tilespmem:s2+$0xFFFFFFE0] =	vst v20;
	v18 =	vadd.s32 v19, v18  }
0x1f1: {  	v62 =	vsel vm3, $0x0, v61;
	[tilespmem:s11+$0xFFFFFFF0] =	vst v18;
	v15 =	vadd.s32 v29, v15  }
0x1f2: {  	v63 =	vadd.s32 v58, v62;
	[tilespmem:s11+$0x0] =	vst v15;
	v15 =	vsel vm3, $0x0, v60  }
0x1f3: {  	[tilespmem:s11+$0xFFFFFFE0] =	vst v63;
	v15 =	vadd.s32 v16, v15  }
0x1f4: {  	[tilespmem:s11+$0x10] =	vst v15  }
0x1f5: {  	v15 =	vld [tilespmem:$0x8000];
	_ =	sdelay $0x2  }
0x1f6: {  	v16 =	vld.idx.msk [tilespmem:v12+s17+$0x0], $0xffff;
	_ =	sdelay $0x1  }
.Ltmp11:
0x1f7: {  	v15 =	vperm.xlane v15, v5;
	(pc) =	sbr.rel .LBB2_19-.Ltmp11, $4  }
0x1f8: {  	vm3 =	veq.s32 v2, $0x0  }
0x1f9: {  	v15 =	vsel vm3, $0x0, v15  }
0x1fa: {  	v15 =	vadd.s32 v16, v15;
	s31 =	spop (v2sf)  }
0x1fb: {  	s22 =	simm.s32 $0x0;
	p0 =	por $0x0, $0x0;
	[tilespmem:$0x8000] =	vst v15;
	p1 =	sgt.f32 s31, $0.0e+00  }
.LBB2_23:
0x1fc: {  	p2 =	sgt.u32 s22, $0x1D  }
0x1fd: {  	s1 =	sadd.s32 @!p2 s28, s9  }
0x1fe: {  	s1 =	sshrl.u32 @!p2 s1, $0x3  }
0x1ff: {  	s22 =	sadd.s32 $0x1, s22;
	s2 =	simm.s32 @!p2 $0x0;
	s1 =	sadd.s32 @!p2 s0, s1  }
0x200: {  	[tilespmem:s31], [sflag:s24] =	stream.linear.gather @!p2 [hbm4b:s1+s2], $0x4000, $0x38;
	[tilespmem:$0x1C780] =	vst v63  }
0x201: {  	p2 =	sne.s32 s22, $0x20  }
.Ltmp12:
0x202: {  	_ = 	snop;
	(pc) =	sbr.rel @!p2 .LBB2_24-.Ltmp12, $4  }
0x203: {  	_ = 	snop  }
0x204: {  	s30 =	sshrl.u32 s30, $0x3;
	s3 =	sadd.s32 $0x14780, s26  }
0x205: {  	p0 =	por !p0, !p0;
	s31 =	sadd.s32 $0x3, s23;
	s1 =	sadd.s32 s4, s30  }
0x206: {  	[hbm4b:s1+s5] =	stream.linear.scatter [tilespmem:s3], [sflag:s31], $0x4000, $0x38;
	[tilespmem:$0x1C780] =	vst v63  }
.LBB2_19:
0x207: {  	s23 =	sand.u32 $0x1, s22  }
0x208: {  	s24 =	sadd.s32 $0x1, s23  }
0x209: {  	_ =	swait.ge [sflag:s24], $0x4000  }
0x20a: {  	p2 =	slt.u32 s22, $0x2;
	[sflag:s24] =	ssyncset.done $0x0  }
0x20b: {  	s1 =	simm.s32 $0x1;
	s2 =	sadd.s32 @!p2 $0x3, s23;
	[sflag:s24] =	ssyncadd.s32 $0xFFFFC000  }
0x20c: {  	s1 =	simm.s32 @!p0 $0x0;
	_ =	swait.ge @!p2 [sflag:s2], $0x4000  }
0x20d: {  	s1 =	sshll.u32 s1, $0xE;
	[sflag:s2] =	ssyncset.done @!p2 $0x0  }
0x20e: {  	s3 =	sadd.s32 $0xC7C0, s1;
	[sflag:s2] =	ssyncadd.s32 @!p2 $0xFFFFC000  }
0x20f: {  	v22 =	vld [tilespmem:s3+$0xFFFFFFF0]  }
0x210: {  	v26 =	vld [tilespmem:s3+$0xFFFFFFE0]  }
0x211: {  	v27 =	vld [tilespmem:s3+$0x20]  }
0x212: {  	v19 =	vld [tilespmem:s3+$0x10]  }
0x213: {  	v28 =	vld [tilespmem:s3+$0xFFFFFFD0]  }
0x214: {  	v30 =	vld [tilespmem:s3+$0xFFFFFFC0]  }
0x215: {  	v17 =	vld [tilespmem:s3+$0x30];
	_ =	sdelay $0x1  }
0x216: {  	v15 =	vadd.f32 $4.000000000e+00, v22;
	v18 =	vadd.f32 $4.000000000e+00, v27  }
0x217: {  	v20 =	vadd.f32 $4.000000000e+00, v19;
	v21 =	vadd.f32 $4.000000000e+00, v26  }
0x218: {  	v23 =	vadd.f32 $4.000000000e+00, v28;
	v24 =	vadd.f32 $4.000000000e+00, v30;
	v16 =	vmul.f32 $2.048000000e+03, v15  }
0x219: {  	v29 =	vadd.f32 $4.000000000e+00, v17;
	v18 =	vmul.f32 $2.048000000e+03, v18;
	v20 =	vmul.f32 $2.048000000e+03, v20  }
0x21a: {  	v21 =	vmul.f32 $2.048000000e+03, v21;
	v23 =	vmul.f32 $2.048000000e+03, v23  }
0x21b: {  	v15 =	vld [tilespmem:s3+$0x0];
	v24 =	vmul.f32 $2.048000000e+03, v24;
	v29 =	vmul.f32 $2.048000000e+03, v29;
	v16 =	vmax.f32 v16, $0.0e+00  }
0x21c: {  	v18 =	vmax.f32 v18, $0.0e+00;
	v21 =	vmax.f32 v21, $0.0e+00;
	v20 =	vmax.f32 v20, $0.0e+00  }
0x21d: {  	v23 =	vmax.f32 v23, $0.0e+00;
	v16 =	vmin.f32 v16, $1.638300000e+04;
	v18 =	vmin.f32 v18, $1.638300000e+04  }
0x21e: {  	v21 =	vmin.f32 v21, $1.638300000e+04;
	v23 =	vmin.f32 v23, $1.638300000e+04;
	v16 =	vtrunc.f32 v16  }
0x21f: {  	v20 =	vmin.f32 v20, $1.638300000e+04;
	v21 =	vtrunc.f32 v21;
	v16 =	vcvt.f32.s32 v16  }
0x220: {  	v20 =	vtrunc.f32 v20;
	v25 =	vadd.f32 $4.000000000e+00, v15;
	v31 =	vcvt.f32.s32 v21  }
0x221: {  	s12 =	sadd.s32 $0x80, s3;
	v21 =	vtrunc.f32 v23;
	v23 =	vmax.f32 v24, $0.0e+00;
	v35 =	vcvt.f32.s32 v20  }
0x222: {  	v20 =	vld [tilespmem:s12+$0x20];
	v33 =	vcvt.f32.s32 v21;
	v21 =	vmin.f32 v23, $1.638300000e+04;
	v34 =	vmul.f32 $2.048000000e+03, v25  }
0x223: {  	v21 =	vtrunc.f32 v21;
	v25 =	vtrunc.f32 v18;
	v18 =	vld [tilespmem:s12+$0x10]  }
0x224: {  	v23 =	vmax.f32 v29, $0.0e+00;
	v36 =	vcvt.f32.s32 v21;
	v21 =	vld [tilespmem:s12+$0xFFFFFFE0];
	v29 =	vcvt.f32.s32 v25  }
0x225: {  	v32 =	vld.idx.msk [tilespmem:v16+s15+$0x0], $0xffff  }
0x226: {  	vm4 =	vge.f32 v30, $4.000000000e+00;
	vm9 =	vge.f32 v27, $4.000000000e+00;
	vm6 =	vge.f32 v22, $4.000000000e+00;
	v24 =	vld.idx.msk [tilespmem:v16+s16+$0x0], $0xffff  }
0x227: {  	vm8 =	vge.f32 v26, $4.000000000e+00;
	vm7 =	vmmov vm4;
	v39 =	vadd.f32 $4.000000000e+00, v20;
	v16 =	vld [tilespmem:s12+$0xFFFFFFC0]  }
0x228: {  	vm4 =	vge.f32 v19, $4.000000000e+00;
	v23 =	vmin.f32 v23, $1.638300000e+04;
	v34 =	vmax.f32 v34, $0.0e+00;
	v37 =	vld.idx.msk [tilespmem:v31+s16+$0x0], $0xffff  }
0x229: {  	v23 =	vtrunc.f32 v23;
	v25 =	vld [tilespmem:s12+$0xFFFFFFF0];
	v34 =	vmin.f32 v34, $1.638300000e+04;
	v39 =	vmul.f32 $2.048000000e+03, v39  }
0x22a: {  	v38 =	vcvt.f32.s32 v23;
	v47 =	vtrunc.f32 v34;
	v43 =	vadd.f32 $4.000000000e+00, v21;
	v42 =	vld.idx.msk [tilespmem:v29+s16+$0x0], $0xffff  }
0x22b: {  	v53 =	vadd.f32 $4.000000000e+00, v18;
	v47 =	vcvt.f32.s32 v47;
	v54 =	vld.idx.msk [tilespmem:v29+s15+$0x0], $0xffff;
	v29 =	vmax.f32 v39, $0.0e+00  }
0x22c: {  	v49 =	vld.idx.msk [tilespmem:v31+s15+$0x0], $0xffff;
	v29 =	vmin.f32 v29, $1.638300000e+04;
	v56 =	vmul.f32 $2.048000000e+03, v43;
	vm5 =	vle.f32 v24, v22  }
0x22d: {  	v48 =	vld.idx.msk [tilespmem:v36+s16+$0x0], $0xffff;
	vm3 =	vge.f32 v16, $4.000000000e+00;
	v41 =	vadd.f32 $4.000000000e+00, v16;
	vm10 =	vle.f32 v37, v26  }
0x22e: {  	v45 =	vld.idx.msk [tilespmem:v33+s16+$0x0], $0xffff;
	v26 =	vadd.f32 $4.000000000e+00, v25;
	v23 =	vsel vm5, $0x1, v0;
	vm5 =	vge.f32 v28, $4.000000000e+00  }
0x22f: {  	v22 =	vld [tilespmem:s12+$0x0];
	v43 =	vmax.f32 v56, $0.0e+00;
	v24 =	vadd.s32 v23, v32;
	v32 =	vmul.f32 $2.048000000e+03, v53  }
0x230: {  	v62 =	vsel vm10, $0x1, v0;
	v23 =	vld [tilespmem:s12+$0xFFFFFFD0];
	v26 =	vmul.f32 $2.048000000e+03, v26;
	v57 =	vmul.f32 $2.048000000e+03, v41  }
0x231: {  	v59 =	vmin.f32 v43, $1.638300000e+04;
	v41 =	vadd.s32 v62, v49;
	v40 =	vsel vm6, $0x1FFF, v24  }
0x232: {  	vm6 =	vge.f32 v15, $4.000000000e+00;
	vm11 =	vle.f32 v42, v27;
	vm12 =	vle.f32 v48, v30  }
0x233: {  	v24 =	vld [tilespmem:s12+$0x30];
	v60 =	vtrunc.f32 v59;
	v26 =	vmax.f32 v26, $0.0e+00;
	v42 =	vsel vm11, $0x1, v0  }
0x234: {  	v58 =	vld.idx.msk [tilespmem:v36+s15+$0x0], $0xffff;
	vm11 =	vle.f32 v45, v28;
	v61 =	vsel vm12, $0x1, v0;
	v26 =	vmin.f32 v26, $1.638300000e+04  }
0x235: {  	v50 =	vld.idx.msk [tilespmem:v38+s16+$0x0], $0xffff;
	v44 =	vadd.f32 $4.000000000e+00, v22;
	v26 =	vtrunc.f32 v26;
	v55 =	vadd.f32 $4.000000000e+00, v23  }
0x236: {  	v38 =	vld.idx.msk [tilespmem:v38+s15+$0x0], $0xffff;
	v42 =	vadd.s32 v42, v54;
	v36 =	vsel vm11, $0x1, v0;
	v34 =	vcvt.f32.s32 v26  }
0x237: {  	v37 =	vld.idx.msk [tilespmem:v33+s15+$0x0], $0xffff;
	v42 =	vsel vm9, $0x1FFF, v42;
	v26 =	vmax.f32 v32, $0.0e+00;
	v39 =	vmul.f32 $2.048000000e+03, v55  }
0x238: {  	v27 =	vld.idx.msk [tilespmem:v35+s16+$0x0], $0xffff;
	v32 =	vmax.f32 v57, $0.0e+00;
	v33 =	vmul.f32 $2.048000000e+03, v44;
	v46 =	vadd.f32 $4.000000000e+00, v24  }
0x239: {  	s25 =	sadd.s32 $0xC7A0, s1;
	s29 =	sadd.s32 $0x147A0, s1;
	s1 =	sadd.s32 $0x147C0, s1;
	v30 =	vld.idx.msk [tilespmem:v35+s15+$0x0], $0xffff;
	v26 =	vmin.f32 v26, $1.638300000e+04;
	v63 =	vmin.f32 v32, $1.638300000e+04;
	v31 =	vmax.f32 v39, $0.0e+00  }
0x23a: {  	s28 =	sshll.u32 s22, $0xE;
	s11 =	simm.s32 $0x8;
	v35 =	vld.idx.msk [tilespmem:v47+s15+$0x0], $0xffff;
	[tilespmem:s1+$0x20] =	vst v42;
	v42 =	vtrunc.f32 v63;
	v39 =	vmul.f32 $2.048000000e+03, v46;
	v28 =	vmin.f32 v31, $1.638300000e+04  }
0x23b: {  	s26 =	sshll.u32 s23, $0xE;
	s30 =	sor.u32 s6, s28;
	s3 =	sadd.s32 $0x80, s1;
	[tilespmem:s1+$0xFFFFFFF0] =	vst v40;
	v40 =	vld.idx.msk [tilespmem:v47+s16+$0x0], $0xffff;
	v43 =	vadd.s32 v61, v58;
	v31 =	vtrunc.f32 v26;
	v28 =	vtrunc.f32 v28  }
0x23c: {  	s31 =	sadd.s32 $0xC780, s26;
	s2 =	smov.u32 s3;
	s12 =	sadd.s32 $0x80, s12;
	vm9 =	vle.f32 v50, v17;
	v32 =	vld.idx.msk [tilespmem:v34+s15+$0x0], $0xffff;
	v26 =	vcvt.f32.s32 v28;
	v28 =	vcvt.f32.s32 v60  }
.LBB2_20:
0x23d: {  	v44 =	vld [tilespmem:s12+$0xFFFFFFE0];
	s11 =	sadd.s32 $0x8, s11;
	v31 =	vcvt.f32.s32 v31;
	v39 =	vmax.f32 v39, $0.0e+00;
	s3 =	sadd.s32 $0x80, s3;
	vm10 =	vle.f32 v27, v19;
	v19 =	vmovc v18  }
0x23e: {  	v18 =	vsel vm7, $0x1FFF, v43;
	p2 =	slt.u32 s11, $0x3F8;
	v27 =	vld.idx.msk [tilespmem:v34+s16+$0x0], $0xffff;
	v34 =	vmin.f32 v39, $1.638300000e+04;
	v39 =	vsel vm9, $0x1, v0  }
0x23f: {  	v42 =	vcvt.f32.s32 v42;
	v29 =	vtrunc.f32 v29;
	v45 =	vsel vm10, $0x1, v0;
	v43 =	vld [tilespmem:s12+$0x20]  }
0x240: {  	v36 =	vadd.s32 v36, v37;
	v37 =	vsel vm8, $0x1FFF, v41;
	v29 =	vcvt.f32.s32 v29;
	v46 =	vld [tilespmem:s12+$0xFFFFFFD0]  }
0x241: {  	vm7 =	vge.f32 v17, $4.000000000e+00;
	v17 =	vmovc v24;
	vm9 =	vge.f32 v20, $4.000000000e+00;
	v41 =	vld [tilespmem:s12+$0xFFFFFFC0];
	[tilespmem:s1+$0xFFFFFFC0] =	vst v18;
	v18 =	vadd.s32 v39, v38  }
0x242: {  	v36 =	vsel vm5, $0x1FFF, v36;
	vm5 =	vle.f32 v40, v15;
	v15 =	vmovc v22;
	v24 =	vld [tilespmem:s12+$0xFFFFFFF0];
	v38 =	vsel vm7, $0x1FFF, v18  }
0x243: {  	v30 =	vadd.s32 v45, v30;
	v22 =	vtrunc.f32 v34;
	v34 =	vsel vm5, $0x1, v0;
	v18 =	vld [tilespmem:s12+$0x10];
	[tilespmem:s1+$0xFFFFFFD0] =	vst v36  }
0x244: {  	v30 =	vsel vm4, $0x1FFF, v30;
	v40 =	vcvt.f32.s32 v22;
	v22 =	vadd.s32 v34, v35;
	v36 =	vld.idx.msk [tilespmem:v28+s16+$0x0], $0xffff;
	[tilespmem:s1+$0x30] =	vst v38  }
0x245: {  	vm8 =	vge.f32 v25, $4.000000000e+00;
	vm4 =	vle.f32 v27, v25;
	v22 =	vsel vm6, $0x1FFF, v22;
	[tilespmem:s1+$0xFFFFFFE0] =	vst v37  }
0x246: {  	vm7 =	vmmov vm3;
	v34 =	vsel vm4, $0x1, v0;
	v27 =	vld.idx.msk [tilespmem:v31+s16+$0x0], $0xffff;
	[tilespmem:s1+$0x0] =	vst v22;
	vm3 =	vge.f32 v41, $4.000000000e+00  }
0x247: {  	vm5 =	vge.f32 v23, $4.000000000e+00;
	v32 =	vadd.s32 v34, v32;
	v22 =	vld [tilespmem:s12+$0x0];
	[tilespmem:s1+$0x10] =	vst v30;
	v25 =	vmov v24;
	s1 =	smov.u32 s2;
	s2 =	smov.u32 s3  }
0x248: {  	v34 =	vadd.f32 $4.000000000e+00, v43;
	v32 =	vsel vm8, $0x1FFF, v32;
	v30 =	vadd.f32 $4.000000000e+00, v18;
	v24 =	vld [tilespmem:s12+$0x30]  }
0x249: {  	vm4 =	vge.f32 v19, $4.000000000e+00;
	v35 =	vadd.f32 $4.000000000e+00, v41;
	vm8 =	vge.f32 v21, $4.000000000e+00;
	[tilespmem:s1+$0xFFFFFFF0] =	vst v32;
	v32 =	vld.idx.msk [tilespmem:v29+s16+$0x0], $0xffff  }
0x24a: {  	v34 =	vmul.f32 $2.048000000e+03, v34;
	vm10 =	vle.f32 v36, v21;
	v21 =	vmovc v44;
	v30 =	vmul.f32 $2.048000000e+03, v30;
	v37 =	vld.idx.msk [tilespmem:v42+s16+$0x0], $0xffff  }
0x24b: {  	v33 =	vmax.f32 v33, $0.0e+00;
	vm6 =	vge.f32 v15, $4.000000000e+00;
	v36 =	vadd.f32 $4.000000000e+00, v25;
	v38 =	vld.idx.msk [tilespmem:v29+s15+$0x0], $0xffff  }
0x24c: {  	v39 =	vadd.f32 $4.000000000e+00, v21;
	v29 =	vmax.f32 v34, $0.0e+00;
	v44 =	vadd.f32 $4.000000000e+00, v22;
	v45 =	vld.idx.msk [tilespmem:v26+s16+$0x0], $0xffff  }
0x24d: {  	v34 =	vadd.f32 $4.000000000e+00, v46;
	v36 =	vmul.f32 $2.048000000e+03, v36;
	v47 =	vld.idx.msk [tilespmem:v28+s15+$0x0], $0xffff;
	v28 =	vmin.f32 v33, $1.638300000e+04  }
0x24e: {  	v29 =	vmin.f32 v29, $1.638300000e+04;
	v33 =	vadd.f32 $4.000000000e+00, v24;
	v28 =	vtrunc.f32 v28  }
0x24f: {  	v39 =	vmul.f32 $2.048000000e+03, v39;
	v36 =	vmax.f32 v36, $0.0e+00;
	vm11 =	vle.f32 v32, v20;
	v20 =	vmovc v43  }
0x250: {  	v32 =	vmul.f32 $2.048000000e+03, v34;
	v34 =	vmin.f32 v36, $1.638300000e+04;
	v36 =	vsel vm11, $0x1, v0  }
0x251: {  	v43 =	vmax.f32 v39, $0.0e+00;
	v34 =	vtrunc.f32 v34;
	v38 =	vadd.s32 v36, v38  }
0x252: {  	v30 =	vmax.f32 v30, $0.0e+00;
	v48 =	vcvt.f32.s32 v28;
	v34 =	vcvt.f32.s32 v34;
	v49 =	vld.idx.msk [tilespmem:v40+s16+$0x0], $0xffff  }
0x253: {  	v28 =	vmul.f32 $2.048000000e+03, v35;
	v32 =	vmax.f32 v32, $0.0e+00;
	vm11 =	vle.f32 v45, v23;
	v23 =	vmovc v46  }
0x254: {  	v39 =	vmul.f32 $2.048000000e+03, v33;
	vm12 =	vle.f32 v37, v16;
	v16 =	vmovc v41;
	v32 =	vmin.f32 v32, $1.638300000e+04;
	v45 =	vld.idx.msk [tilespmem:v42+s15+$0x0], $0xffff  }
0x255: {  	v33 =	vmin.f32 v30, $1.638300000e+04;
	v32 =	vtrunc.f32 v32;
	v36 =	vsel vm11, $0x1, v0;
	v30 =	vld.idx.msk [tilespmem:v31+s15+$0x0], $0xffff  }
.Ltmp13:
0x256: {  	v35 =	vmin.f32 v43, $1.638300000e+04;
	v31 =	vtrunc.f32 v33;
	v37 =	vld.idx.msk [tilespmem:v26+s15+$0x0], $0xffff;
	v26 =	vsel vm9, $0x1FFF, v38;
	(pc) =	sbr.rel @p2 .LBB2_20-.Ltmp13, $4  }
0x257: {  	v41 =	vsel vm10, $0x1, v0;
	v43 =	vsel vm12, $0x1, v0;
	v33 =	vtrunc.f32 v35;
	[tilespmem:s1+$0x20] =	vst v26;
	v38 =	vld.idx.msk [tilespmem:v40+s15+$0x0], $0xffff  }
0x258: {  	v40 =	vmax.f32 v28, $0.0e+00;
	v26 =	vcvt.f32.s32 v32;
	v28 =	vcvt.f32.s32 v33;
	v35 =	vld.idx.msk [tilespmem:v48+s15+$0x0], $0xffff  }
0x259: {  	v41 =	vadd.s32 v41, v47;
	v33 =	vmul.f32 $2.048000000e+03, v44;
	v40 =	vmin.f32 v40, $1.638300000e+04;
	v32 =	vld.idx.msk [tilespmem:v34+s15+$0x0], $0xffff  }
0x25a: {  	s12 =	sadd.s32 $0x80, s12;
	vm9 =	vle.f32 v49, v17;
	v42 =	vtrunc.f32 v40;
	v43 =	vadd.s32 v43, v45;
	v40 =	vld.idx.msk [tilespmem:v48+s16+$0x0], $0xffff  }
0x25b: {  	_ = 	snop  }
0x25c: {  	v29 =	vtrunc.f32 v29  }
0x25d: {  	v42 =	vcvt.f32.s32 v42;
	v39 =	vmax.f32 v39, $0.0e+00;
	v31 =	vcvt.f32.s32 v31  }
0x25e: {  	vm10 =	vle.f32 v27, v19;
	v54 =	vsel vm7, $0x1FFF, v43;
	v29 =	vcvt.f32.s32 v29  }
0x25f: {  	v53 =	vld.idx.msk [tilespmem:v34+s16+$0x0], $0xffff;
	v55 =	vsel vm9, $0x1, v0;
	v36 =	vadd.s32 v36, v37;
	v41 =	vsel vm8, $0x1FFF, v41  }
0x260: {  	v57 =	vld.idx.msk [tilespmem:v28+s16+$0x0], $0xffff;
	v33 =	vmax.f32 v33, $0.0e+00;
	vm7 =	vge.f32 v20, $4.000000000e+00;
	v52 =	vmin.f32 v39, $1.638300000e+04  }
0x261: {  	vm15 =	vge.f32 v17, $4.000000000e+00;
	v63 =	vld.idx.msk [tilespmem:v26+s16+$0x0], $0xffff;
	vm11 =	vge.f32 v25, $4.000000000e+00;
	v19 =	vtrunc.f32 v52  }
0x262: {  	v44 =	vld.idx.msk [tilespmem:v28+s15+$0x0], $0xffff;
	vm12 =	vmmov vm3;
	v56 =	vsel vm10, $0x1, v0;
	v19 =	vcvt.f32.s32 v19  }
0x263: {  	v50 =	vld.idx.msk [tilespmem:v26+s15+$0x0], $0xffff;
	v38 =	vadd.s32 v55, v38;
	v33 =	vmin.f32 v33, $1.638300000e+04;
	v36 =	vsel vm5, $0x1FFF, v36  }
0x264: {  	vm5 =	vge.f32 v23, $4.000000000e+00;
	v60 =	vtrunc.f32 v33;
	v61 =	vsel vm15, $0x1FFF, v38;
	v58 =	vld.idx.msk [tilespmem:v29+s16+$0x0], $0xffff  }
0x265: {  	[tilespmem:s1+$0xFFFFFFC0] =	vst v54;
	v30 =	vadd.s32 v56, v30;
	vm9 =	vle.f32 v40, v15;
	v15 =	vld.idx.msk [tilespmem:v29+s15+$0x0], $0xffff;
	v29 =	vcvt.f32.s32 v60  }
0x266: {  	[tilespmem:s1+$0xFFFFFFE0] =	vst v41;
	v45 =	vsel vm4, $0x1FFF, v30;
	vm4 =	vge.f32 v21, $4.000000000e+00;
	v62 =	vsel vm9, $0x1, v0;
	v59 =	vld.idx.msk [tilespmem:v42+s16+$0x0], $0xffff  }
0x267: {  	vm10 =	vle.f32 v53, v25;
	vm13 =	vle.f32 v57, v21;
	vm14 =	vle.f32 v63, v23;
	v53 =	vld.idx.msk [tilespmem:v31+s16+$0x0], $0xffff  }
0x268: {  	[tilespmem:s1+$0xFFFFFFD0] =	vst v36;
	v35 =	vadd.s32 v62, v35;
	v46 =	vsel vm10, $0x1, v0;
	v55 =	vsel vm13, $0x1, v0;
	v47 =	vld.idx.msk [tilespmem:v19+s16+$0x0], $0xffff  }
0x269: {  	[tilespmem:s1+$0x30] =	vst v61;
	v49 =	vld.idx.msk [tilespmem:v42+s15+$0x0], $0xffff;
	v54 =	vsel vm14, $0x1, v0;
	v25 =	vadd.s32 v46, v32;
	v26 =	vadd.s32 v55, v44  }
0x26a: {  	[tilespmem:s1+$0x10] =	vst v45;
	v48 =	vsel vm6, $0x1FFF, v35;
	v25 =	vsel vm11, $0x1FFF, v25;
	v62 =	vsel vm4, $0x1FFF, v26;
	v19 =	vld.idx.msk [tilespmem:v19+s15+$0x0], $0xffff  }
0x26b: {  	vm15 =	vle.f32 v59, v16;
	v16 =	vadd.s32 v54, v50;
	vm3 =	vle.f32 v58, v20;
	v52 =	vld.idx.msk [tilespmem:v29+s16+$0x0], $0xffff  }
0x26c: {  	v57 =	vld.idx.msk [tilespmem:v31+s15+$0x0], $0xffff;
	[tilespmem:s1+$0x0] =	vst v48;
	vm14 =	vle.f32 v53, v18;
	v17 =	vsel vm15, $0x1, v0;
	v51 =	vsel vm3, $0x1, v0  }
0x26d: {  	[tilespmem:s2+$0xFFFFFFF0] =	vst v25;
	v61 =	vsel vm14, $0x1, v0;
	v56 =	vld.idx.msk [tilespmem:v29+s15+$0x0], $0xffff;
	v15 =	vadd.s32 v51, v15;
	vm11 =	vle.f32 v47, v24  }
0x26e: {  	[tilespmem:s2+$0xFFFFFFE0] =	vst v62;
	v17 =	vadd.s32 v17, v49;
	v15 =	vsel vm7, $0x1FFF, v15;
	v58 =	vsel vm11, $0x1, v0  }
0x26f: {  	vm15 =	vge.f32 v18, $4.000000000e+00;
	[tilespmem:s2+$0x20] =	vst v15;
	v15 =	vsel vm12, $0x1FFF, v17;
	v59 =	vadd.s32 v58, v19  }
.Ltmp14:
0x270: {  	vm12 =	vge.f32 v24, $4.000000000e+00;
	[tilespmem:s2+$0xFFFFFFC0] =	vst v15;
	v15 =	vsel vm5, $0x1FFF, v16;
	vm13 =	vle.f32 v52, v22;
	(pc) =	sbr.rel @!p1 .LBB2_23-.Ltmp14, $4  }
0x271: {  	v63 =	vadd.s32 v61, v57;
	v60 =	vsel vm12, $0x1FFF, v59;
	[tilespmem:s2+$0xFFFFFFD0] =	vst v15;
	v15 =	vsel vm13, $0x1, v0  }
0x272: {  	vm3 =	vge.f32 v22, $4.000000000e+00;
	v16 =	vsel vm15, $0x1FFF, v63;
	[tilespmem:s2+$0x30] =	vst v60;
	v15 =	vadd.s32 v15, v56  }
0x273: {  	[tilespmem:s2+$0x10] =	vst v16;
	v15 =	vsel vm3, $0x1FFF, v15  }
0x274: {  	s3 =	simm.s32 $0xFFFFFFFC;
	[tilespmem:s2+$0x0] =	vst v15  }
.LBB2_22:
0x275: {  	v15 =	vld [tilespmem:s25+$0xFFFFFFE0]  }
0x276: {  	v16 =	vld.idx.msk [tilespmem:v13+s18+$0x0], $0xffff;
	_ =	sdelay $0x4  }
0x277: {  	vm3 =	vle.f32 v16, v15  }
0x278: {  	v16 =	vsel vm3, $0x1800, v14;
	_ =	sdelay $0x4  }
0x279: {  	v17 =	vld.idx.msk [tilespmem:v16+s18+$0x0], $0xffff;
	_ =	sdelay $0x4  }
0x27a: {  	v18 =	vsel vm3, $0x2000, v13;
	vm4 =	vle.f32 v17, v15  }
0x27b: {  	v58 =	vsel vm3, $0x1001, v0;
	v19 =	vor.u32 $0x1, v16;
	v16 =	vsel vm4, v18, v16  }
0x27c: {  	v17 =	vsel vm4, v19, v58;
	v18 =	vadd.s32 $0xFFFFFFFF, v16  }
0x27d: {  	v19 =	vxor.u32 v18, v17  }
0x27e: {  	v18 =	vor.u32 v18, v17;
	v19 =	vshrl.u32 v19, $0x1  }
0x27f: {  	v18 =	vsub.s32 v18, v19;
	_ =	sdelay $0x4  }
0x280: {  	v19 =	vld.idx.msk [tilespmem:v18+s18+$0x0], $0xffff;
	_ =	sdelay $0x4  }
0x281: {  	v59 =	vor.u32 $0x1, v18;
	vm3 =	vle.f32 v19, v15  }
0x282: {  	v17 =	vsel vm3, v59, v17;
	v16 =	vsel vm3, v16, v18  }
0x283: {  	v18 =	vxor.u32 v16, v17  }
0x284: {  	v19 =	vand.u32 v16, v17;
	v18 =	vshrl.u32 v18, $0x1  }
0x285: {  	v18 =	vadd.s32 v18, v19;
	_ =	sdelay $0x4  }
0x286: {  	v19 =	vld.idx.msk [tilespmem:v18+s18+$0x0], $0xffff;
	_ =	sdelay $0x4  }
0x287: {  	v60 =	vadd.s32 $0x1, v18;
	vm3 =	vle.f32 v19, v15  }
0x288: {  	v17 =	vsel vm3, v60, v17;
	v16 =	vsel vm3, v16, v18  }
0x289: {  	v18 =	vadd.s32 v16, v17  }
0x28a: {  	v18 =	vshrl.u32 v18, $0x1;
	_ =	sdelay $0x4  }
0x28b: {  	v61 =	vld.idx.msk [tilespmem:v18+s18+$0x0], $0xffff;
	_ =	sdelay $0x4  }
0x28c: {  	v62 =	vadd.s32 $0x1, v18;
	vm3 =	vle.f32 v61, v15  }
0x28d: {  	v17 =	vsel vm3, v62, v17;
	v16 =	vsel vm3, v16, v18  }
0x28e: {  	v18 =	vadd.s32 v16, v17  }
0x28f: {  	v18 =	vshrl.u32 v18, $0x1;
	_ =	sdelay $0x4  }
0x290: {  	v63 =	vld.idx.msk [tilespmem:v18+s18+$0x0], $0xffff;
	_ =	sdelay $0x4  }
0x291: {  	v21 =	vadd.s32 $0x1, v18;
	vm3 =	vle.f32 v63, v15  }
0x292: {  	v17 =	vsel vm3, v21, v17;
	v16 =	vsel vm3, v16, v18  }
0x293: {  	v18 =	vadd.s32 v16, v17  }
0x294: {  	v18 =	vshrl.u32 v18, $0x1;
	_ =	sdelay $0x4  }
0x295: {  	v22 =	vld.idx.msk [tilespmem:v18+s18+$0x0], $0xffff;
	_ =	sdelay $0x4  }
0x296: {  	v23 =	vadd.s32 $0x1, v18;
	vm3 =	vle.f32 v22, v15  }
0x297: {  	v17 =	vsel vm3, v23, v17;
	v16 =	vsel vm3, v16, v18  }
0x298: {  	v18 =	vadd.s32 v16, v17  }
0x299: {  	v18 =	vshrl.u32 v18, $0x1;
	_ =	sdelay $0x4  }
0x29a: {  	v24 =	vld.idx.msk [tilespmem:v18+s18+$0x0], $0xffff;
	_ =	sdelay $0x4  }
0x29b: {  	v25 =	vadd.s32 $0x1, v18;
	vm3 =	vle.f32 v24, v15  }
0x29c: {  	v17 =	vsel vm3, v25, v17;
	v16 =	vsel vm3, v16, v18  }
0x29d: {  	v18 =	vadd.s32 v16, v17  }
0x29e: {  	v18 =	vshrl.u32 v18, $0x1;
	_ =	sdelay $0x4  }
0x29f: {  	v26 =	vld.idx.msk [tilespmem:v18+s18+$0x0], $0xffff;
	_ =	sdelay $0x4  }
0x2a0: {  	v27 =	vadd.s32 $0x1, v18;
	vm3 =	vle.f32 v26, v15  }
0x2a1: {  	v17 =	vsel vm3, v27, v17;
	v16 =	vsel vm3, v16, v18  }
0x2a2: {  	v18 =	vadd.s32 v16, v17  }
0x2a3: {  	v18 =	vshrl.u32 v18, $0x1;
	_ =	sdelay $0x4  }
0x2a4: {  	v28 =	vld.idx.msk [tilespmem:v18+s18+$0x0], $0xffff;
	_ =	sdelay $0x4  }
0x2a5: {  	v29 =	vadd.s32 $0x1, v18;
	vm3 =	vle.f32 v28, v15  }
0x2a6: {  	v17 =	vsel vm3, v29, v17;
	v16 =	vsel vm3, v16, v18  }
0x2a7: {  	v18 =	vadd.s32 v16, v17  }
0x2a8: {  	v18 =	vshrl.u32 v18, $0x1;
	_ =	sdelay $0x4  }
0x2a9: {  	v30 =	vld.idx.msk [tilespmem:v18+s18+$0x0], $0xffff;
	_ =	sdelay $0x4  }
0x2aa: {  	v31 =	vadd.s32 $0x1, v18;
	vm3 =	vle.f32 v30, v15  }
0x2ab: {  	v17 =	vsel vm3, v31, v17;
	v16 =	vsel vm3, v16, v18  }
0x2ac: {  	v18 =	vadd.s32 v16, v17  }
0x2ad: {  	v18 =	vshrl.u32 v18, $0x1;
	_ =	sdelay $0x4  }
0x2ae: {  	v32 =	vld.idx.msk [tilespmem:v18+s18+$0x0], $0xffff;
	_ =	sdelay $0x4  }
0x2af: {  	v33 =	vadd.s32 $0x1, v18;
	vm3 =	vle.f32 v32, v15  }
0x2b0: {  	v17 =	vsel vm3, v33, v17;
	v16 =	vsel vm3, v16, v18  }
0x2b1: {  	v16 =	vadd.s32 v16, v17  }
0x2b2: {  	v16 =	vshrl.u32 v16, $0x1;
	_ =	sdelay $0x4  }
0x2b3: {  	v34 =	vld.idx.msk [tilespmem:v16+s18+$0x0], $0xffff;
	_ =	sdelay $0x4  }
0x2b4: {  	vm3 =	vle.f32 v34, v15;
	v15 =	vadd.s32 $0x1, v16  }
0x2b5: {  	v15 =	vsel vm3, v15, v17  }
0x2b6: {  	v15 =	vmin.u32 v15, $0x1FFF  }
0x2b7: {  	[tilespmem:s29+$0xFFFFFFE0] =	vst v15  }
0x2b8: {  	v15 =	vld [tilespmem:s25+$0xFFFFFFF0]  }
0x2b9: {  	v35 =	vld.idx.msk [tilespmem:v13+s18+$0x0], $0xffff;
	_ =	sdelay $0x4  }
0x2ba: {  	vm3 =	vle.f32 v35, v15  }
0x2bb: {  	v16 =	vsel vm3, $0x1800, v14;
	_ =	sdelay $0x4  }
0x2bc: {  	v36 =	vld.idx.msk [tilespmem:v16+s18+$0x0], $0xffff;
	_ =	sdelay $0x4  }
0x2bd: {  	v37 =	vsel vm3, $0x2000, v13;
	vm13 =	vle.f32 v36, v15  }
0x2be: {  	v38 =	vsel vm3, $0x1001, v0;
	v39 =	vor.u32 $0x1, v16;
	v16 =	vsel vm13, v37, v16  }
0x2bf: {  	v17 =	vsel vm13, v39, v38;
	v18 =	vadd.s32 $0xFFFFFFFF, v16  }
0x2c0: {  	v19 =	vxor.u32 v18, v17  }
0x2c1: {  	v18 =	vor.u32 v18, v17;
	v19 =	vshrl.u32 v19, $0x1  }
0x2c2: {  	v18 =	vsub.s32 v18, v19;
	_ =	sdelay $0x4  }
0x2c3: {  	v19 =	vld.idx.msk [tilespmem:v18+s18+$0x0], $0xffff;
	_ =	sdelay $0x4  }
0x2c4: {  	v40 =	vor.u32 $0x1, v18;
	vm3 =	vle.f32 v19, v15  }
0x2c5: {  	v17 =	vsel vm3, v40, v17;
	v16 =	vsel vm3, v16, v18  }
0x2c6: {  	v18 =	vxor.u32 v16, v17  }
0x2c7: {  	v19 =	vand.u32 v16, v17;
	v18 =	vshrl.u32 v18, $0x1  }
0x2c8: {  	v18 =	vadd.s32 v18, v19;
	_ =	sdelay $0x4  }
0x2c9: {  	v19 =	vld.idx.msk [tilespmem:v18+s18+$0x0], $0xffff;
	_ =	sdelay $0x4  }
0x2ca: {  	v41 =	vadd.s32 $0x1, v18;
	vm3 =	vle.f32 v19, v15  }
0x2cb: {  	v17 =	vsel vm3, v41, v17;
	v16 =	vsel vm3, v16, v18  }
0x2cc: {  	v18 =	vadd.s32 v16, v17  }
0x2cd: {  	v18 =	vshrl.u32 v18, $0x1;
	_ =	sdelay $0x4  }
0x2ce: {  	v42 =	vld.idx.msk [tilespmem:v18+s18+$0x0], $0xffff;
	_ =	sdelay $0x4  }
0x2cf: {  	v43 =	vadd.s32 $0x1, v18;
	vm3 =	vle.f32 v42, v15  }
0x2d0: {  	v17 =	vsel vm3, v43, v17;
	v16 =	vsel vm3, v16, v18  }
0x2d1: {  	v18 =	vadd.s32 v16, v17  }
0x2d2: {  	v18 =	vshrl.u32 v18, $0x1;
	_ =	sdelay $0x4  }
0x2d3: {  	v44 =	vld.idx.msk [tilespmem:v18+s18+$0x0], $0xffff;
	_ =	sdelay $0x4  }
0x2d4: {  	v45 =	vadd.s32 $0x1, v18;
	vm3 =	vle.f32 v44, v15  }
0x2d5: {  	v17 =	vsel vm3, v45, v17;
	v16 =	vsel vm3, v16, v18  }
0x2d6: {  	v18 =	vadd.s32 v16, v17  }
0x2d7: {  	v18 =	vshrl.u32 v18, $0x1;
	_ =	sdelay $0x4  }
0x2d8: {  	v46 =	vld.idx.msk [tilespmem:v18+s18+$0x0], $0xffff;
	_ =	sdelay $0x4  }
0x2d9: {  	v47 =	vadd.s32 $0x1, v18;
	vm3 =	vle.f32 v46, v15  }
0x2da: {  	v17 =	vsel vm3, v47, v17;
	v16 =	vsel vm3, v16, v18  }
0x2db: {  	v18 =	vadd.s32 v16, v17  }
0x2dc: {  	v18 =	vshrl.u32 v18, $0x1;
	_ =	sdelay $0x4  }
0x2dd: {  	v48 =	vld.idx.msk [tilespmem:v18+s18+$0x0], $0xffff;
	_ =	sdelay $0x4  }
0x2de: {  	v49 =	vadd.s32 $0x1, v18;
	vm3 =	vle.f32 v48, v15  }
0x2df: {  	v17 =	vsel vm3, v49, v17;
	v16 =	vsel vm3, v16, v18  }
0x2e0: {  	v18 =	vadd.s32 v16, v17  }
0x2e1: {  	v18 =	vshrl.u32 v18, $0x1;
	_ =	sdelay $0x4  }
0x2e2: {  	v50 =	vld.idx.msk [tilespmem:v18+s18+$0x0], $0xffff;
	_ =	sdelay $0x4  }
0x2e3: {  	v51 =	vadd.s32 $0x1, v18;
	vm3 =	vle.f32 v50, v15  }
0x2e4: {  	v17 =	vsel vm3, v51, v17;
	v16 =	vsel vm3, v16, v18  }
0x2e5: {  	v18 =	vadd.s32 v16, v17  }
0x2e6: {  	v18 =	vshrl.u32 v18, $0x1;
	_ =	sdelay $0x4  }
0x2e7: {  	v52 =	vld.idx.msk [tilespmem:v18+s18+$0x0], $0xffff;
	_ =	sdelay $0x4  }
0x2e8: {  	v53 =	vadd.s32 $0x1, v18;
	vm3 =	vle.f32 v52, v15  }
0x2e9: {  	v17 =	vsel vm3, v53, v17;
	v16 =	vsel vm3, v16, v18  }
0x2ea: {  	v18 =	vadd.s32 v16, v17  }
0x2eb: {  	v18 =	vshrl.u32 v18, $0x1;
	_ =	sdelay $0x4  }
0x2ec: {  	v54 =	vld.idx.msk [tilespmem:v18+s18+$0x0], $0xffff;
	_ =	sdelay $0x4  }
0x2ed: {  	v55 =	vadd.s32 $0x1, v18;
	vm3 =	vle.f32 v54, v15  }
0x2ee: {  	v17 =	vsel vm3, v55, v17;
	v16 =	vsel vm3, v16, v18  }
0x2ef: {  	v18 =	vadd.s32 v16, v17  }
0x2f0: {  	v18 =	vshrl.u32 v18, $0x1;
	_ =	sdelay $0x4  }
0x2f1: {  	v56 =	vld.idx.msk [tilespmem:v18+s18+$0x0], $0xffff;
	_ =	sdelay $0x4  }
0x2f2: {  	v57 =	vadd.s32 $0x1, v18;
	vm3 =	vle.f32 v56, v15  }
0x2f3: {  	v17 =	vsel vm3, v57, v17;
	v16 =	vsel vm3, v16, v18  }
0x2f4: {  	v16 =	vadd.s32 v16, v17  }
0x2f5: {  	v16 =	vshrl.u32 v16, $0x1;
	_ =	sdelay $0x4  }
0x2f6: {  	v58 =	vld.idx.msk [tilespmem:v16+s18+$0x0], $0xffff;
	_ =	sdelay $0x4  }
0x2f7: {  	vm3 =	vle.f32 v58, v15;
	v15 =	vadd.s32 $0x1, v16  }
0x2f8: {  	v15 =	vsel vm3, v15, v17  }
0x2f9: {  	v15 =	vmin.u32 v15, $0x1FFF  }
0x2fa: {  	[tilespmem:s29+$0xFFFFFFF0] =	vst v15  }
0x2fb: {  	v15 =	vld [tilespmem:s25+$0x0]  }
0x2fc: {  	v59 =	vld.idx.msk [tilespmem:v13+s18+$0x0], $0xffff;
	_ =	sdelay $0x4  }
0x2fd: {  	vm3 =	vle.f32 v59, v15  }
0x2fe: {  	v16 =	vsel vm3, $0x1800, v14;
	_ =	sdelay $0x4  }
0x2ff: {  	v60 =	vld.idx.msk [tilespmem:v16+s18+$0x0], $0xffff;
	_ =	sdelay $0x4  }
0x300: {  	v61 =	vsel vm3, $0x2000, v13;
	vm14 =	vle.f32 v60, v15  }
0x301: {  	v62 =	vsel vm3, $0x1001, v0;
	v63 =	vor.u32 $0x1, v16;
	v16 =	vsel vm14, v61, v16  }
0x302: {  	v17 =	vsel vm14, v63, v62;
	v18 =	vadd.s32 $0xFFFFFFFF, v16  }
0x303: {  	v19 =	vxor.u32 v18, v17  }
0x304: {  	v18 =	vor.u32 v18, v17;
	v19 =	vshrl.u32 v19, $0x1  }
0x305: {  	v18 =	vsub.s32 v18, v19;
	_ =	sdelay $0x4  }
0x306: {  	v19 =	vld.idx.msk [tilespmem:v18+s18+$0x0], $0xffff;
	_ =	sdelay $0x4  }
0x307: {  	v21 =	vor.u32 $0x1, v18;
	vm3 =	vle.f32 v19, v15  }
0x308: {  	v17 =	vsel vm3, v21, v17;
	v16 =	vsel vm3, v16, v18  }
0x309: {  	v18 =	vxor.u32 v16, v17  }
0x30a: {  	v19 =	vand.u32 v16, v17;
	v18 =	vshrl.u32 v18, $0x1  }
0x30b: {  	v18 =	vadd.s32 v18, v19;
	_ =	sdelay $0x4  }
0x30c: {  	v19 =	vld.idx.msk [tilespmem:v18+s18+$0x0], $0xffff;
	_ =	sdelay $0x4  }
0x30d: {  	v22 =	vadd.s32 $0x1, v18;
	vm3 =	vle.f32 v19, v15  }
0x30e: {  	v17 =	vsel vm3, v22, v17;
	v16 =	vsel vm3, v16, v18  }
0x30f: {  	v18 =	vadd.s32 v16, v17  }
0x310: {  	v18 =	vshrl.u32 v18, $0x1;
	_ =	sdelay $0x4  }
0x311: {  	v23 =	vld.idx.msk [tilespmem:v18+s18+$0x0], $0xffff;
	_ =	sdelay $0x4  }
0x312: {  	v24 =	vadd.s32 $0x1, v18;
	vm3 =	vle.f32 v23, v15  }
0x313: {  	v17 =	vsel vm3, v24, v17;
	v16 =	vsel vm3, v16, v18  }
0x314: {  	v18 =	vadd.s32 v16, v17  }
0x315: {  	v18 =	vshrl.u32 v18, $0x1;
	_ =	sdelay $0x4  }
0x316: {  	v25 =	vld.idx.msk [tilespmem:v18+s18+$0x0], $0xffff;
	_ =	sdelay $0x4  }
0x317: {  	v26 =	vadd.s32 $0x1, v18;
	vm3 =	vle.f32 v25, v15  }
0x318: {  	v17 =	vsel vm3, v26, v17;
	v16 =	vsel vm3, v16, v18  }
0x319: {  	v18 =	vadd.s32 v16, v17  }
0x31a: {  	v18 =	vshrl.u32 v18, $0x1;
	_ =	sdelay $0x4  }
0x31b: {  	v27 =	vld.idx.msk [tilespmem:v18+s18+$0x0], $0xffff;
	_ =	sdelay $0x4  }
0x31c: {  	v28 =	vadd.s32 $0x1, v18;
	vm3 =	vle.f32 v27, v15  }
0x31d: {  	v17 =	vsel vm3, v28, v17;
	v16 =	vsel vm3, v16, v18  }
0x31e: {  	v18 =	vadd.s32 v16, v17  }
0x31f: {  	v18 =	vshrl.u32 v18, $0x1;
	_ =	sdelay $0x4  }
0x320: {  	v29 =	vld.idx.msk [tilespmem:v18+s18+$0x0], $0xffff;
	_ =	sdelay $0x4  }
0x321: {  	v30 =	vadd.s32 $0x1, v18;
	vm3 =	vle.f32 v29, v15  }
0x322: {  	v17 =	vsel vm3, v30, v17;
	v16 =	vsel vm3, v16, v18  }
0x323: {  	v18 =	vadd.s32 v16, v17  }
0x324: {  	v18 =	vshrl.u32 v18, $0x1;
	_ =	sdelay $0x4  }
0x325: {  	v31 =	vld.idx.msk [tilespmem:v18+s18+$0x0], $0xffff;
	_ =	sdelay $0x4  }
0x326: {  	v32 =	vadd.s32 $0x1, v18;
	vm3 =	vle.f32 v31, v15  }
0x327: {  	v17 =	vsel vm3, v32, v17;
	v16 =	vsel vm3, v16, v18  }
0x328: {  	v18 =	vadd.s32 v16, v17  }
0x329: {  	v18 =	vshrl.u32 v18, $0x1;
	_ =	sdelay $0x4  }
0x32a: {  	v33 =	vld.idx.msk [tilespmem:v18+s18+$0x0], $0xffff;
	_ =	sdelay $0x4  }
0x32b: {  	v34 =	vadd.s32 $0x1, v18;
	vm3 =	vle.f32 v33, v15  }
0x32c: {  	v17 =	vsel vm3, v34, v17;
	v16 =	vsel vm3, v16, v18  }
0x32d: {  	v18 =	vadd.s32 v16, v17  }
0x32e: {  	v18 =	vshrl.u32 v18, $0x1;
	_ =	sdelay $0x4  }
0x32f: {  	v35 =	vld.idx.msk [tilespmem:v18+s18+$0x0], $0xffff;
	_ =	sdelay $0x4  }
0x330: {  	v36 =	vadd.s32 $0x1, v18;
	vm3 =	vle.f32 v35, v15  }
0x331: {  	v17 =	vsel vm3, v36, v17;
	v16 =	vsel vm3, v16, v18  }
0x332: {  	v18 =	vadd.s32 v16, v17  }
0x333: {  	v18 =	vshrl.u32 v18, $0x1;
	_ =	sdelay $0x4  }
0x334: {  	v37 =	vld.idx.msk [tilespmem:v18+s18+$0x0], $0xffff;
	_ =	sdelay $0x4  }
0x335: {  	v38 =	vadd.s32 $0x1, v18;
	vm3 =	vle.f32 v37, v15  }
0x336: {  	v17 =	vsel vm3, v38, v17;
	v16 =	vsel vm3, v16, v18  }
0x337: {  	v16 =	vadd.s32 v16, v17  }
0x338: {  	v16 =	vshrl.u32 v16, $0x1;
	_ =	sdelay $0x4  }
0x339: {  	v39 =	vld.idx.msk [tilespmem:v16+s18+$0x0], $0xffff;
	_ =	sdelay $0x4  }
0x33a: {  	vm3 =	vle.f32 v39, v15;
	v15 =	vadd.s32 $0x1, v16  }
0x33b: {  	v15 =	vsel vm3, v15, v17  }
0x33c: {  	v15 =	vmin.u32 v15, $0x1FFF  }
0x33d: {  	[tilespmem:s29+$0x0] =	vst v15  }
0x33e: {  	v15 =	vld [tilespmem:s25+$0x10]  }
0x33f: {  	v40 =	vld.idx.msk [tilespmem:v13+s18+$0x0], $0xffff;
	_ =	sdelay $0x4  }
0x340: {  	vm3 =	vle.f32 v40, v15  }
0x341: {  	v16 =	vsel vm3, $0x1800, v14;
	_ =	sdelay $0x4  }
0x342: {  	v41 =	vld.idx.msk [tilespmem:v16+s18+$0x0], $0xffff;
	_ =	sdelay $0x4  }
0x343: {  	v42 =	vsel vm3, $0x2000, v13;
	vm15 =	vle.f32 v41, v15  }
0x344: {  	v43 =	vsel vm3, $0x1001, v0;
	v44 =	vor.u32 $0x1, v16;
	v16 =	vsel vm15, v42, v16  }
0x345: {  	v17 =	vsel vm15, v44, v43;
	v18 =	vadd.s32 $0xFFFFFFFF, v16  }
0x346: {  	v19 =	vxor.u32 v18, v17  }
0x347: {  	v18 =	vor.u32 v18, v17;
	v19 =	vshrl.u32 v19, $0x1  }
0x348: {  	v18 =	vsub.s32 v18, v19;
	_ =	sdelay $0x4  }
0x349: {  	v19 =	vld.idx.msk [tilespmem:v18+s18+$0x0], $0xffff;
	_ =	sdelay $0x4  }
0x34a: {  	v45 =	vor.u32 $0x1, v18;
	vm3 =	vle.f32 v19, v15  }
0x34b: {  	v17 =	vsel vm3, v45, v17;
	v16 =	vsel vm3, v16, v18  }
0x34c: {  	v18 =	vxor.u32 v16, v17  }
0x34d: {  	v19 =	vand.u32 v16, v17;
	v18 =	vshrl.u32 v18, $0x1  }
0x34e: {  	v18 =	vadd.s32 v18, v19;
	_ =	sdelay $0x4  }
0x34f: {  	v19 =	vld.idx.msk [tilespmem:v18+s18+$0x0], $0xffff;
	_ =	sdelay $0x4  }
0x350: {  	v46 =	vadd.s32 $0x1, v18;
	vm3 =	vle.f32 v19, v15  }
0x351: {  	v17 =	vsel vm3, v46, v17;
	v16 =	vsel vm3, v16, v18  }
0x352: {  	v18 =	vadd.s32 v16, v17  }
0x353: {  	v18 =	vshrl.u32 v18, $0x1;
	_ =	sdelay $0x4  }
0x354: {  	v47 =	vld.idx.msk [tilespmem:v18+s18+$0x0], $0xffff;
	_ =	sdelay $0x4  }
0x355: {  	v48 =	vadd.s32 $0x1, v18;
	vm3 =	vle.f32 v47, v15  }
0x356: {  	v17 =	vsel vm3, v48, v17;
	v16 =	vsel vm3, v16, v18  }
0x357: {  	v18 =	vadd.s32 v16, v17  }
0x358: {  	v18 =	vshrl.u32 v18, $0x1;
	_ =	sdelay $0x4  }
0x359: {  	v49 =	vld.idx.msk [tilespmem:v18+s18+$0x0], $0xffff;
	_ =	sdelay $0x4  }
0x35a: {  	v50 =	vadd.s32 $0x1, v18;
	vm3 =	vle.f32 v49, v15  }
0x35b: {  	v17 =	vsel vm3, v50, v17;
	v16 =	vsel vm3, v16, v18  }
0x35c: {  	v18 =	vadd.s32 v16, v17  }
0x35d: {  	v18 =	vshrl.u32 v18, $0x1;
	_ =	sdelay $0x4  }
0x35e: {  	v51 =	vld.idx.msk [tilespmem:v18+s18+$0x0], $0xffff;
	_ =	sdelay $0x4  }
0x35f: {  	v52 =	vadd.s32 $0x1, v18;
	vm3 =	vle.f32 v51, v15  }
0x360: {  	v17 =	vsel vm3, v52, v17;
	v16 =	vsel vm3, v16, v18  }
0x361: {  	v18 =	vadd.s32 v16, v17  }
0x362: {  	v18 =	vshrl.u32 v18, $0x1;
	_ =	sdelay $0x4  }
0x363: {  	v53 =	vld.idx.msk [tilespmem:v18+s18+$0x0], $0xffff;
	_ =	sdelay $0x4  }
0x364: {  	v54 =	vadd.s32 $0x1, v18;
	vm3 =	vle.f32 v53, v15  }
0x365: {  	v17 =	vsel vm3, v54, v17;
	v16 =	vsel vm3, v16, v18  }
0x366: {  	v18 =	vadd.s32 v16, v17  }
0x367: {  	v18 =	vshrl.u32 v18, $0x1;
	_ =	sdelay $0x4  }
0x368: {  	v55 =	vld.idx.msk [tilespmem:v18+s18+$0x0], $0xffff;
	_ =	sdelay $0x4  }
0x369: {  	v56 =	vadd.s32 $0x1, v18;
	vm3 =	vle.f32 v55, v15  }
0x36a: {  	v17 =	vsel vm3, v56, v17;
	v16 =	vsel vm3, v16, v18  }
0x36b: {  	v18 =	vadd.s32 v16, v17  }
0x36c: {  	v18 =	vshrl.u32 v18, $0x1;
	_ =	sdelay $0x4  }
0x36d: {  	v57 =	vld.idx.msk [tilespmem:v18+s18+$0x0], $0xffff;
	_ =	sdelay $0x4  }
0x36e: {  	v58 =	vadd.s32 $0x1, v18;
	vm3 =	vle.f32 v57, v15  }
0x36f: {  	v17 =	vsel vm3, v58, v17;
	v16 =	vsel vm3, v16, v18  }
0x370: {  	v18 =	vadd.s32 v16, v17  }
0x371: {  	v18 =	vshrl.u32 v18, $0x1;
	_ =	sdelay $0x4  }
0x372: {  	v59 =	vld.idx.msk [tilespmem:v18+s18+$0x0], $0xffff;
	_ =	sdelay $0x4  }
0x373: {  	v60 =	vadd.s32 $0x1, v18;
	vm3 =	vle.f32 v59, v15  }
0x374: {  	v17 =	vsel vm3, v60, v17;
	v16 =	vsel vm3, v16, v18  }
0x375: {  	v18 =	vadd.s32 v16, v17  }
0x376: {  	v18 =	vshrl.u32 v18, $0x1;
	_ =	sdelay $0x4  }
0x377: {  	v61 =	vld.idx.msk [tilespmem:v18+s18+$0x0], $0xffff;
	_ =	sdelay $0x4  }
0x378: {  	v62 =	vadd.s32 $0x1, v18;
	vm3 =	vle.f32 v61, v15  }
0x379: {  	v17 =	vsel vm3, v62, v17;
	v16 =	vsel vm3, v16, v18  }
0x37a: {  	v16 =	vadd.s32 v16, v17  }
0x37b: {  	v16 =	vshrl.u32 v16, $0x1;
	_ =	sdelay $0x4  }
0x37c: {  	v63 =	vld.idx.msk [tilespmem:v16+s18+$0x0], $0xffff;
	_ =	sdelay $0x1  }
0x37d: {  	s3 =	sadd.s32 $0x4, s3  }
0x37e: {  	p2 =	slt.u32 s3, $0x3FC  }
.Ltmp15:
0x37f: {  	_ = 	snop;
	(pc) =	sbr.rel @p2 .LBB2_22-.Ltmp15, $4  }
0x380: {  	vm3 =	vle.f32 v63, v15;
	v15 =	vadd.s32 $0x1, v16  }
0x381: {  	v15 =	vsel vm3, v15, v17  }
0x382: {  	v15 =	vmin.u32 v15, $0x1FFF  }
0x383: {  	s25 =	sadd.s32 $0x40, s25;
	[tilespmem:s29+$0x10] =	vst v15;
	s29 =	sadd.s32 $0x40, s29  }
.Ltmp16:
0x384: {  	_ = 	snop;
	(pc) =	sbr.rel .LBB2_23-.Ltmp16, $1  }
0x385: {  	_ =	sdelay $0x3  }
.LBB2_10:
.Ltmp17:
0x386: {  	(pc) =	sbr.rel .LBB2_14-.Ltmp17, $2  }
0x387: {  	_ =	sdelay $0x2  }
0x388: {  	vm5 =	veq.s32 v2, $0x0;
	s3 =	simm.s32 $0x4020  }
.LBB2_12:
.Ltmp18:
0x389: {  	(pc) =	sbr.rel .LBB2_14-.Ltmp18, $2  }
0x38a: {  	_ =	sdelay $0x2  }
0x38b: {  	vm5 =	veq.s32 v2, $0x0  }
.LBB2_25:
0x38c: {  	_ =	sfence.sel $0x180000  }
0x38d: {  	[bflag:$0x0] =	sbarrier.arrive $0xFFFF  }
0x38e: {  	_ =	strace $0x90000047  }
0x38f: {  	s0 =	stileid.u32;
	[bflag:$0x2] =	sbarrier.arrive $0xFFFF  }
0x390: {  	p0 =	sne.s32 s0, $0x0;
	s0 =	rddreg [dreg:$0x3]  }
0x391: {  	s0 =	sadd.s32 @!p0 $0x100000, s0  }
0x392: {  	[sflag:s0] =	ssyncadd.tile.s32 @!p0 $0x1;
	_ =	shalt  }
.Lfunc_end2:
_tile_overlayer_lowered:
.L_overlay_start_2:
0x393: {  	(tag) =	ssettag $0x2  }
0x394: {  	s0 =	rddreg [dreg:$0x0];
	s2 =	stileid.u32  }
0x395: {  	s1 =	rddreg [dreg:$0x1];
	p0 =	sne.s32 s2, $0x0  }
0x396: {  	s3 =	rddreg [dreg:$0x2];
	[bflag:$0x3] =	sbarrier.arrive $0xFFFF;
	s2 =	simm.s32 @!p0 $0x1C06  }
0x397: {  	[timem:s3], [sflag:s2] =	dma.local @!p0 [hbm:s0], s1  }
0x398: {  	s0 =	simm.s32 @!p0 $0x6  }
0x399: {  	_ =	swait.ge @!p0 [sflag:s0], s1  }
0x39a: {  	s1 =	ssub.s32 @!p0 $0x0, s1;
	[sflag:s0] =	ssyncset.done @!p0 $0x0  }
0x39b: {  	[sflag:s0] =	ssyncadd.s32 @!p0 s1  }
0x39c: {  	[bflag:$0x3] =	sbarrier.arrive $0xFFFF  }
0x39d: {  	_ =	shalt  }

</sc_bundles>
